<compile_context>
chip_gen: v7x
topology: tpu7x:2x2x1
jax: 0.10.2.dev20260603
libtpu: 0.0.44.dev20260713+nightly
codegen_flags: <defaults>
</compile_context>

<pallas_src>
import functools

import jax
import jax.numpy as jnp
from jax import lax
from jax.experimental import pallas as pl
from jax.experimental.pallas import tpu as pltpu
from jax.experimental.pallas import tpu_sc as plsc

VOCAB = 1000
VPAD = 1024
B, T = 1024, 50
N = B * T
NC, NS = 2, 16
NW = NC * NS
PER_W = N // NW
PER_B = B // NW
LG = VPAD // 128


def _mesh():
    return plsc.VectorSubcoreMesh(
        core_axis_name="c", subcore_axis_name="s", num_cores=NC, num_subcores=NS
    )


@functools.partial(
    pl.kernel,
    out_type=jax.ShapeDtypeStruct((B, T, VPAD), jnp.float32),
    mesh=_mesh(),
    scratch_types=[
        pltpu.VMEM((PER_W,), jnp.int32),
        pltpu.VMEM((1, T, VPAD), jnp.float32),
    ]
    + [pltpu.VMEM((16, 128), jnp.float32) for _ in range(LG)]
    + [pltpu.SemaphoreType.DMA],
)
def _gather_kernel(idx_hbm, t8_hbm, out_hbm, idx_v, acc, *rest):
    pieces = rest[:LG]
    gsem = rest[LG]
    cid = lax.axis_index("c")
    sid = lax.axis_index("s")
    wid = sid * NC + cid
    base_t = wid * PER_W
    base_b = wid * PER_B

    pltpu.sync_copy(idx_hbm.at[pl.ds(base_t, PER_W)], idx_v)

    def batch_body(b, _):
        copies = []
        for t0, tail in ((0, False), (16, False), (32, False), (34, True)):
            v = idx_v[pl.ds(50 * b + t0, 16)]
            p_base = (v >> 3) * 64 + (v & 7)
            if not tail:
                copies += [
                    pltpu.async_copy(
                        t8_hbm.at[p_base + l * 8],
                        acc.at[0, pl.ds(t0, 16), pl.ds(128 * l, 128)],
                        gsem,
                    )
                    for l in range(LG)
                ]
            else:
                copies += [
                    pltpu.async_copy(t8_hbm.at[p_base + l * 8], pieces[l], gsem)
                    for l in range(LG)
                ]
        for cp in copies:
            cp.wait()
        for j in (14, 15):
            t = 34 + j
            for l in range(LG):
                for k in range(8):
                    acc[0, t, pl.ds(128 * l + 16 * k, 16)] = pieces[l][
                        j, pl.ds(16 * k, 16)
                    ]
        pltpu.sync_copy(acc, out_hbm.at[pl.ds(base_b + b, 1)])
        return 0

    lax.fori_loop(0, PER_B, batch_body, 0)


def kernel(idx, table):
    flat_idx = idx.reshape(N).astype(jnp.int32)
    table_p = jnp.pad(table, ((0, 0), (0, VPAD - VOCAB)))
    t8 = (
        table_p.reshape(125, 8, 8, 128)
        .transpose(0, 2, 1, 3)
        .reshape(VOCAB * 8, 128)
    )
    out = _gather_kernel(flat_idx, t8)
    return out[:, :, :VOCAB]

# --- scband reference (transcript-rebuilt; emitter-appended) ---
"""Pipeline reference for scband-blm-84447646974071 (READ-ONLY COPY).

The authoritative reference and input builder live on the scoring server;
editing this copy changes nothing except your own understanding.
"""

import jax, jax.numpy as jnp
import numpy as np

VOCAB = 1000
B, T = 1024, 50

def setup_inputs(seed: int = 0) -> dict:
    key = jax.random.key(seed)
    k1, k2 = jax.random.split(key)
    idx = jax.random.randint(k1, (B, T), 0, VOCAB, dtype=jnp.int64 if jax.config.jax_enable_x64 else jnp.int32)
    table = jax.random.normal(k2, (VOCAB, VOCAB), dtype=jnp.float32)
    return {"idx": idx, "table": table}

def reference(idx, table):
    # BLM.forward with targets=None: tokens = token_embedding(idx); loss = None
    tokens = jnp.take(table, idx, axis=0)
    return tokens

if __name__ == "__main__":
    import jax
    _d = setup_inputs()
    print(jax.jit(kernel)(*tuple(_d.values())))

</pallas_src>

<mosaic_0001>
#map = affine_map<(d0, d1) -> (0)>
#map1 = affine_map<(d0, d1) -> (0, 0)>
#map2 = affine_map<(d0, d1) -> (0, 0, 0)>
module attributes {stable_mosaic.version = 14 : i64} {
  func.func @_gather_kernel(%arg0: i32, %arg1: i32, %arg2: memref<51200xi32, #tpu.memory_space<hbm>>, %arg3: memref<8000x128xf32, #tpu.memory_space<hbm>>, %arg4: memref<1024x50x1024xf32, #tpu.memory_space<hbm>>, %arg5: memref<1600xi32, #tpu.memory_space<vmem>>, %arg6: memref<1x50x1024xf32, #tpu.memory_space<vmem>>, %arg7: memref<16x128xf32, #tpu.memory_space<vmem>>, %arg8: memref<16x128xf32, #tpu.memory_space<vmem>>, %arg9: memref<16x128xf32, #tpu.memory_space<vmem>>, %arg10: memref<16x128xf32, #tpu.memory_space<vmem>>, %arg11: memref<16x128xf32, #tpu.memory_space<vmem>>, %arg12: memref<16x128xf32, #tpu.memory_space<vmem>>, %arg13: memref<16x128xf32, #tpu.memory_space<vmem>>, %arg14: memref<16x128xf32, #tpu.memory_space<vmem>>, %arg15: memref<!tpu.dma_semaphore, #tpu.memory_space<semaphore_mem>>) attributes {dimension_semantics = [#tpu.dimension_semantics<core_parallel>, #tpu.dimension_semantics<subcore_parallel>], iteration_bounds = array<i64: 2, 16>, scalar_prefetch = 0 : i64, scratch_operands = 11 : i64, tpu.core_type = #tpu.core_type<sc_vector_subcore>, window_params = [{transform_indices = #map}, {transform_indices = #map1}, {transform_indices = #map2}]} {
    %mul3A = arith.constant 2 : i32
    %mul3A_0 = arith.muli %arg1, %mul3A : i32
    %add3A = arith.addi %mul3A_0, %arg0 : i32
    %mul3A_1 = arith.constant 1600 : i32
    %mul3A_2 = arith.muli %add3A, %mul3A_1 : i32
    %mul3A_3 = arith.constant 32 : i32
    %mul3A_4 = arith.muli %add3A, %mul3A_3 : i32
    "tpu.region"() ({
      %run_scoped3A = tpu.sem_alloc : memref<!tpu.dma_semaphore, #tpu.memory_space<semaphore_mem>>
      %dma_start3A = tpu.memref_slice %arg2[%mul3A_2] : memref<51200xi32, #tpu.memory_space<hbm>> -> memref<1600xi32, #tpu.memory_space<hbm>>
      %dma_start3A_11 = tpu.memref_slice %arg2[%mul3A_2] : memref<51200xi32, #tpu.memory_space<hbm>> -> memref<1600xi32, #tpu.memory_space<hbm>>
      tpu.enqueue_dma source(%dma_start3A_11 : memref<1600xi32, #tpu.memory_space<hbm>>) target(%arg5 : memref<1600xi32, #tpu.memory_space<vmem>>) target_semaphore(%run_scoped3A : memref<!tpu.dma_semaphore, #tpu.memory_space<semaphore_mem>>)
      %dma_wait3A = tpu.memref_slice %arg2[%mul3A_2] : memref<51200xi32, #tpu.memory_space<hbm>> -> memref<1600xi32, #tpu.memory_space<hbm>>
      %dma_wait3A_12 = tpu.memref_slice %arg2[%mul3A_2] : memref<51200xi32, #tpu.memory_space<hbm>> -> memref<1600xi32, #tpu.memory_space<hbm>>
      tpu.wait_dma2 semaphore(%run_scoped3A : memref<!tpu.dma_semaphore, #tpu.memory_space<semaphore_mem>>) src(%dma_wait3A_12 : memref<1600xi32, #tpu.memory_space<hbm>>) dst(%arg5 : memref<1600xi32, #tpu.memory_space<vmem>>)
      tpu.yield
    }) : () -> ()
    %scan3A = arith.constant 0 : i32
    %scan3A_5 = arith.constant 0 : i32
    %scan3A_6 = arith.constant 32 : i32
    %scan3A_7 = arith.addi %scan3A_5, %scan3A_6 : i32
    %scan3A_8 = arith.constant 1 : i32
    %scan3A_9 = scf.for %scan3A_11 = %scan3A_5 to %scan3A_7 step %scan3A_8 iter_args(%scan3A_12 = %scan3A) -> (i32)  : i32 {
      %mul3A_13 = arith.constant 50 : i32
      %mul3A_14 = arith.muli %mul3A_13, %scan3A_11 : i32
      %add3A_15 = arith.constant 0 : i32
      %add3A_16 = arith.addi %mul3A_14, %add3A_15 : i32
      %get3A = arith.index_cast %add3A_16 : i32 to index
      %get3A_17 = tpu.vector_load %arg5[%get3A] {strides = array<i32>} : memref<1600xi32, #tpu.memory_space<vmem>>, vector<16xi32>,
      %get3A_18 = vector.shape_cast %get3A_17 : vector<16xi32> to vector<16xi32>
      %shift_right_arithmetic3A = arith.constant 3 : i32
      %shift_right_arithmetic3A_19 = vector.broadcast %shift_right_arithmetic3A : i32 to vector<16xi32>
      %shift_right_arithmetic3A_20 = arith.shrsi %get3A_18, %shift_right_arithmetic3A_19 : vector<16xi32>
      %mul3A_21 = arith.constant 64 : i32
      %mul3A_22 = vector.broadcast %mul3A_21 : i32 to vector<16xi32>
      %mul3A_23 = arith.muli %shift_right_arithmetic3A_20, %mul3A_22 : vector<16xi32>
      %and3A = arith.constant 7 : i32
      %and3A_24 = vector.broadcast %and3A : i32 to vector<16xi32>
      %and3A_25 = arith.andi %get3A_18, %and3A_24 : vector<16xi32>
      %add3A_26 = arith.addi %mul3A_23, %and3A_25 : vector<16xi32>
      %add3A_27 = arith.constant 0 : i32
      %add3A_28 = vector.broadcast %add3A_27 : i32 to vector<16xi32>
      %add3A_29 = arith.addi %add3A_26, %add3A_28 : vector<16xi32>
      %dma_start3A = arith.constant 0 : i32
      %dma_start3A_30 = arith.constant 0 : i32
      %dma_start3A_31 = arith.constant 0 : i32
      %dma_start3A_32 = tpu.memref_slice %arg6[%dma_start3A, %dma_start3A_30, %dma_start3A_31] : memref<1x50x1024xf32, #tpu.memory_space<vmem>> -> memref<1x16x128xf32, #tpu.memory_space<vmem>>
      %dma_start3A_33 = tpu.memref_squeeze %dma_start3A_32 : memref<1x16x128xf32, #tpu.memory_space<vmem>> -> memref<16x128xf32, #tpu.memory_space<vmem>>
      %dma_start3A_34 = arith.constant 0 : i32
      %dma_start3A_35 = arith.constant 0 : i32
      %dma_start3A_36 = tpu.memref_slice %arg3[%dma_start3A_34, %dma_start3A_35] : memref<8000x128xf32, #tpu.memory_space<hbm>> -> memref<8000x128xf32, #tpu.memory_space<hbm>>
      tpu.enqueue_indirect_dma source(%dma_start3A_36 : memref<8000x128xf32, #tpu.memory_space<hbm>>) target(%dma_start3A_33 : memref<16x128xf32, #tpu.memory_space<vmem>>) offsets(%add3A_29 : vector<16xi32>) semaphore(%arg15 : memref<!tpu.dma_semaphore, #tpu.memory_space<semaphore_mem>>)
      %add3A_37 = arith.constant 8 : i32
      %add3A_38 = vector.broadcast %add3A_37 : i32 to vector<16xi32>
      %add3A_39 = arith.addi %add3A_26, %add3A_38 : vector<16xi32>
      %dma_start3A_40 = arith.constant 0 : i32
      %dma_start3A_41 = arith.constant 0 : i32
      %dma_start3A_42 = arith.constant 128 : i32
      %dma_start3A_43 = tpu.memref_slice %arg6[%dma_start3A_40, %dma_start3A_41, %dma_start3A_42] : memref<1x50x1024xf32, #tpu.memory_space<vmem>> -> memref<1x16x128xf32, #tpu.memory_space<vmem>>
      %dma_start3A_44 = tpu.memref_squeeze %dma_start3A_43 : memref<1x16x128xf32, #tpu.memory_space<vmem>> -> memref<16x128xf32, #tpu.memory_space<vmem>>
      %dma_start3A_45 = arith.constant 0 : i32
      %dma_start3A_46 = arith.constant 0 : i32
      %dma_start3A_47 = tpu.memref_slice %arg3[%dma_start3A_45, %dma_start3A_46] : memref<8000x128xf32, #tpu.memory_space<hbm>> -> memref<8000x128xf32, #tpu.memory_space<hbm>>
      tpu.enqueue_indirect_dma source(%dma_start3A_47 : memref<8000x128xf32, #tpu.memory_space<hbm>>) target(%dma_start3A_44 : memref<16x128xf32, #tpu.memory_space<vmem>>) offsets(%add3A_39 : vector<16xi32>) semaphore(%arg15 : memref<!tpu.dma_semaphore, #tpu.memory_space<semaphore_mem>>)
      %add3A_48 = arith.constant 16 : i32
      %add3A_49 = vector.broadcast %add3A_48 : i32 to vector<16xi32>
      %add3A_50 = arith.addi %add3A_26, %add3A_49 : vector<16xi32>
      %dma_start3A_51 = arith.constant 0 : i32
      %dma_start3A_52 = arith.constant 0 : i32
      %dma_start3A_53 = arith.constant 256 : i32
      %dma_start3A_54 = tpu.memref_slice %arg6[%dma_start3A_51, %dma_start3A_52, %dma_start3A_53] : memref<1x50x1024xf32, #tpu.memory_space<vmem>> -> memref<1x16x128xf32, #tpu.memory_space<vmem>>
      %dma_start3A_55 = tpu.memref_squeeze %dma_start3A_54 : memref<1x16x128xf32, #tpu.memory_space<vmem>> -> memref<16x128xf32, #tpu.memory_space<vmem>>
      %dma_start3A_56 = arith.constant 0 : i32
      %dma_start3A_57 = arith.constant 0 : i32
      %dma_start3A_58 = tpu.memref_slice %arg3[%dma_start3A_56, %dma_start3A_57] : memref<8000x128xf32, #tpu.memory_space<hbm>> -> memref<8000x128xf32, #tpu.memory_space<hbm>>
      tpu.enqueue_indirect_dma source(%dma_start3A_58 : memref<8000x128xf32, #tpu.memory_space<hbm>>) target(%dma_start3A_55 : memref<16x128xf32, #tpu.memory_space<vmem>>) offsets(%add3A_50 : vector<16xi32>) semaphore(%arg15 : memref<!tpu.dma_semaphore, #tpu.memory_space<semaphore_mem>>)
      %add3A_59 = arith.constant 24 : i32
      %add3A_60 = vector.broadcast %add3A_59 : i32 to vector<16xi32>
      %add3A_61 = arith.addi %add3A_26, %add3A_60 : vector<16xi32>
      %dma_start3A_62 = arith.constant 0 : i32
      %dma_start3A_63 = arith.constant 0 : i32
      %dma_start3A_64 = arith.constant 384 : i32
      %dma_start3A_65 = tpu.memref_slice %arg6[%dma_start3A_62, %dma_start3A_63, %dma_start3A_64] : memref<1x50x1024xf32, #tpu.memory_space<vmem>> -> memref<1x16x128xf32, #tpu.memory_space<vmem>>
      %dma_start3A_66 = tpu.memref_squeeze %dma_start3A_65 : memref<1x16x128xf32, #tpu.memory_space<vmem>> -> memref<16x128xf32, #tpu.memory_space<vmem>>
      %dma_start3A_67 = arith.constant 0 : i32
      %dma_start3A_68 = arith.constant 0 : i32
      %dma_start3A_69 = tpu.memref_slice %arg3[%dma_start3A_67, %dma_start3A_68] : memref<8000x128xf32, #tpu.memory_space<hbm>> -> memref<8000x128xf32, #tpu.memory_space<hbm>>
      tpu.enqueue_indirect_dma source(%dma_start3A_69 : memref<8000x128xf32, #tpu.memory_space<hbm>>) target(%dma_start3A_66 : memref<16x128xf32, #tpu.memory_space<vmem>>) offsets(%add3A_61 : vector<16xi32>) semaphore(%arg15 : memref<!tpu.dma_semaphore, #tpu.memory_space<semaphore_mem>>)
      %add3A_70 = arith.constant 32 : i32
      %add3A_71 = vector.broadcast %add3A_70 : i32 to vector<16xi32>
      %add3A_72 = arith.addi %add3A_26, %add3A_71 : vector<16xi32>
      %dma_start3A_73 = arith.constant 0 : i32
      %dma_start3A_74 = arith.constant 0 : i32
      %dma_start3A_75 = arith.constant 512 : i32
      %dma_start3A_76 = tpu.memref_slice %arg6[%dma_start3A_73, %dma_start3A_74, %dma_start3A_75] : memref<1x50x1024xf32, #tpu.memory_space<vmem>> -> memref<1x16x128xf32, #tpu.memory_space<vmem>>
      %dma_start3A_77 = tpu.memref_squeeze %dma_start3A_76 : memref<1x16x128xf32, #tpu.memory_space<vmem>> -> memref<16x128xf32, #tpu.memory_space<vmem>>
      %dma_start3A_78 = arith.constant 0 : i32
      %dma_start3A_79 = arith.constant 0 : i32
      %dma_start3A_80 = tpu.memref_slice %arg3[%dma_start3A_78, %dma_start3A_79] : memref<8000x128xf32, #tpu.memory_space<hbm>> -> memref<8000x128xf32, #tpu.memory_space<hbm>>
      tpu.enqueue_indirect_dma source(%dma_start3A_80 : memref<8000x128xf32, #tpu.memory_space<hbm>>) target(%dma_start3A_77 : memref<16x128xf32, #tpu.memory_space<vmem>>) offsets(%add3A_72 : vector<16xi32>) semaphore(%arg15 : memref<!tpu.dma_semaphore, #tpu.memory_space<semaphore_mem>>)
      %add3A_81 = arith.constant 40 : i32
      %add3A_82 = vector.broadcast %add3A_81 : i32 to vector<16xi32>
      %add3A_83 = arith.addi %add3A_26, %add3A_82 : vector<16xi32>
      %dma_start3A_84 = arith.constant 0 : i32
      %dma_start3A_85 = arith.constant 0 : i32
      %dma_start3A_86 = arith.constant 640 : i32
      %dma_start3A_87 = tpu.memref_slice %arg6[%dma_start3A_84, %dma_start3A_85, %dma_start3A_86] : memref<1x50x1024xf32, #tpu.memory_space<vmem>> -> memref<1x16x128xf32, #tpu.memory_space<vmem>>
      %dma_start3A_88 = tpu.memref_squeeze %dma_start3A_87 : memref<1x16x128xf32, #tpu.memory_space<vmem>> -> memref<16x128xf32, #tpu.memory_space<vmem>>
      %dma_start3A_89 = arith.constant 0 : i32
      %dma_start3A_90 = arith.constant 0 : i32
      %dma_start3A_91 = tpu.memref_slice %arg3[%dma_start3A_89, %dma_start3A_90] : memref<8000x128xf32, #tpu.memory_space<hbm>> -> memref<8000x128xf32, #tpu.memory_space<hbm>>
      tpu.enqueue_indirect_dma source(%dma_start3A_91 : memref<8000x128xf32, #tpu.memory_space<hbm>>) target(%dma_start3A_88 : memref<16x128xf32, #tpu.memory_space<vmem>>) offsets(%add3A_83 : vector<16xi32>) semaphore(%arg15 : memref<!tpu.dma_semaphore, #tpu.memory_space<semaphore_mem>>)
      %add3A_92 = arith.constant 48 : i32
      %add3A_93 = vector.broadcast %add3A_92 : i32 to vector<16xi32>
      %add3A_94 = arith.addi %add3A_26, %add3A_93 : vector<16xi32>
      %dma_start3A_95 = arith.constant 0 : i32
      %dma_start3A_96 = arith.constant 0 : i32
      %dma_start3A_97 = arith.constant 768 : i32
      %dma_start3A_98 = tpu.memref_slice %arg6[%dma_start3A_95, %dma_start3A_96, %dma_start3A_97] : memref<1x50x1024xf32, #tpu.memory_space<vmem>> -> memref<1x16x128xf32, #tpu.memory_space<vmem>>
      %dma_start3A_99 = tpu.memref_squeeze %dma_start3A_98 : memref<1x16x128xf32, #tpu.memory_space<vmem>> -> memref<16x128xf32, #tpu.memory_space<vmem>>
      %dma_start3A_100 = arith.constant 0 : i32
      %dma_start3A_101 = arith.constant 0 : i32
      %dma_start3A_102 = tpu.memref_slice %arg3[%dma_start3A_100, %dma_start3A_101] : memref<8000x128xf32, #tpu.memory_space<hbm>> -> memref<8000x128xf32, #tpu.memory_space<hbm>>
      tpu.enqueue_indirect_dma source(%dma_start3A_102 : memref<8000x128xf32, #tpu.memory_space<hbm>>) target(%dma_start3A_99 : memref<16x128xf32, #tpu.memory_space<vmem>>) offsets(%add3A_94 : vector<16xi32>) semaphore(%arg15 : memref<!tpu.dma_semaphore, #tpu.memory_space<semaphore_mem>>)
      %add3A_103 = arith.constant 56 : i32
      %add3A_104 = vector.broadcast %add3A_103 : i32 to vector<16xi32>
      %add3A_105 = arith.addi %add3A_26, %add3A_104 : vector<16xi32>
      %dma_start3A_106 = arith.constant 0 : i32
      %dma_start3A_107 = arith.constant 0 : i32
      %dma_start3A_108 = arith.constant 896 : i32
      %dma_start3A_109 = tpu.memref_slice %arg6[%dma_start3A_106, %dma_start3A_107, %dma_start3A_108] : memref<1x50x1024xf32, #tpu.memory_space<vmem>> -> memref<1x16x128xf32, #tpu.memory_space<vmem>>
      %dma_start3A_110 = tpu.memref_squeeze %dma_start3A_109 : memref<1x16x128xf32, #tpu.memory_space<vmem>> -> memref<16x128xf32, #tpu.memory_space<vmem>>
      %dma_start3A_111 = arith.constant 0 : i32
      %dma_start3A_112 = arith.constant 0 : i32
      %dma_start3A_113 = tpu.memref_slice %arg3[%dma_start3A_111, %dma_start3A_112] : memref<8000x128xf32, #tpu.memory_space<hbm>> -> memref<8000x128xf32, #tpu.memory_space<hbm>>
      tpu.enqueue_indirect_dma source(%dma_start3A_113 : memref<8000x128xf32, #tpu.memory_space<hbm>>) target(%dma_start3A_110 : memref<16x128xf32, #tpu.memory_space<vmem>>) offsets(%add3A_105 : vector<16xi32>) semaphore(%arg15 : memref<!tpu.dma_semaphore, #tpu.memory_space<semaphore_mem>>)
      %mul3A_114 = arith.constant 50 : i32
      %mul3A_115 = arith.muli %mul3A_114, %scan3A_11 : i32
      %add3A_116 = arith.constant 16 : i32
      %add3A_117 = arith.addi %mul3A_115, %add3A_116 : i32
      %get3A_118 = arith.index_cast %add3A_117 : i32 to index
      %get3A_119 = tpu.vector_load %arg5[%get3A_118] {strides = array<i32>} : memref<1600xi32, #tpu.memory_space<vmem>>, vector<16xi32>,
      %get3A_120 = vector.shape_cast %get3A_119 : vector<16xi32> to vector<16xi32>
      %shift_right_arithmetic3A_121 = arith.constant 3 : i32
      %shift_right_arithmetic3A_122 = vector.broadcast %shift_right_arithmetic3A_121 : i32 to vector<16xi32>
      %shift_right_arithmetic3A_123 = arith.shrsi %get3A_120, %shift_right_arithmetic3A_122 : vector<16xi32>
      %mul3A_124 = arith.constant 64 : i32
      %mul3A_125 = vector.broadcast %mul3A_124 : i32 to vector<16xi32>
      %mul3A_126 = arith.muli %shift_right_arithmetic3A_123, %mul3A_125 : vector<16xi32>
      %and3A_127 = arith.constant 7 : i32
      %and3A_128 = vector.broadcast %and3A_127 : i32 to vector<16xi32>
      %and3A_129 = arith.andi %get3A_120, %and3A_128 : vector<16xi32>
      %add3A_130 = arith.addi %mul3A_126, %and3A_129 : vector<16xi32>
      %add3A_131 = arith.constant 0 : i32
      %add3A_132 = vector.broadcast %add3A_131 : i32 to vector<16xi32>
      %add3A_133 = arith.addi %add3A_130, %add3A_132 : vector<16xi32>
      %dma_start3A_134 = arith.constant 0 : i32
      %dma_start3A_135 = arith.constant 16 : i32
      %dma_start3A_136 = arith.constant 0 : i32
      %dma_start3A_137 = tpu.memref_slice %arg6[%dma_start3A_134, %dma_start3A_135, %dma_start3A_136] : memref<1x50x1024xf32, #tpu.memory_space<vmem>> -> memref<1x16x128xf32, #tpu.memory_space<vmem>>
      %dma_start3A_138 = tpu.memref_squeeze %dma_start3A_137 : memref<1x16x128xf32, #tpu.memory_space<vmem>> -> memref<16x128xf32, #tpu.memory_space<vmem>>
      %dma_start3A_139 = arith.constant 0 : i32
      %dma_start3A_140 = arith.constant 0 : i32
      %dma_start3A_141 = tpu.memref_slice %arg3[%dma_start3A_139, %dma_start3A_140] : memref<8000x128xf32, #tpu.memory_space<hbm>> -> memref<8000x128xf32, #tpu.memory_space<hbm>>
      tpu.enqueue_indirect_dma source(%dma_start3A_141 : memref<8000x128xf32, #tpu.memory_space<hbm>>) target(%dma_start3A_138 : memref<16x128xf32, #tpu.memory_space<vmem>>) offsets(%add3A_133 : vector<16xi32>) semaphore(%arg15 : memref<!tpu.dma_semaphore, #tpu.memory_space<semaphore_mem>>)
      %add3A_142 = arith.constant 8 : i32
      %add3A_143 = vector.broadcast %add3A_142 : i32 to vector<16xi32>
      %add3A_144 = arith.addi %add3A_130, %add3A_143 : vector<16xi32>
      %dma_start3A_145 = arith.constant 0 : i32
      %dma_start3A_146 = arith.constant 16 : i32
      %dma_start3A_147 = arith.constant 128 : i32
      %dma_start3A_148 = tpu.memref_slice %arg6[%dma_start3A_145, %dma_start3A_146, %dma_start3A_147] : memref<1x50x1024xf32, #tpu.memory_space<vmem>> -> memref<1x16x128xf32, #tpu.memory_space<vmem>>
      %dma_start3A_149 = tpu.memref_squeeze %dma_start3A_148 : memref<1x16x128xf32, #tpu.memory_space<vmem>> -> memref<16x128xf32, #tpu.memory_space<vmem>>
      %dma_start3A_150 = arith.constant 0 : i32
      %dma_start3A_151 = arith.constant 0 : i32
      %dma_start3A_152 = tpu.memref_slice %arg3[%dma_start3A_150, %dma_start3A_151] : memref<8000x128xf32, #tpu.memory_space<hbm>> -> memref<8000x128xf32, #tpu.memory_space<hbm>>
      tpu.enqueue_indirect_dma source(%dma_start3A_152 : memref<8000x128xf32, #tpu.memory_space<hbm>>) target(%dma_start3A_149 : memref<16x128xf32, #tpu.memory_space<vmem>>) offsets(%add3A_144 : vector<16xi32>) semaphore(%arg15 : memref<!tpu.dma_semaphore, #tpu.memory_space<semaphore_mem>>)
      %add3A_153 = arith.constant 16 : i32
      %add3A_154 = vector.broadcast %add3A_153 : i32 to vector<16xi32>
      %add3A_155 = arith.addi %add3A_130, %add3A_154 : vector<16xi32>
      %dma_start3A_156 = arith.constant 0 : i32
      %dma_start3A_157 = arith.constant 16 : i32
      %dma_start3A_158 = arith.constant 256 : i32
      %dma_start3A_159 = tpu.memref_slice %arg6[%dma_start3A_156, %dma_start3A_157, %dma_start3A_158] : memref<1x50x1024xf32, #tpu.memory_space<vmem>> -> memref<1x16x128xf32, #tpu.memory_space<vmem>>
      %dma_start3A_160 = tpu.memref_squeeze %dma_start3A_159 : memref<1x16x128xf32, #tpu.memory_space<vmem>> -> memref<16x128xf32, #tpu.memory_space<vmem>>
      %dma_start3A_161 = arith.constant 0 : i32
      %dma_start3A_162 = arith.constant 0 : i32
      %dma_start3A_163 = tpu.memref_slice %arg3[%dma_start3A_161, %dma_start3A_162] : memref<8000x128xf32, #tpu.memory_space<hbm>> -> memref<8000x128xf32, #tpu.memory_space<hbm>>
      tpu.enqueue_indirect_dma source(%dma_start3A_163 : memref<8000x128xf32, #tpu.memory_space<hbm>>) target(%dma_start3A_160 : memref<16x128xf32, #tpu.memory_space<vmem>>) offsets(%add3A_155 : vector<16xi32>) semaphore(%arg15 : memref<!tpu.dma_semaphore, #tpu.memory_space<semaphore_mem>>)
      %add3A_164 = arith.constant 24 : i32
      %add3A_165 = vector.broadcast %add3A_164 : i32 to vector<16xi32>
      %add3A_166 = arith.addi %add3A_130, %add3A_165 : vector<16xi32>
      %dma_start3A_167 = arith.constant 0 : i32
      %dma_start3A_168 = arith.constant 16 : i32
      %dma_start3A_169 = arith.constant 384 : i32
      %dma_start3A_170 = tpu.memref_slice %arg6[%dma_start3A_167, %dma_start3A_168, %dma_start3A_169] : memref<1x50x1024xf32, #tpu.memory_space<vmem>> -> memref<1x16x128xf32, #tpu.memory_space<vmem>>
      %dma_start3A_171 = tpu.memref_squeeze %dma_start3A_170 : memref<1x16x128xf32, #tpu.memory_space<vmem>> -> memref<16x128xf32, #tpu.memory_space<vmem>>
      %dma_start3A_172 = arith.constant 0 : i32
      %dma_start3A_173 = arith.constant 0 : i32
      %dma_start3A_174 = tpu.memref_slice %arg3[%dma_start3A_172, %dma_start3A_173] : memref<8000x128xf32, #tpu.memory_space<hbm>> -> memref<8000x128xf32, #tpu.memory_space<hbm>>
      tpu.enqueue_indirect_dma source(%dma_start3A_174 : memref<8000x128xf32, #tpu.memory_space<hbm>>) target(%dma_start3A_171 : memref<16x128xf32, #tpu.memory_space<vmem>>) offsets(%add3A_166 : vector<16xi32>) semaphore(%arg15 : memref<!tpu.dma_semaphore, #tpu.memory_space<semaphore_mem>>)
      %add3A_175 = arith.constant 32 : i32
      %add3A_176 = vector.broadcast %add3A_175 : i32 to vector<16xi32>
      %add3A_177 = arith.addi %add3A_130, %add3A_176 : vector<16xi32>
      %dma_start3A_178 = arith.constant 0 : i32
      %dma_start3A_179 = arith.constant 16 : i32
      %dma_start3A_180 = arith.constant 512 : i32
      %dma_start3A_181 = tpu.memref_slice %arg6[%dma_start3A_178, %dma_start3A_179, %dma_start3A_180] : memref<1x50x1024xf32, #tpu.memory_space<vmem>> -> memref<1x16x128xf32, #tpu.memory_space<vmem>>
      %dma_start3A_182 = tpu.memref_squeeze %dma_start3A_181 : memref<1x16x128xf32, #tpu.memory_space<vmem>> -> memref<16x128xf32, #tpu.memory_space<vmem>>
      %dma_start3A_183 = arith.constant 0 : i32
      %dma_start3A_184 = arith.constant 0 : i32
      %dma_start3A_185 = tpu.memref_slice %arg3[%dma_start3A_183, %dma_start3A_184] : memref<8000x128xf32, #tpu.memory_space<hbm>> -> memref<8000x128xf32, #tpu.memory_space<hbm>>
      tpu.enqueue_indirect_dma source(%dma_start3A_185 : memref<8000x128xf32, #tpu.memory_space<hbm>>) target(%dma_start3A_182 : memref<16x128xf32, #tpu.memory_space<vmem>>) offsets(%add3A_177 : vector<16xi32>) semaphore(%arg15 : memref<!tpu.dma_semaphore, #tpu.memory_space<semaphore_mem>>)
      %add3A_186 = arith.constant 40 : i32
      %add3A_187 = vector.broadcast %add3A_186 : i32 to vector<16xi32>
      %add3A_188 = arith.addi %add3A_130, %add3A_187 : vector<16xi32>
      %dma_start3A_189 = arith.constant 0 : i32
      %dma_start3A_190 = arith.constant 16 : i32
      %dma_start3A_191 = arith.constant 640 : i32
      %dma_start3A_192 = tpu.memref_slice %arg6[%dma_start3A_189, %dma_start3A_190, %dma_start3A_191] : memref<1x50x1024xf32, #tpu.memory_space<vmem>> -> memref<1x16x128xf32, #tpu.memory_space<vmem>>
      %dma_start3A_193 = tpu.memref_squeeze %dma_start3A_192 : memref<1x16x128xf32, #tpu.memory_space<vmem>> -> memref<16x128xf32, #tpu.memory_space<vmem>>
      %dma_start3A_194 = arith.constant 0 : i32
      %dma_start3A_195 = arith.constant 0 : i32
      %dma_start3A_196 = tpu.memref_slice %arg3[%dma_start3A_194, %dma_start3A_195] : memref<8000x128xf32, #tpu.memory_space<hbm>> -> memref<8000x128xf32, #tpu.memory_space<hbm>>
      tpu.enqueue_indirect_dma source(%dma_start3A_196 : memref<8000x128xf32, #tpu.memory_space<hbm>>) target(%dma_start3A_193 : memref<16x128xf32, #tpu.memory_space<vmem>>) offsets(%add3A_188 : vector<16xi32>) semaphore(%arg15 : memref<!tpu.dma_semaphore, #tpu.memory_space<semaphore_mem>>)
      %add3A_197 = arith.constant 48 : i32
      %add3A_198 = vector.broadcast %add3A_197 : i32 to vector<16xi32>
      %add3A_199 = arith.addi %add3A_130, %add3A_198 : vector<16xi32>
      %dma_start3A_200 = arith.constant 0 : i32
      %dma_start3A_201 = arith.constant 16 : i32
      %dma_start3A_202 = arith.constant 768 : i32
      %dma_start3A_203 = tpu.memref_slice %arg6[%dma_start3A_200, %dma_start3A_201, %dma_start3A_202] : memref<1x50x1024xf32, #tpu.memory_space<vmem>> -> memref<1x16x128xf32, #tpu.memory_space<vmem>>
      %dma_start3A_204 = tpu.memref_squeeze %dma_start3A_203 : memref<1x16x128xf32, #tpu.memory_space<vmem>> -> memref<16x128xf32, #tpu.memory_space<vmem>>
      %dma_start3A_205 = arith.constant 0 : i32
      %dma_start3A_206 = arith.constant 0 : i32
      %dma_start3A_207 = tpu.memref_slice %arg3[%dma_start3A_205, %dma_start3A_206] : memref<8000x128xf32, #tpu.memory_space<hbm>> -> memref<8000x128xf32, #tpu.memory_space<hbm>>
      tpu.enqueue_indirect_dma source(%dma_start3A_207 : memref<8000x128xf32, #tpu.memory_space<hbm>>) target(%dma_start3A_204 : memref<16x128xf32, #tpu.memory_space<vmem>>) offsets(%add3A_199 : vector<16xi32>) semaphore(%arg15 : memref<!tpu.dma_semaphore, #tpu.memory_space<semaphore_mem>>)
      %add3A_208 = arith.constant 56 : i32
      %add3A_209 = vector.broadcast %add3A_208 : i32 to vector<16xi32>
      %add3A_210 = arith.addi %add3A_130, %add3A_209 : vector<16xi32>
      %dma_start3A_211 = arith.constant 0 : i32
      %dma_start3A_212 = arith.constant 16 : i32
      %dma_start3A_213 = arith.constant 896 : i32
      %dma_start3A_214 = tpu.memref_slice %arg6[%dma_start3A_211, %dma_start3A_212, %dma_start3A_213] : memref<1x50x1024xf32, #tpu.memory_space<vmem>> -> memref<1x16x128xf32, #tpu.memory_space<vmem>>
      %dma_start3A_215 = tpu.memref_squeeze %dma_start3A_214 : memref<1x16x128xf32, #tpu.memory_space<vmem>> -> memref<16x128xf32, #tpu.memory_space<vmem>>
      %dma_start3A_216 = arith.constant 0 : i32
      %dma_start3A_217 = arith.constant 0 : i32
      %dma_start3A_218 = tpu.memref_slice %arg3[%dma_start3A_216, %dma_start3A_217] : memref<8000x128xf32, #tpu.memory_space<hbm>> -> memref<8000x128xf32, #tpu.memory_space<hbm>>
      tpu.enqueue_indirect_dma source(%dma_start3A_218 : memref<8000x128xf32, #tpu.memory_space<hbm>>) target(%dma_start3A_215 : memref<16x128xf32, #tpu.memory_space<vmem>>) offsets(%add3A_210 : vector<16xi32>) semaphore(%arg15 : memref<!tpu.dma_semaphore, #tpu.memory_space<semaphore_mem>>)
      %mul3A_219 = arith.constant 50 : i32
      %mul3A_220 = arith.muli %mul3A_219, %scan3A_11 : i32
      %add3A_221 = arith.constant 32 : i32
      %add3A_222 = arith.addi %mul3A_220, %add3A_221 : i32
      %get3A_223 = arith.index_cast %add3A_222 : i32 to index
      %get3A_224 = tpu.vector_load %arg5[%get3A_223] {strides = array<i32>} : memref<1600xi32, #tpu.memory_space<vmem>>, vector<16xi32>,
      %get3A_225 = vector.shape_cast %get3A_224 : vector<16xi32> to vector<16xi32>
      %shift_right_arithmetic3A_226 = arith.constant 3 : i32
      %shift_right_arithmetic3A_227 = vector.broadcast %shift_right_arithmetic3A_226 : i32 to vector<16xi32>
      %shift_right_arithmetic3A_228 = arith.shrsi %get3A_225, %shift_right_arithmetic3A_227 : vector<16xi32>
      %mul3A_229 = arith.constant 64 : i32
      %mul3A_230 = vector.broadcast %mul3A_229 : i32 to vector<16xi32>
      %mul3A_231 = arith.muli %shift_right_arithmetic3A_228, %mul3A_230 : vector<16xi32>
      %and3A_232 = arith.constant 7 : i32
      %and3A_233 = vector.broadcast %and3A_232 : i32 to vector<16xi32>
      %and3A_234 = arith.andi %get3A_225, %and3A_233 : vector<16xi32>
      %add3A_235 = arith.addi %mul3A_231, %and3A_234 : vector<16xi32>
      %add3A_236 = arith.constant 0 : i32
      %add3A_237 = vector.broadcast %add3A_236 : i32 to vector<16xi32>
      %add3A_238 = arith.addi %add3A_235, %add3A_237 : vector<16xi32>
      %dma_start3A_239 = arith.constant 0 : i32
      %dma_start3A_240 = arith.constant 32 : i32
      %dma_start3A_241 = arith.constant 0 : i32
      %dma_start3A_242 = tpu.memref_slice %arg6[%dma_start3A_239, %dma_start3A_240, %dma_start3A_241] : memref<1x50x1024xf32, #tpu.memory_space<vmem>> -> memref<1x16x128xf32, #tpu.memory_space<vmem>>
      %dma_start3A_243 = tpu.memref_squeeze %dma_start3A_242 : memref<1x16x128xf32, #tpu.memory_space<vmem>> -> memref<16x128xf32, #tpu.memory_space<vmem>>
      %dma_start3A_244 = arith.constant 0 : i32
      %dma_start3A_245 = arith.constant 0 : i32
      %dma_start3A_246 = tpu.memref_slice %arg3[%dma_start3A_244, %dma_start3A_245] : memref<8000x128xf32, #tpu.memory_space<hbm>> -> memref<8000x128xf32, #tpu.memory_space<hbm>>
      tpu.enqueue_indirect_dma source(%dma_start3A_246 : memref<8000x128xf32, #tpu.memory_space<hbm>>) target(%dma_start3A_243 : memref<16x128xf32, #tpu.memory_space<vmem>>) offsets(%add3A_238 : vector<16xi32>) semaphore(%arg15 : memref<!tpu.dma_semaphore, #tpu.memory_space<semaphore_mem>>)
      %add3A_247 = arith.constant 8 : i32
      %add3A_248 = vector.broadcast %add3A_247 : i32 to vector<16xi32>
      %add3A_249 = arith.addi %add3A_235, %add3A_248 : vector<16xi32>
      %dma_start3A_250 = arith.constant 0 : i32
      %dma_start3A_251 = arith.constant 32 : i32
      %dma_start3A_252 = arith.constant 128 : i32
      %dma_start3A_253 = tpu.memref_slice %arg6[%dma_start3A_250, %dma_start3A_251, %dma_start3A_252] : memref<1x50x1024xf32, #tpu.memory_space<vmem>> -> memref<1x16x128xf32, #tpu.memory_space<vmem>>
      %dma_start3A_254 = tpu.memref_squeeze %dma_start3A_253 : memref<1x16x128xf32, #tpu.memory_space<vmem>> -> memref<16x128xf32, #tpu.memory_space<vmem>>
      %dma_start3A_255 = arith.constant 0 : i32
      %dma_start3A_256 = arith.constant 0 : i32
      %dma_start3A_257 = tpu.memref_slice %arg3[%dma_start3A_255, %dma_start3A_256] : memref<8000x128xf32, #tpu.memory_space<hbm>> -> memref<8000x128xf32, #tpu.memory_space<hbm>>
      tpu.enqueue_indirect_dma source(%dma_start3A_257 : memref<8000x128xf32, #tpu.memory_space<hbm>>) target(%dma_start3A_254 : memref<16x128xf32, #tpu.memory_space<vmem>>) offsets(%add3A_249 : vector<16xi32>) semaphore(%arg15 : memref<!tpu.dma_semaphore, #tpu.memory_space<semaphore_mem>>)
      %add3A_258 = arith.constant 16 : i32
      %add3A_259 = vector.broadcast %add3A_258 : i32 to vector<16xi32>
      %add3A_260 = arith.addi %add3A_235, %add3A_259 : vector<16xi32>
      %dma_start3A_261 = arith.constant 0 : i32
      %dma_start3A_262 = arith.constant 32 : i32
      %dma_start3A_263 = arith.constant 256 : i32
      %dma_start3A_264 = tpu.memref_slice %arg6[%dma_start3A_261, %dma_start3A_262, %dma_start3A_263] : memref<1x50x1024xf32, #tpu.memory_space<vmem>> -> memref<1x16x128xf32, #tpu.memory_space<vmem>>
      %dma_start3A_265 = tpu.memref_squeeze %dma_start3A_264 : memref<1x16x128xf32, #tpu.memory_space<vmem>> -> memref<16x128xf32, #tpu.memory_space<vmem>>
      %dma_start3A_266 = arith.constant 0 : i32
      %dma_start3A_267 = arith.constant 0 : i32
      %dma_start3A_268 = tpu.memref_slice %arg3[%dma_start3A_266, %dma_start3A_267] : memref<8000x128xf32, #tpu.memory_space<hbm>> -> memref<8000x128xf32, #tpu.memory_space<hbm>>
      tpu.enqueue_indirect_dma source(%dma_start3A_268 : memref<8000x128xf32, #tpu.memory_space<hbm>>) target(%dma_start3A_265 : memref<16x128xf32, #tpu.memory_space<vmem>>) offsets(%add3A_260 : vector<16xi32>) semaphore(%arg15 : memref<!tpu.dma_semaphore, #tpu.memory_space<semaphore_mem>>)
      %add3A_269 = arith.constant 24 : i32
      %add3A_270 = vector.broadcast %add3A_269 : i32 to vector<16xi32>
      %add3A_271 = arith.addi %add3A_235, %add3A_270 : vector<16xi32>
      %dma_start3A_272 = arith.constant 0 : i32
      %dma_start3A_273 = arith.constant 32 : i32
      %dma_start3A_274 = arith.constant 384 : i32
      %dma_start3A_275 = tpu.memref_slice %arg6[%dma_start3A_272, %dma_start3A_273, %dma_start3A_274] : memref<1x50x1024xf32, #tpu.memory_space<vmem>> -> memref<1x16x128xf32, #tpu.memory_space<vmem>>
      %dma_start3A_276 = tpu.memref_squeeze %dma_start3A_275 : memref<1x16x128xf32, #tpu.memory_space<vmem>> -> memref<16x128xf32, #tpu.memory_space<vmem>>
      %dma_start3A_277 = arith.constant 0 : i32
      %dma_start3A_278 = arith.constant 0 : i32
      %dma_start3A_279 = tpu.memref_slice %arg3[%dma_start3A_277, %dma_start3A_278] : memref<8000x128xf32, #tpu.memory_space<hbm>> -> memref<8000x128xf32, #tpu.memory_space<hbm>>
      tpu.enqueue_indirect_dma source(%dma_start3A_279 : memref<8000x128xf32, #tpu.memory_space<hbm>>) target(%dma_start3A_276 : memref<16x128xf32, #tpu.memory_space<vmem>>) offsets(%add3A_271 : vector<16xi32>) semaphore(%arg15 : memref<!tpu.dma_semaphore, #tpu.memory_space<semaphore_mem>>)
      %add3A_280 = arith.constant 32 : i32
      %add3A_281 = vector.broadcast %add3A_280 : i32 to vector<16xi32>
      %add3A_282 = arith.addi %add3A_235, %add3A_281 : vector<16xi32>
      %dma_start3A_283 = arith.constant 0 : i32
      %dma_start3A_284 = arith.constant 32 : i32
      %dma_start3A_285 = arith.constant 512 : i32
      %dma_start3A_286 = tpu.memref_slice %arg6[%dma_start3A_283, %dma_start3A_284, %dma_start3A_285] : memref<1x50x1024xf32, #tpu.memory_space<vmem>> -> memref<1x16x128xf32, #tpu.memory_space<vmem>>
      %dma_start3A_287 = tpu.memref_squeeze %dma_start3A_286 : memref<1x16x128xf32, #tpu.memory_space<vmem>> -> memref<16x128xf32, #tpu.memory_space<vmem>>
      %dma_start3A_288 = arith.constant 0 : i32
      %dma_start3A_289 = arith.constant 0 : i32
      %dma_start3A_290 = tpu.memref_slice %arg3[%dma_start3A_288, %dma_start3A_289] : memref<8000x128xf32, #tpu.memory_space<hbm>> -> memref<8000x128xf32, #tpu.memory_space<hbm>>
      tpu.enqueue_indirect_dma source(%dma_start3A_290 : memref<8000x128xf32, #tpu.memory_space<hbm>>) target(%dma_start3A_287 : memref<16x128xf32, #tpu.memory_space<vmem>>) offsets(%add3A_282 : vector<16xi32>) semaphore(%arg15 : memref<!tpu.dma_semaphore, #tpu.memory_space<semaphore_mem>>)
      %add3A_291 = arith.constant 40 : i32
      %add3A_292 = vector.broadcast %add3A_291 : i32 to vector<16xi32>
      %add3A_293 = arith.addi %add3A_235, %add3A_292 : vector<16xi32>
      %dma_start3A_294 = arith.constant 0 : i32
      %dma_start3A_295 = arith.constant 32 : i32
      %dma_start3A_296 = arith.constant 640 : i32
      %dma_start3A_297 = tpu.memref_slice %arg6[%dma_start3A_294, %dma_start3A_295, %dma_start3A_296] : memref<1x50x1024xf32, #tpu.memory_space<vmem>> -> memref<1x16x128xf32, #tpu.memory_space<vmem>>
      %dma_start3A_298 = tpu.memref_squeeze %dma_start3A_297 : memref<1x16x128xf32, #tpu.memory_space<vmem>> -> memref<16x128xf32, #tpu.memory_space<vmem>>
      %dma_start3A_299 = arith.constant 0 : i32
      %dma_start3A_300 = arith.constant 0 : i32
      %dma_start3A_301 = tpu.memref_slice %arg3[%dma_start3A_299, %dma_start3A_300] : memref<8000x128xf32, #tpu.memory_space<hbm>> -> memref<8000x128xf32, #tpu.memory_space<hbm>>
      tpu.enqueue_indirect_dma source(%dma_start3A_301 : memref<8000x128xf32, #tpu.memory_space<hbm>>) target(%dma_start3A_298 : memref<16x128xf32, #tpu.memory_space<vmem>>) offsets(%add3A_293 : vector<16xi32>) semaphore(%arg15 : memref<!tpu.dma_semaphore, #tpu.memory_space<semaphore_mem>>)
      %add3A_302 = arith.constant 48 : i32
      %add3A_303 = vector.broadcast %add3A_302 : i32 to vector<16xi32>
      %add3A_304 = arith.addi %add3A_235, %add3A_303 : vector<16xi32>
      %dma_start3A_305 = arith.constant 0 : i32
      %dma_start3A_306 = arith.constant 32 : i32
      %dma_start3A_307 = arith.constant 768 : i32
      %dma_start3A_308 = tpu.memref_slice %arg6[%dma_start3A_305, %dma_start3A_306, %dma_start3A_307] : memref<1x50x1024xf32, #tpu.memory_space<vmem>> -> memref<1x16x128xf32, #tpu.memory_space<vmem>>
      %dma_start3A_309 = tpu.memref_squeeze %dma_start3A_308 : memref<1x16x128xf32, #tpu.memory_space<vmem>> -> memref<16x128xf32, #tpu.memory_space<vmem>>
      %dma_start3A_310 = arith.constant 0 : i32
      %dma_start3A_311 = arith.constant 0 : i32
      %dma_start3A_312 = tpu.memref_slice %arg3[%dma_start3A_310, %dma_start3A_311] : memref<8000x128xf32, #tpu.memory_space<hbm>> -> memref<8000x128xf32, #tpu.memory_space<hbm>>
      tpu.enqueue_indirect_dma source(%dma_start3A_312 : memref<8000x128xf32, #tpu.memory_space<hbm>>) target(%dma_start3A_309 : memref<16x128xf32, #tpu.memory_space<vmem>>) offsets(%add3A_304 : vector<16xi32>) semaphore(%arg15 : memref<!tpu.dma_semaphore, #tpu.memory_space<semaphore_mem>>)
      %add3A_313 = arith.constant 56 : i32
      %add3A_314 = vector.broadcast %add3A_313 : i32 to vector<16xi32>
      %add3A_315 = arith.addi %add3A_235, %add3A_314 : vector<16xi32>
      %dma_start3A_316 = arith.constant 0 : i32
      %dma_start3A_317 = arith.constant 32 : i32
      %dma_start3A_318 = arith.constant 896 : i32
      %dma_start3A_319 = tpu.memref_slice %arg6[%dma_start3A_316, %dma_start3A_317, %dma_start3A_318] : memref<1x50x1024xf32, #tpu.memory_space<vmem>> -> memref<1x16x128xf32, #tpu.memory_space<vmem>>
      %dma_start3A_320 = tpu.memref_squeeze %dma_start3A_319 : memref<1x16x128xf32, #tpu.memory_space<vmem>> -> memref<16x128xf32, #tpu.memory_space<vmem>>
      %dma_start3A_321 = arith.constant 0 : i32
      %dma_start3A_322 = arith.constant 0 : i32
      %dma_start3A_323 = tpu.memref_slice %arg3[%dma_start3A_321, %dma_start3A_322] : memref<8000x128xf32, #tpu.memory_space<hbm>> -> memref<8000x128xf32, #tpu.memory_space<hbm>>
      tpu.enqueue_indirect_dma source(%dma_start3A_323 : memref<8000x128xf32, #tpu.memory_space<hbm>>) target(%dma_start3A_320 : memref<16x128xf32, #tpu.memory_space<vmem>>) offsets(%add3A_315 : vector<16xi32>) semaphore(%arg15 : memref<!tpu.dma_semaphore, #tpu.memory_space<semaphore_mem>>)
      %mul3A_324 = arith.constant 50 : i32
      %mul3A_325 = arith.muli %mul3A_324, %scan3A_11 : i32
      %add3A_326 = arith.constant 34 : i32
      %add3A_327 = arith.addi %mul3A_325, %add3A_326 : i32
      %get3A_328 = arith.index_cast %add3A_327 : i32 to index
      %get3A_329 = tpu.vector_load %arg5[%get3A_328] {strides = array<i32>} : memref<1600xi32, #tpu.memory_space<vmem>>, vector<16xi32>,
      %get3A_330 = vector.shape_cast %get3A_329 : vector<16xi32> to vector<16xi32>
      %shift_right_arithmetic3A_331 = arith.constant 3 : i32
      %shift_right_arithmetic3A_332 = vector.broadcast %shift_right_arithmetic3A_331 : i32 to vector<16xi32>
      %shift_right_arithmetic3A_333 = arith.shrsi %get3A_330, %shift_right_arithmetic3A_332 : vector<16xi32>
      %mul3A_334 = arith.constant 64 : i32
      %mul3A_335 = vector.broadcast %mul3A_334 : i32 to vector<16xi32>
      %mul3A_336 = arith.muli %shift_right_arithmetic3A_333, %mul3A_335 : vector<16xi32>
      %and3A_337 = arith.constant 7 : i32
      %and3A_338 = vector.broadcast %and3A_337 : i32 to vector<16xi32>
      %and3A_339 = arith.andi %get3A_330, %and3A_338 : vector<16xi32>
      %add3A_340 = arith.addi %mul3A_336, %and3A_339 : vector<16xi32>
      %add3A_341 = arith.constant 0 : i32
      %add3A_342 = vector.broadcast %add3A_341 : i32 to vector<16xi32>
      %add3A_343 = arith.addi %add3A_340, %add3A_342 : vector<16xi32>
      %dma_start3A_344 = arith.constant 0 : i32
      %dma_start3A_345 = arith.constant 0 : i32
      %dma_start3A_346 = tpu.memref_slice %arg3[%dma_start3A_344, %dma_start3A_345] : memref<8000x128xf32, #tpu.memory_space<hbm>> -> memref<8000x128xf32, #tpu.memory_space<hbm>>
      tpu.enqueue_indirect_dma source(%dma_start3A_346 : memref<8000x128xf32, #tpu.memory_space<hbm>>) target(%arg7 : memref<16x128xf32, #tpu.memory_space<vmem>>) offsets(%add3A_343 : vector<16xi32>) semaphore(%arg15 : memref<!tpu.dma_semaphore, #tpu.memory_space<semaphore_mem>>)
      %add3A_347 = arith.constant 8 : i32
      %add3A_348 = vector.broadcast %add3A_347 : i32 to vector<16xi32>
      %add3A_349 = arith.addi %add3A_340, %add3A_348 : vector<16xi32>
      %dma_start3A_350 = arith.constant 0 : i32
      %dma_start3A_351 = arith.constant 0 : i32
      %dma_start3A_352 = tpu.memref_slice %arg3[%dma_start3A_350, %dma_start3A_351] : memref<8000x128xf32, #tpu.memory_space<hbm>> -> memref<8000x128xf32, #tpu.memory_space<hbm>>
      tpu.enqueue_indirect_dma source(%dma_start3A_352 : memref<8000x128xf32, #tpu.memory_space<hbm>>) target(%arg8 : memref<16x128xf32, #tpu.memory_space<vmem>>) offsets(%add3A_349 : vector<16xi32>) semaphore(%arg15 : memref<!tpu.dma_semaphore, #tpu.memory_space<semaphore_mem>>)
      %add3A_353 = arith.constant 16 : i32
      %add3A_354 = vector.broadcast %add3A_353 : i32 to vector<16xi32>
      %add3A_355 = arith.addi %add3A_340, %add3A_354 : vector<16xi32>
      %dma_start3A_356 = arith.constant 0 : i32
      %dma_start3A_357 = arith.constant 0 : i32
      %dma_start3A_358 = tpu.memref_slice %arg3[%dma_start3A_356, %dma_start3A_357] : memref<8000x128xf32, #tpu.memory_space<hbm>> -> memref<8000x128xf32, #tpu.memory_space<hbm>>
      tpu.enqueue_indirect_dma source(%dma_start3A_358 : memref<8000x128xf32, #tpu.memory_space<hbm>>) target(%arg9 : memref<16x128xf32, #tpu.memory_space<vmem>>) offsets(%add3A_355 : vector<16xi32>) semaphore(%arg15 : memref<!tpu.dma_semaphore, #tpu.memory_space<semaphore_mem>>)
      %add3A_359 = arith.constant 24 : i32
      %add3A_360 = vector.broadcast %add3A_359 : i32 to vector<16xi32>
      %add3A_361 = arith.addi %add3A_340, %add3A_360 : vector<16xi32>
      %dma_start3A_362 = arith.constant 0 : i32
      %dma_start3A_363 = arith.constant 0 : i32
      %dma_start3A_364 = tpu.memref_slice %arg3[%dma_start3A_362, %dma_start3A_363] : memref<8000x128xf32, #tpu.memory_space<hbm>> -> memref<8000x128xf32, #tpu.memory_space<hbm>>
      tpu.enqueue_indirect_dma source(%dma_start3A_364 : memref<8000x128xf32, #tpu.memory_space<hbm>>) target(%arg10 : memref<16x128xf32, #tpu.memory_space<vmem>>) offsets(%add3A_361 : vector<16xi32>) semaphore(%arg15 : memref<!tpu.dma_semaphore, #tpu.memory_space<semaphore_mem>>)
      %add3A_365 = arith.constant 32 : i32
      %add3A_366 = vector.broadcast %add3A_365 : i32 to vector<16xi32>
      %add3A_367 = arith.addi %add3A_340, %add3A_366 : vector<16xi32>
      %dma_start3A_368 = arith.constant 0 : i32
      %dma_start3A_369 = arith.constant 0 : i32
      %dma_start3A_370 = tpu.memref_slice %arg3[%dma_start3A_368, %dma_start3A_369] : memref<8000x128xf32, #tpu.memory_space<hbm>> -> memref<8000x128xf32, #tpu.memory_space<hbm>>
      tpu.enqueue_indirect_dma source(%dma_start3A_370 : memref<8000x128xf32, #tpu.memory_space<hbm>>) target(%arg11 : memref<16x128xf32, #tpu.memory_space<vmem>>) offsets(%add3A_367 : vector<16xi32>) semaphore(%arg15 : memref<!tpu.dma_semaphore, #tpu.memory_space<semaphore_mem>>)
      %add3A_371 = arith.constant 40 : i32
      %add3A_372 = vector.broadcast %add3A_371 : i32 to vector<16xi32>
      %add3A_373 = arith.addi %add3A_340, %add3A_372 : vector<16xi32>
      %dma_start3A_374 = arith.constant 0 : i32
      %dma_start3A_375 = arith.constant 0 : i32
      %dma_start3A_376 = tpu.memref_slice %arg3[%dma_start3A_374, %dma_start3A_375] : memref<8000x128xf32, #tpu.memory_space<hbm>> -> memref<8000x128xf32, #tpu.memory_space<hbm>>
      tpu.enqueue_indirect_dma source(%dma_start3A_376 : memref<8000x128xf32, #tpu.memory_space<hbm>>) target(%arg12 : memref<16x128xf32, #tpu.memory_space<vmem>>) offsets(%add3A_373 : vector<16xi32>) semaphore(%arg15 : memref<!tpu.dma_semaphore, #tpu.memory_space<semaphore_mem>>)
      %add3A_377 = arith.constant 48 : i32
      %add3A_378 = vector.broadcast %add3A_377 : i32 to vector<16xi32>
      %add3A_379 = arith.addi %add3A_340, %add3A_378 : vector<16xi32>
      %dma_start3A_380 = arith.constant 0 : i32
      %dma_start3A_381 = arith.constant 0 : i32
      %dma_start3A_382 = tpu.memref_slice %arg3[%dma_start3A_380, %dma_start3A_381] : memref<8000x128xf32, #tpu.memory_space<hbm>> -> memref<8000x128xf32, #tpu.memory_space<hbm>>
      tpu.enqueue_indirect_dma source(%dma_start3A_382 : memref<8000x128xf32, #tpu.memory_space<hbm>>) target(%arg13 : memref<16x128xf32, #tpu.memory_space<vmem>>) offsets(%add3A_379 : vector<16xi32>) semaphore(%arg15 : memref<!tpu.dma_semaphore, #tpu.memory_space<semaphore_mem>>)
      %add3A_383 = arith.constant 56 : i32
      %add3A_384 = vector.broadcast %add3A_383 : i32 to vector<16xi32>
      %add3A_385 = arith.addi %add3A_340, %add3A_384 : vector<16xi32>
      %dma_start3A_386 = arith.constant 0 : i32
      %dma_start3A_387 = arith.constant 0 : i32
      %dma_start3A_388 = tpu.memref_slice %arg3[%dma_start3A_386, %dma_start3A_387] : memref<8000x128xf32, #tpu.memory_space<hbm>> -> memref<8000x128xf32, #tpu.memory_space<hbm>>
      tpu.enqueue_indirect_dma source(%dma_start3A_388 : memref<8000x128xf32, #tpu.memory_space<hbm>>) target(%arg14 : memref<16x128xf32, #tpu.memory_space<vmem>>) offsets(%add3A_385 : vector<16xi32>) semaphore(%arg15 : memref<!tpu.dma_semaphore, #tpu.memory_space<semaphore_mem>>)
      %dma_wait3A = arith.constant 0 : i32
      %dma_wait3A_389 = arith.constant 0 : i32
      %dma_wait3A_390 = arith.constant 0 : i32
      %dma_wait3A_391 = tpu.memref_slice %arg6[%dma_wait3A, %dma_wait3A_389, %dma_wait3A_390] : memref<1x50x1024xf32, #tpu.memory_space<vmem>> -> memref<1x16x128xf32, #tpu.memory_space<vmem>>
      %dma_wait3A_392 = tpu.memref_squeeze %dma_wait3A_391 : memref<1x16x128xf32, #tpu.memory_space<vmem>> -> memref<16x128xf32, #tpu.memory_space<vmem>>
      %dma_wait3A_393 = arith.constant 0 : i32
      %dma_wait3A_394 = arith.constant 0 : i32
      %dma_wait3A_395 = tpu.memref_slice %arg3[%dma_wait3A_393, %dma_wait3A_394] : memref<8000x128xf32, #tpu.memory_space<hbm>> -> memref<8000x128xf32, #tpu.memory_space<hbm>>
      tpu.wait_indirect_dma semaphore(%arg15 : memref<!tpu.dma_semaphore, #tpu.memory_space<semaphore_mem>>) src(%dma_wait3A_395 : memref<8000x128xf32, #tpu.memory_space<hbm>>) dst(%dma_wait3A_392 : memref<16x128xf32, #tpu.memory_space<vmem>>)
      %dma_wait3A_396 = arith.constant 0 : i32
      %dma_wait3A_397 = arith.constant 0 : i32
      %dma_wait3A_398 = arith.constant 128 : i32
      %dma_wait3A_399 = tpu.memref_slice %arg6[%dma_wait3A_396, %dma_wait3A_397, %dma_wait3A_398] : memref<1x50x1024xf32, #tpu.memory_space<vmem>> -> memref<1x16x128xf32, #tpu.memory_space<vmem>>
      %dma_wait3A_400 = tpu.memref_squeeze %dma_wait3A_399 : memref<1x16x128xf32, #tpu.memory_space<vmem>> -> memref<16x128xf32, #tpu.memory_space<vmem>>
      %dma_wait3A_401 = arith.constant 0 : i32
      %dma_wait3A_402 = arith.constant 0 : i32
      %dma_wait3A_403 = tpu.memref_slice %arg3[%dma_wait3A_401, %dma_wait3A_402] : memref<8000x128xf32, #tpu.memory_space<hbm>> -> memref<8000x128xf32, #tpu.memory_space<hbm>>
      tpu.wait_indirect_dma semaphore(%arg15 : memref<!tpu.dma_semaphore, #tpu.memory_space<semaphore_mem>>) src(%dma_wait3A_403 : memref<8000x128xf32, #tpu.memory_space<hbm>>) dst(%dma_wait3A_400 : memref<16x128xf32, #tpu.memory_space<vmem>>)
      %dma_wait3A_404 = arith.constant 0 : i32
      %dma_wait3A_405 = arith.constant 0 : i32
      %dma_wait3A_406 = arith.constant 256 : i32
      %dma_wait3A_407 = tpu.memref_slice %arg6[%dma_wait3A_404, %dma_wait3A_405, %dma_wait3A_406] : memref<1x50x1024xf32, #tpu.memory_space<vmem>> -> memref<1x16x128xf32, #tpu.memory_space<vmem>>
      %dma_wait3A_408 = tpu.memref_squeeze %dma_wait3A_407 : memref<1x16x128xf32, #tpu.memory_space<vmem>> -> memref<16x128xf32, #tpu.memory_space<vmem>>
      %dma_wait3A_409 = arith.constant 0 : i32
      %dma_wait3A_410 = arith.constant 0 : i32
      %dma_wait3A_411 = tpu.memref_slice %arg3[%dma_wait3A_409, %dma_wait3A_410] : memref<8000x128xf32, #tpu.memory_space<hbm>> -> memref<8000x128xf32, #tpu.memory_space<hbm>>
      tpu.wait_indirect_dma semaphore(%arg15 : memref<!tpu.dma_semaphore, #tpu.memory_space<semaphore_mem>>) src(%dma_wait3A_411 : memref<8000x128xf32, #tpu.memory_space<hbm>>) dst(%dma_wait3A_408 : memref<16x128xf32, #tpu.memory_space<vmem>>)
      %dma_wait3A_412 = arith.constant 0 : i32
      %dma_wait3A_413 = arith.constant 0 : i32
      %dma_wait3A_414 = arith.constant 384 : i32
      %dma_wait3A_415 = tpu.memref_slice %arg6[%dma_wait3A_412, %dma_wait3A_413, %dma_wait3A_414] : memref<1x50x1024xf32, #tpu.memory_space<vmem>> -> memref<1x16x128xf32, #tpu.memory_space<vmem>>
      %dma_wait3A_416 = tpu.memref_squeeze %dma_wait3A_415 : memref<1x16x128xf32, #tpu.memory_space<vmem>> -> memref<16x128xf32, #tpu.memory_space<vmem>>
      %dma_wait3A_417 = arith.constant 0 : i32
      %dma_wait3A_418 = arith.constant 0 : i32
      %dma_wait3A_419 = tpu.memref_slice %arg3[%dma_wait3A_417, %dma_wait3A_418] : memref<8000x128xf32, #tpu.memory_space<hbm>> -> memref<8000x128xf32, #tpu.memory_space<hbm>>
      tpu.wait_indirect_dma semaphore(%arg15 : memref<!tpu.dma_semaphore, #tpu.memory_space<semaphore_mem>>) src(%dma_wait3A_419 : memref<8000x128xf32, #tpu.memory_space<hbm>>) dst(%dma_wait3A_416 : memref<16x128xf32, #tpu.memory_space<vmem>>)
      %dma_wait3A_420 = arith.constant 0 : i32
      %dma_wait3A_421 = arith.constant 0 : i32
      %dma_wait3A_422 = arith.constant 512 : i32
      %dma_wait3A_423 = tpu.memref_slice %arg6[%dma_wait3A_420, %dma_wait3A_421, %dma_wait3A_422] : memref<1x50x1024xf32, #tpu.memory_space<vmem>> -> memref<1x16x128xf32, #tpu.memory_space<vmem>>
      %dma_wait3A_424 = tpu.memref_squeeze %dma_wait3A_423 : memref<1x16x128xf32, #tpu.memory_space<vmem>> -> memref<16x128xf32, #tpu.memory_space<vmem>>
      %dma_wait3A_425 = arith.constant 0 : i32
      %dma_wait3A_426 = arith.constant 0 : i32
      %dma_wait3A_427 = tpu.memref_slice %arg3[%dma_wait3A_425, %dma_wait3A_426] : memref<8000x128xf32, #tpu.memory_space<hbm>> -> memref<8000x128xf32, #tpu.memory_space<hbm>>
      tpu.wait_indirect_dma semaphore(%arg15 : memref<!tpu.dma_semaphore, #tpu.memory_space<semaphore_mem>>) src(%dma_wait3A_427 : memref<8000x128xf32, #tpu.memory_space<hbm>>) dst(%dma_wait3A_424 : memref<16x128xf32, #tpu.memory_space<vmem>>)
      %dma_wait3A_428 = arith.constant 0 : i32
      %dma_wait3A_429 = arith.constant 0 : i32
      %dma_wait3A_430 = arith.constant 640 : i32
      %dma_wait3A_431 = tpu.memref_slice %arg6[%dma_wait3A_428, %dma_wait3A_429, %dma_wait3A_430] : memref<1x50x1024xf32, #tpu.memory_space<vmem>> -> memref<1x16x128xf32, #tpu.memory_space<vmem>>
      %dma_wait3A_432 = tpu.memref_squeeze %dma_wait3A_431 : memref<1x16x128xf32, #tpu.memory_space<vmem>> -> memref<16x128xf32, #tpu.memory_space<vmem>>
      %dma_wait3A_433 = arith.constant 0 : i32
      %dma_wait3A_434 = arith.constant 0 : i32
      %dma_wait3A_435 = tpu.memref_slice %arg3[%dma_wait3A_433, %dma_wait3A_434] : memref<8000x128xf32, #tpu.memory_space<hbm>> -> memref<8000x128xf32, #tpu.memory_space<hbm>>
      tpu.wait_indirect_dma semaphore(%arg15 : memref<!tpu.dma_semaphore, #tpu.memory_space<semaphore_mem>>) src(%dma_wait3A_435 : memref<8000x128xf32, #tpu.memory_space<hbm>>) dst(%dma_wait3A_432 : memref<16x128xf32, #tpu.memory_space<vmem>>)
      %dma_wait3A_436 = arith.constant 0 : i32
      %dma_wait3A_437 = arith.constant 0 : i32
      %dma_wait3A_438 = arith.constant 768 : i32
      %dma_wait3A_439 = tpu.memref_slice %arg6[%dma_wait3A_436, %dma_wait3A_437, %dma_wait3A_438] : memref<1x50x1024xf32, #tpu.memory_space<vmem>> -> memref<1x16x128xf32, #tpu.memory_space<vmem>>
      %dma_wait3A_440 = tpu.memref_squeeze %dma_wait3A_439 : memref<1x16x128xf32, #tpu.memory_space<vmem>> -> memref<16x128xf32, #tpu.memory_space<vmem>>
      %dma_wait3A_441 = arith.constant 0 : i32
      %dma_wait3A_442 = arith.constant 0 : i32
      %dma_wait3A_443 = tpu.memref_slice %arg3[%dma_wait3A_441, %dma_wait3A_442] : memref<8000x128xf32, #tpu.memory_space<hbm>> -> memref<8000x128xf32, #tpu.memory_space<hbm>>
      tpu.wait_indirect_dma semaphore(%arg15 : memref<!tpu.dma_semaphore, #tpu.memory_space<semaphore_mem>>) src(%dma_wait3A_443 : memref<8000x128xf32, #tpu.memory_space<hbm>>) dst(%dma_wait3A_440 : memref<16x128xf32, #tpu.memory_space<vmem>>)
      %dma_wait3A_444 = arith.constant 0 : i32
      %dma_wait3A_445 = arith.constant 0 : i32
      %dma_wait3A_446 = arith.constant 896 : i32
      %dma_wait3A_447 = tpu.memref_slice %arg6[%dma_wait3A_444, %dma_wait3A_445, %dma_wait3A_446] : memref<1x50x1024xf32, #tpu.memory_space<vmem>> -> memref<1x16x128xf32, #tpu.memory_space<vmem>>
      %dma_wait3A_448 = tpu.memref_squeeze %dma_wait3A_447 : memref<1x16x128xf32, #tpu.memory_space<vmem>> -> memref<16x128xf32, #tpu.memory_space<vmem>>
      %dma_wait3A_449 = arith.constant 0 : i32
      %dma_wait3A_450 = arith.constant 0 : i32
      %dma_wait3A_451 = tpu.memref_slice %arg3[%dma_wait3A_449, %dma_wait3A_450] : memref<8000x128xf32, #tpu.memory_space<hbm>> -> memref<8000x128xf32, #tpu.memory_space<hbm>>
      tpu.wait_indirect_dma semaphore(%arg15 : memref<!tpu.dma_semaphore, #tpu.memory_space<semaphore_mem>>) src(%dma_wait3A_451 : memref<8000x128xf32, #tpu.memory_space<hbm>>) dst(%dma_wait3A_448 : memref<16x128xf32, #tpu.memory_space<vmem>>)
      %dma_wait3A_452 = arith.constant 0 : i32
      %dma_wait3A_453 = arith.constant 16 : i32
      %dma_wait3A_454 = arith.constant 0 : i32
      %dma_wait3A_455 = tpu.memref_slice %arg6[%dma_wait3A_452, %dma_wait3A_453, %dma_wait3A_454] : memref<1x50x1024xf32, #tpu.memory_space<vmem>> -> memref<1x16x128xf32, #tpu.memory_space<vmem>>
      %dma_wait3A_456 = tpu.memref_squeeze %dma_wait3A_455 : memref<1x16x128xf32, #tpu.memory_space<vmem>> -> memref<16x128xf32, #tpu.memory_space<vmem>>
      %dma_wait3A_457 = arith.constant 0 : i32
      %dma_wait3A_458 = arith.constant 0 : i32
      %dma_wait3A_459 = tpu.memref_slice %arg3[%dma_wait3A_457, %dma_wait3A_458] : memref<8000x128xf32, #tpu.memory_space<hbm>> -> memref<8000x128xf32, #tpu.memory_space<hbm>>
      tpu.wait_indirect_dma semaphore(%arg15 : memref<!tpu.dma_semaphore, #tpu.memory_space<semaphore_mem>>) src(%dma_wait3A_459 : memref<8000x128xf32, #tpu.memory_space<hbm>>) dst(%dma_wait3A_456 : memref<16x128xf32, #tpu.memory_space<vmem>>)
      %dma_wait3A_460 = arith.constant 0 : i32
      %dma_wait3A_461 = arith.constant 16 : i32
      %dma_wait3A_462 = arith.constant 128 : i32
      %dma_wait3A_463 = tpu.memref_slice %arg6[%dma_wait3A_460, %dma_wait3A_461, %dma_wait3A_462] : memref<1x50x1024xf32, #tpu.memory_space<vmem>> -> memref<1x16x128xf32, #tpu.memory_space<vmem>>
      %dma_wait3A_464 = tpu.memref_squeeze %dma_wait3A_463 : memref<1x16x128xf32, #tpu.memory_space<vmem>> -> memref<16x128xf32, #tpu.memory_space<vmem>>
      %dma_wait3A_465 = arith.constant 0 : i32
      %dma_wait3A_466 = arith.constant 0 : i32
      %dma_wait3A_467 = tpu.memref_slice %arg3[%dma_wait3A_465, %dma_wait3A_466] : memref<8000x128xf32, #tpu.memory_space<hbm>> -> memref<8000x128xf32, #tpu.memory_space<hbm>>
      tpu.wait_indirect_dma semaphore(%arg15 : memref<!tpu.dma_semaphore, #tpu.memory_space<semaphore_mem>>) src(%dma_wait3A_467 : memref<8000x128xf32, #tpu.memory_space<hbm>>) dst(%dma_wait3A_464 : memref<16x128xf32, #tpu.memory_space<vmem>>)
      %dma_wait3A_468 = arith.constant 0 : i32
      %dma_wait3A_469 = arith.constant 16 : i32
      %dma_wait3A_470 = arith.constant 256 : i32
      %dma_wait3A_471 = tpu.memref_slice %arg6[%dma_wait3A_468, %dma_wait3A_469, %dma_wait3A_470] : memref<1x50x1024xf32, #tpu.memory_space<vmem>> -> memref<1x16x128xf32, #tpu.memory_space<vmem>>
      %dma_wait3A_472 = tpu.memref_squeeze %dma_wait3A_471 : memref<1x16x128xf32, #tpu.memory_space<vmem>> -> memref<16x128xf32, #tpu.memory_space<vmem>>
      %dma_wait3A_473 = arith.constant 0 : i32
      %dma_wait3A_474 = arith.constant 0 : i32
      %dma_wait3A_475 = tpu.memref_slice %arg3[%dma_wait3A_473, %dma_wait3A_474] : memref<8000x128xf32, #tpu.memory_space<hbm>> -> memref<8000x128xf32, #tpu.memory_space<hbm>>
      tpu.wait_indirect_dma semaphore(%arg15 : memref<!tpu.dma_semaphore, #tpu.memory_space<semaphore_mem>>) src(%dma_wait3A_475 : memref<8000x128xf32, #tpu.memory_space<hbm>>) dst(%dma_wait3A_472 : memref<16x128xf32, #tpu.memory_space<vmem>>)
      %dma_wait3A_476 = arith.constant 0 : i32
      %dma_wait3A_477 = arith.constant 16 : i32
      %dma_wait3A_478 = arith.constant 384 : i32
      %dma_wait3A_479 = tpu.memref_slice %arg6[%dma_wait3A_476, %dma_wait3A_477, %dma_wait3A_478] : memref<1x50x1024xf32, #tpu.memory_space<vmem>> -> memref<1x16x128xf32, #tpu.memory_space<vmem>>
      %dma_wait3A_480 = tpu.memref_squeeze %dma_wait3A_479 : memref<1x16x128xf32, #tpu.memory_space<vmem>> -> memref<16x128xf32, #tpu.memory_space<vmem>>
      %dma_wait3A_481 = arith.constant 0 : i32
      %dma_wait3A_482 = arith.constant 0 : i32
      %dma_wait3A_483 = tpu.memref_slice %arg3[%dma_wait3A_481, %dma_wait3A_482] : memref<8000x128xf32, #tpu.memory_space<hbm>> -> memref<8000x128xf32, #tpu.memory_space<hbm>>
      tpu.wait_indirect_dma semaphore(%arg15 : memref<!tpu.dma_semaphore, #tpu.memory_space<semaphore_mem>>) src(%dma_wait3A_483 : memref<8000x128xf32, #tpu.memory_space<hbm>>) dst(%dma_wait3A_480 : memref<16x128xf32, #tpu.memory_space<vmem>>)
      %dma_wait3A_484 = arith.constant 0 : i32
      %dma_wait3A_485 = arith.constant 16 : i32
      %dma_wait3A_486 = arith.constant 512 : i32
      %dma_wait3A_487 = tpu.memref_slice %arg6[%dma_wait3A_484, %dma_wait3A_485, %dma_wait3A_486] : memref<1x50x1024xf32, #tpu.memory_space<vmem>> -> memref<1x16x128xf32, #tpu.memory_space<vmem>>
      %dma_wait3A_488 = tpu.memref_squeeze %dma_wait3A_487 : memref<1x16x128xf32, #tpu.memory_space<vmem>> -> memref<16x128xf32, #tpu.memory_space<vmem>>
      %dma_wait3A_489 = arith.constant 0 : i32
      %dma_wait3A_490 = arith.constant 0 : i32
      %dma_wait3A_491 = tpu.memref_slice %arg3[%dma_wait3A_489, %dma_wait3A_490] : memref<8000x128xf32, #tpu.memory_space<hbm>> -> memref<8000x128xf32, #tpu.memory_space<hbm>>
      tpu.wait_indirect_dma semaphore(%arg15 : memref<!tpu.dma_semaphore, #tpu.memory_space<semaphore_mem>>) src(%dma_wait3A_491 : memref<8000x128xf32, #tpu.memory_space<hbm>>) dst(%dma_wait3A_488 : memref<16x128xf32, #tpu.memory_space<vmem>>)
      %dma_wait3A_492 = arith.constant 0 : i32
      %dma_wait3A_493 = arith.constant 16 : i32
      %dma_wait3A_494 = arith.constant 640 : i32
      %dma_wait3A_495 = tpu.memref_slice %arg6[%dma_wait3A_492, %dma_wait3A_493, %dma_wait3A_494] : memref<1x50x1024xf32, #tpu.memory_space<vmem>> -> memref<1x16x128xf32, #tpu.memory_space<vmem>>
      %dma_wait3A_496 = tpu.memref_squeeze %dma_wait3A_495 : memref<1x16x128xf32, #tpu.memory_space<vmem>> -> memref<16x128xf32, #tpu.memory_space<vmem>>
      %dma_wait3A_497 = arith.constant 0 : i32
      %dma_wait3A_498 = arith.constant 0 : i32
      %dma_wait3A_499 = tpu.memref_slice %arg3[%dma_wait3A_497, %dma_wait3A_498] : memref<8000x128xf32, #tpu.memory_space<hbm>> -> memref<8000x128xf32, #tpu.memory_space<hbm>>
      tpu.wait_indirect_dma semaphore(%arg15 : memref<!tpu.dma_semaphore, #tpu.memory_space<semaphore_mem>>) src(%dma_wait3A_499 : memref<8000x128xf32, #tpu.memory_space<hbm>>) dst(%dma_wait3A_496 : memref<16x128xf32, #tpu.memory_space<vmem>>)
      %dma_wait3A_500 = arith.constant 0 : i32
      %dma_wait3A_501 = arith.constant 16 : i32
      %dma_wait3A_502 = arith.constant 768 : i32
      %dma_wait3A_503 = tpu.memref_slice %arg6[%dma_wait3A_500, %dma_wait3A_501, %dma_wait3A_502] : memref<1x50x1024xf32, #tpu.memory_space<vmem>> -> memref<1x16x128xf32, #tpu.memory_space<vmem>>
      %dma_wait3A_504 = tpu.memref_squeeze %dma_wait3A_503 : memref<1x16x128xf32, #tpu.memory_space<vmem>> -> memref<16x128xf32, #tpu.memory_space<vmem>>
      %dma_wait3A_505 = arith.constant 0 : i32
      %dma_wait3A_506 = arith.constant 0 : i32
      %dma_wait3A_507 = tpu.memref_slice %arg3[%dma_wait3A_505, %dma_wait3A_506] : memref<8000x128xf32, #tpu.memory_space<hbm>> -> memref<8000x128xf32, #tpu.memory_space<hbm>>
      tpu.wait_indirect_dma semaphore(%arg15 : memref<!tpu.dma_semaphore, #tpu.memory_space<semaphore_mem>>) src(%dma_wait3A_507 : memref<8000x128xf32, #tpu.memory_space<hbm>>) dst(%dma_wait3A_504 : memref<16x128xf32, #tpu.memory_space<vmem>>)
      %dma_wait3A_508 = arith.constant 0 : i32
      %dma_wait3A_509 = arith.constant 16 : i32
      %dma_wait3A_510 = arith.constant 896 : i32
      %dma_wait3A_511 = tpu.memref_slice %arg6[%dma_wait3A_508, %dma_wait3A_509, %dma_wait3A_510] : memref<1x50x1024xf32, #tpu.memory_space<vmem>> -> memref<1x16x128xf32, #tpu.memory_space<vmem>>
      %dma_wait3A_512 = tpu.memref_squeeze %dma_wait3A_511 : memref<1x16x128xf32, #tpu.memory_space<vmem>> -> memref<16x128xf32, #tpu.memory_space<vmem>>
      %dma_wait3A_513 = arith.constant 0 : i32
      %dma_wait3A_514 = arith.constant 0 : i32
      %dma_wait3A_515 = tpu.memref_slice %arg3[%dma_wait3A_513, %dma_wait3A_514] : memref<8000x128xf32, #tpu.memory_space<hbm>> -> memref<8000x128xf32, #tpu.memory_space<hbm>>
      tpu.wait_indirect_dma semaphore(%arg15 : memref<!tpu.dma_semaphore, #tpu.memory_space<semaphore_mem>>) src(%dma_wait3A_515 : memref<8000x128xf32, #tpu.memory_space<hbm>>) dst(%dma_wait3A_512 : memref<16x128xf32, #tpu.memory_space<vmem>>)
      %dma_wait3A_516 = arith.constant 0 : i32
      %dma_wait3A_517 = arith.constant 32 : i32
      %dma_wait3A_518 = arith.constant 0 : i32
      %dma_wait3A_519 = tpu.memref_slice %arg6[%dma_wait3A_516, %dma_wait3A_517, %dma_wait3A_518] : memref<1x50x1024xf32, #tpu.memory_space<vmem>> -> memref<1x16x128xf32, #tpu.memory_space<vmem>>
      %dma_wait3A_520 = tpu.memref_squeeze %dma_wait3A_519 : memref<1x16x128xf32, #tpu.memory_space<vmem>> -> memref<16x128xf32, #tpu.memory_space<vmem>>
      %dma_wait3A_521 = arith.constant 0 : i32
      %dma_wait3A_522 = arith.constant 0 : i32
      %dma_wait3A_523 = tpu.memref_slice %arg3[%dma_wait3A_521, %dma_wait3A_522] : memref<8000x128xf32, #tpu.memory_space<hbm>> -> memref<8000x128xf32, #tpu.memory_space<hbm>>
      tpu.wait_indirect_dma semaphore(%arg15 : memref<!tpu.dma_semaphore, #tpu.memory_space<semaphore_mem>>) src(%dma_wait3A_523 : memref<8000x128xf32, #tpu.memory_space<hbm>>) dst(%dma_wait3A_520 : memref<16x128xf32, #tpu.memory_space<vmem>>)
      %dma_wait3A_524 = arith.constant 0 : i32
      %dma_wait3A_525 = arith.constant 32 : i32
      %dma_wait3A_526 = arith.constant 128 : i32
      %dma_wait3A_527 = tpu.memref_slice %arg6[%dma_wait3A_524, %dma_wait3A_525, %dma_wait3A_526] : memref<1x50x1024xf32, #tpu.memory_space<vmem>> -> memref<1x16x128xf32, #tpu.memory_space<vmem>>
      %dma_wait3A_528 = tpu.memref_squeeze %dma_wait3A_527 : memref<1x16x128xf32, #tpu.memory_space<vmem>> -> memref<16x128xf32, #tpu.memory_space<vmem>>
      %dma_wait3A_529 = arith.constant 0 : i32
      %dma_wait3A_530 = arith.constant 0 : i32
      %dma_wait3A_531 = tpu.memref_slice %arg3[%dma_wait3A_529, %dma_wait3A_530] : memref<8000x128xf32, #tpu.memory_space<hbm>> -> memref<8000x128xf32, #tpu.memory_space<hbm>>
      tpu.wait_indirect_dma semaphore(%arg15 : memref<!tpu.dma_semaphore, #tpu.memory_space<semaphore_mem>>) src(%dma_wait3A_531 : memref<8000x128xf32, #tpu.memory_space<hbm>>) dst(%dma_wait3A_528 : memref<16x128xf32, #tpu.memory_space<vmem>>)
      %dma_wait3A_532 = arith.constant 0 : i32
      %dma_wait3A_533 = arith.constant 32 : i32
      %dma_wait3A_534 = arith.constant 256 : i32
      %dma_wait3A_535 = tpu.memref_slice %arg6[%dma_wait3A_532, %dma_wait3A_533, %dma_wait3A_534] : memref<1x50x1024xf32, #tpu.memory_space<vmem>> -> memref<1x16x128xf32, #tpu.memory_space<vmem>>
      %dma_wait3A_536 = tpu.memref_squeeze %dma_wait3A_535 : memref<1x16x128xf32, #tpu.memory_space<vmem>> -> memref<16x128xf32, #tpu.memory_space<vmem>>
      %dma_wait3A_537 = arith.constant 0 : i32
      %dma_wait3A_538 = arith.constant 0 : i32
      %dma_wait3A_539 = tpu.memref_slice %arg3[%dma_wait3A_537, %dma_wait3A_538] : memref<8000x128xf32, #tpu.memory_space<hbm>> -> memref<8000x128xf32, #tpu.memory_space<hbm>>
      tpu.wait_indirect_dma semaphore(%arg15 : memref<!tpu.dma_semaphore, #tpu.memory_space<semaphore_mem>>) src(%dma_wait3A_539 : memref<8000x128xf32, #tpu.memory_space<hbm>>) dst(%dma_wait3A_536 : memref<16x128xf32, #tpu.memory_space<vmem>>)
      %dma_wait3A_540 = arith.constant 0 : i32
      %dma_wait3A_541 = arith.constant 32 : i32
      %dma_wait3A_542 = arith.constant 384 : i32
      %dma_wait3A_543 = tpu.memref_slice %arg6[%dma_wait3A_540, %dma_wait3A_541, %dma_wait3A_542] : memref<1x50x1024xf32, #tpu.memory_space<vmem>> -> memref<1x16x128xf32, #tpu.memory_space<vmem>>
      %dma_wait3A_544 = tpu.memref_squeeze %dma_wait3A_543 : memref<1x16x128xf32, #tpu.memory_space<vmem>> -> memref<16x128xf32, #tpu.memory_space<vmem>>
      %dma_wait3A_545 = arith.constant 0 : i32
      %dma_wait3A_546 = arith.constant 0 : i32
      %dma_wait3A_547 = tpu.memref_slice %arg3[%dma_wait3A_545, %dma_wait3A_546] : memref<8000x128xf32, #tpu.memory_space<hbm>> -> memref<8000x128xf32, #tpu.memory_space<hbm>>
      tpu.wait_indirect_dma semaphore(%arg15 : memref<!tpu.dma_semaphore, #tpu.memory_space<semaphore_mem>>) src(%dma_wait3A_547 : memref<8000x128xf32, #tpu.memory_space<hbm>>) dst(%dma_wait3A_544 : memref<16x128xf32, #tpu.memory_space<vmem>>)
      %dma_wait3A_548 = arith.constant 0 : i32
      %dma_wait3A_549 = arith.constant 32 : i32
      %dma_wait3A_550 = arith.constant 512 : i32
      %dma_wait3A_551 = tpu.memref_slice %arg6[%dma_wait3A_548, %dma_wait3A_549, %dma_wait3A_550] : memref<1x50x1024xf32, #tpu.memory_space<vmem>> -> memref<1x16x128xf32, #tpu.memory_space<vmem>>
      %dma_wait3A_552 = tpu.memref_squeeze %dma_wait3A_551 : memref<1x16x128xf32, #tpu.memory_space<vmem>> -> memref<16x128xf32, #tpu.memory_space<vmem>>
      %dma_wait3A_553 = arith.constant 0 : i32
      %dma_wait3A_554 = arith.constant 0 : i32
      %dma_wait3A_555 = tpu.memref_slice %arg3[%dma_wait3A_553, %dma_wait3A_554] : memref<8000x128xf32, #tpu.memory_space<hbm>> -> memref<8000x128xf32, #tpu.memory_space<hbm>>
      tpu.wait_indirect_dma semaphore(%arg15 : memref<!tpu.dma_semaphore, #tpu.memory_space<semaphore_mem>>) src(%dma_wait3A_555 : memref<8000x128xf32, #tpu.memory_space<hbm>>) dst(%dma_wait3A_552 : memref<16x128xf32, #tpu.memory_space<vmem>>)
      %dma_wait3A_556 = arith.constant 0 : i32
      %dma_wait3A_557 = arith.constant 32 : i32
      %dma_wait3A_558 = arith.constant 640 : i32
      %dma_wait3A_559 = tpu.memref_slice %arg6[%dma_wait3A_556, %dma_wait3A_557, %dma_wait3A_558] : memref<1x50x1024xf32, #tpu.memory_space<vmem>> -> memref<1x16x128xf32, #tpu.memory_space<vmem>>
      %dma_wait3A_560 = tpu.memref_squeeze %dma_wait3A_559 : memref<1x16x128xf32, #tpu.memory_space<vmem>> -> memref<16x128xf32, #tpu.memory_space<vmem>>
      %dma_wait3A_561 = arith.constant 0 : i32
      %dma_wait3A_562 = arith.constant 0 : i32
      %dma_wait3A_563 = tpu.memref_slice %arg3[%dma_wait3A_561, %dma_wait3A_562] : memref<8000x128xf32, #tpu.memory_space<hbm>> -> memref<8000x128xf32, #tpu.memory_space<hbm>>
      tpu.wait_indirect_dma semaphore(%arg15 : memref<!tpu.dma_semaphore, #tpu.memory_space<semaphore_mem>>) src(%dma_wait3A_563 : memref<8000x128xf32, #tpu.memory_space<hbm>>) dst(%dma_wait3A_560 : memref<16x128xf32, #tpu.memory_space<vmem>>)
      %dma_wait3A_564 = arith.constant 0 : i32
      %dma_wait3A_565 = arith.constant 32 : i32
      %dma_wait3A_566 = arith.constant 768 : i32
      %dma_wait3A_567 = tpu.memref_slice %arg6[%dma_wait3A_564, %dma_wait3A_565, %dma_wait3A_566] : memref<1x50x1024xf32, #tpu.memory_space<vmem>> -> memref<1x16x128xf32, #tpu.memory_space<vmem>>
      %dma_wait3A_568 = tpu.memref_squeeze %dma_wait3A_567 : memref<1x16x128xf32, #tpu.memory_space<vmem>> -> memref<16x128xf32, #tpu.memory_space<vmem>>
      %dma_wait3A_569 = arith.constant 0 : i32
      %dma_wait3A_570 = arith.constant 0 : i32
      %dma_wait3A_571 = tpu.memref_slice %arg3[%dma_wait3A_569, %dma_wait3A_570] : memref<8000x128xf32, #tpu.memory_space<hbm>> -> memref<8000x128xf32, #tpu.memory_space<hbm>>
      tpu.wait_indirect_dma semaphore(%arg15 : memref<!tpu.dma_semaphore, #tpu.memory_space<semaphore_mem>>) src(%dma_wait3A_571 : memref<8000x128xf32, #tpu.memory_space<hbm>>) dst(%dma_wait3A_568 : memref<16x128xf32, #tpu.memory_space<vmem>>)
      %dma_wait3A_572 = arith.constant 0 : i32
      %dma_wait3A_573 = arith.constant 32 : i32
      %dma_wait3A_574 = arith.constant 896 : i32
      %dma_wait3A_575 = tpu.memref_slice %arg6[%dma_wait3A_572, %dma_wait3A_573, %dma_wait3A_574] : memref<1x50x1024xf32, #tpu.memory_space<vmem>> -> memref<1x16x128xf32, #tpu.memory_space<vmem>>
      %dma_wait3A_576 = tpu.memref_squeeze %dma_wait3A_575 : memref<1x16x128xf32, #tpu.memory_space<vmem>> -> memref<16x128xf32, #tpu.memory_space<vmem>>
      %dma_wait3A_577 = arith.constant 0 : i32
      %dma_wait3A_578 = arith.constant 0 : i32
      %dma_wait3A_579 = tpu.memref_slice %arg3[%dma_wait3A_577, %dma_wait3A_578] : memref<8000x128xf32, #tpu.memory_space<hbm>> -> memref<8000x128xf32, #tpu.memory_space<hbm>>
      tpu.wait_indirect_dma semaphore(%arg15 : memref<!tpu.dma_semaphore, #tpu.memory_space<semaphore_mem>>) src(%dma_wait3A_579 : memref<8000x128xf32, #tpu.memory_space<hbm>>) dst(%dma_wait3A_576 : memref<16x128xf32, #tpu.memory_space<vmem>>)
      %dma_wait3A_580 = arith.constant 0 : i32
      %dma_wait3A_581 = arith.constant 0 : i32
      %dma_wait3A_582 = tpu.memref_slice %arg3[%dma_wait3A_580, %dma_wait3A_581] : memref<8000x128xf32, #tpu.memory_space<hbm>> -> memref<8000x128xf32, #tpu.memory_space<hbm>>
      tpu.wait_indirect_dma semaphore(%arg15 : memref<!tpu.dma_semaphore, #tpu.memory_space<semaphore_mem>>) src(%dma_wait3A_582 : memref<8000x128xf32, #tpu.memory_space<hbm>>) dst(%arg7 : memref<16x128xf32, #tpu.memory_space<vmem>>)
      %dma_wait3A_583 = arith.constant 0 : i32
      %dma_wait3A_584 = arith.constant 0 : i32
      %dma_wait3A_585 = tpu.memref_slice %arg3[%dma_wait3A_583, %dma_wait3A_584] : memref<8000x128xf32, #tpu.memory_space<hbm>> -> memref<8000x128xf32, #tpu.memory_space<hbm>>
      tpu.wait_indirect_dma semaphore(%arg15 : memref<!tpu.dma_semaphore, #tpu.memory_space<semaphore_mem>>) src(%dma_wait3A_585 : memref<8000x128xf32, #tpu.memory_space<hbm>>) dst(%arg8 : memref<16x128xf32, #tpu.memory_space<vmem>>)
      %dma_wait3A_586 = arith.constant 0 : i32
      %dma_wait3A_587 = arith.constant 0 : i32
      %dma_wait3A_588 = tpu.memref_slice %arg3[%dma_wait3A_586, %dma_wait3A_587] : memref<8000x128xf32, #tpu.memory_space<hbm>> -> memref<8000x128xf32, #tpu.memory_space<hbm>>
      tpu.wait_indirect_dma semaphore(%arg15 : memref<!tpu.dma_semaphore, #tpu.memory_space<semaphore_mem>>) src(%dma_wait3A_588 : memref<8000x128xf32, #tpu.memory_space<hbm>>) dst(%arg9 : memref<16x128xf32, #tpu.memory_space<vmem>>)
      %dma_wait3A_589 = arith.constant 0 : i32
      %dma_wait3A_590 = arith.constant 0 : i32
      %dma_wait3A_591 = tpu.memref_slice %arg3[%dma_wait3A_589, %dma_wait3A_590] : memref<8000x128xf32, #tpu.memory_space<hbm>> -> memref<8000x128xf32, #tpu.memory_space<hbm>>
      tpu.wait_indirect_dma semaphore(%arg15 : memref<!tpu.dma_semaphore, #tpu.memory_space<semaphore_mem>>) src(%dma_wait3A_591 : memref<8000x128xf32, #tpu.memory_space<hbm>>) dst(%arg10 : memref<16x128xf32, #tpu.memory_space<vmem>>)
      %dma_wait3A_592 = arith.constant 0 : i32
      %dma_wait3A_593 = arith.constant 0 : i32
      %dma_wait3A_594 = tpu.memref_slice %arg3[%dma_wait3A_592, %dma_wait3A_593] : memref<8000x128xf32, #tpu.memory_space<hbm>> -> memref<8000x128xf32, #tpu.memory_space<hbm>>
      tpu.wait_indirect_dma semaphore(%arg15 : memref<!tpu.dma_semaphore, #tpu.memory_space<semaphore_mem>>) src(%dma_wait3A_594 : memref<8000x128xf32, #tpu.memory_space<hbm>>) dst(%arg11 : memref<16x128xf32, #tpu.memory_space<vmem>>)
      %dma_wait3A_595 = arith.constant 0 : i32
      %dma_wait3A_596 = arith.constant 0 : i32
      %dma_wait3A_597 = tpu.memref_slice %arg3[%dma_wait3A_595, %dma_wait3A_596] : memref<8000x128xf32, #tpu.memory_space<hbm>> -> memref<8000x128xf32, #tpu.memory_space<hbm>>
      tpu.wait_indirect_dma semaphore(%arg15 : memref<!tpu.dma_semaphore, #tpu.memory_space<semaphore_mem>>) src(%dma_wait3A_597 : memref<8000x128xf32, #tpu.memory_space<hbm>>) dst(%arg12 : memref<16x128xf32, #tpu.memory_space<vmem>>)
      %dma_wait3A_598 = arith.constant 0 : i32
      %dma_wait3A_599 = arith.constant 0 : i32
      %dma_wait3A_600 = tpu.memref_slice %arg3[%dma_wait3A_598, %dma_wait3A_599] : memref<8000x128xf32, #tpu.memory_space<hbm>> -> memref<8000x128xf32, #tpu.memory_space<hbm>>
      tpu.wait_indirect_dma semaphore(%arg15 : memref<!tpu.dma_semaphore, #tpu.memory_space<semaphore_mem>>) src(%dma_wait3A_600 : memref<8000x128xf32, #tpu.memory_space<hbm>>) dst(%arg13 : memref<16x128xf32, #tpu.memory_space<vmem>>)
      %dma_wait3A_601 = arith.constant 0 : i32
      %dma_wait3A_602 = arith.constant 0 : i32
      %dma_wait3A_603 = tpu.memref_slice %arg3[%dma_wait3A_601, %dma_wait3A_602] : memref<8000x128xf32, #tpu.memory_space<hbm>> -> memref<8000x128xf32, #tpu.memory_space<hbm>>
      tpu.wait_indirect_dma semaphore(%arg15 : memref<!tpu.dma_semaphore, #tpu.memory_space<semaphore_mem>>) src(%dma_wait3A_603 : memref<8000x128xf32, #tpu.memory_space<hbm>>) dst(%arg14 : memref<16x128xf32, #tpu.memory_space<vmem>>)
      %get3A_604 = arith.constant 14 : i32
      %get3A_605 = arith.index_cast %get3A_604 : i32 to index
      %get3A_606 = arith.constant 0 : index
      %get3A_607 = tpu.vector_load %arg7[%get3A_605, %get3A_606] {strides = array<i32>} : memref<16x128xf32, #tpu.memory_space<vmem>>, vector<1x16xf32>,
      %get3A_608 = vector.shape_cast %get3A_607 : vector<1x16xf32> to vector<16xf32>
      %swap3A = arith.constant 0 : i32
      %swap3A_609 = arith.constant 48 : i32
      %swap3A_610 = arith.index_cast %swap3A : i32 to index
      %swap3A_611 = arith.index_cast %swap3A_609 : i32 to index
      %swap3A_612 = arith.constant 0 : index
      %swap3A_613 = tpu.vector_load %arg6[%swap3A_610, %swap3A_611, %swap3A_612] {strides = array<i32>} : memref<1x50x1024xf32, #tpu.memory_space<vmem>>, vector<1x1x16xf32>,
      %swap3A_614 = vector.shape_cast %swap3A_613 : vector<1x1x16xf32> to vector<16xf32>
      %swap3A_615 = vector.shape_cast %get3A_608 : vector<16xf32> to vector<1x1x16xf32>
      tpu.vector_store %arg6[%swap3A_610, %swap3A_611, %swap3A_612], %swap3A_615 {strides = array<i32>} : memref<1x50x1024xf32, #tpu.memory_space<vmem>>, vector<1x1x16xf32>,
      %get3A_616 = arith.constant 14 : i32
      %get3A_617 = arith.index_cast %get3A_616 : i32 to index
      %get3A_618 = arith.constant 16 : index
      %get3A_619 = tpu.vector_load %arg7[%get3A_617, %get3A_618] {strides = array<i32>} : memref<16x128xf32, #tpu.memory_space<vmem>>, vector<1x16xf32>,
      %get3A_620 = vector.shape_cast %get3A_619 : vector<1x16xf32> to vector<16xf32>
      %swap3A_621 = arith.constant 0 : i32
      %swap3A_622 = arith.constant 48 : i32
      %swap3A_623 = arith.index_cast %swap3A_621 : i32 to index
      %swap3A_624 = arith.index_cast %swap3A_622 : i32 to index
      %swap3A_625 = arith.constant 16 : index
      %swap3A_626 = tpu.vector_load %arg6[%swap3A_623, %swap3A_624, %swap3A_625] {strides = array<i32>} : memref<1x50x1024xf32, #tpu.memory_space<vmem>>, vector<1x1x16xf32>,
      %swap3A_627 = vector.shape_cast %swap3A_626 : vector<1x1x16xf32> to vector<16xf32>
      %swap3A_628 = vector.shape_cast %get3A_620 : vector<16xf32> to vector<1x1x16xf32>
      tpu.vector_store %arg6[%swap3A_623, %swap3A_624, %swap3A_625], %swap3A_628 {strides = array<i32>} : memref<1x50x1024xf32, #tpu.memory_space<vmem>>, vector<1x1x16xf32>,
      %get3A_629 = arith.constant 14 : i32
      %get3A_630 = arith.index_cast %get3A_629 : i32 to index
      %get3A_631 = arith.constant 32 : index
      %get3A_632 = tpu.vector_load %arg7[%get3A_630, %get3A_631] {strides = array<i32>} : memref<16x128xf32, #tpu.memory_space<vmem>>, vector<1x16xf32>,
      %get3A_633 = vector.shape_cast %get3A_632 : vector<1x16xf32> to vector<16xf32>
      %swap3A_634 = arith.constant 0 : i32
      %swap3A_635 = arith.constant 48 : i32
      %swap3A_636 = arith.index_cast %swap3A_634 : i32 to index
      %swap3A_637 = arith.index_cast %swap3A_635 : i32 to index
      %swap3A_638 = arith.constant 32 : index
      %swap3A_639 = tpu.vector_load %arg6[%swap3A_636, %swap3A_637, %swap3A_638] {strides = array<i32>} : memref<1x50x1024xf32, #tpu.memory_space<vmem>>, vector<1x1x16xf32>,
      %swap3A_640 = vector.shape_cast %swap3A_639 : vector<1x1x16xf32> to vector<16xf32>
      %swap3A_641 = vector.shape_cast %get3A_633 : vector<16xf32> to vector<1x1x16xf32>
      tpu.vector_store %arg6[%swap3A_636, %swap3A_637, %swap3A_638], %swap3A_641 {strides = array<i32>} : memref<1x50x1024xf32, #tpu.memory_space<vmem>>, vector<1x1x16xf32>,
      %get3A_642 = arith.constant 14 : i32
      %get3A_643 = arith.index_cast %get3A_642 : i32 to index
      %get3A_644 = arith.constant 48 : index
      %get3A_645 = tpu.vector_load %arg7[%get3A_643, %get3A_644] {strides = array<i32>} : memref<16x128xf32, #tpu.memory_space<vmem>>, vector<1x16xf32>,
      %get3A_646 = vector.shape_cast %get3A_645 : vector<1x16xf32> to vector<16xf32>
      %swap3A_647 = arith.constant 0 : i32
      %swap3A_648 = arith.constant 48 : i32
      %swap3A_649 = arith.index_cast %swap3A_647 : i32 to index
      %swap3A_650 = arith.index_cast %swap3A_648 : i32 to index
      %swap3A_651 = arith.constant 48 : index
      %swap3A_652 = tpu.vector_load %arg6[%swap3A_649, %swap3A_650, %swap3A_651] {strides = array<i32>} : memref<1x50x1024xf32, #tpu.memory_space<vmem>>, vector<1x1x16xf32>,
      %swap3A_653 = vector.shape_cast %swap3A_652 : vector<1x1x16xf32> to vector<16xf32>
      %swap3A_654 = vector.shape_cast %get3A_646 : vector<16xf32> to vector<1x1x16xf32>
      tpu.vector_store %arg6[%swap3A_649, %swap3A_650, %swap3A_651], %swap3A_654 {strides = array<i32>} : memref<1x50x1024xf32, #tpu.memory_space<vmem>>, vector<1x1x16xf32>,
      %get3A_655 = arith.constant 14 : i32
      %get3A_656 = arith.index_cast %get3A_655 : i32 to index
      %get3A_657 = arith.constant 64 : index
      %get3A_658 = tpu.vector_load %arg7[%get3A_656, %get3A_657] {strides = array<i32>} : memref<16x128xf32, #tpu.memory_space<vmem>>, vector<1x16xf32>,
      %get3A_659 = vector.shape_cast %get3A_658 : vector<1x16xf32> to vector<16xf32>
      %swap3A_660 = arith.constant 0 : i32
      %swap3A_661 = arith.constant 48 : i32
      %swap3A_662 = arith.index_cast %swap3A_660 : i32 to index
      %swap3A_663 = arith.index_cast %swap3A_661 : i32 to index
      %swap3A_664 = arith.constant 64 : index
      %swap3A_665 = tpu.vector_load %arg6[%swap3A_662, %swap3A_663, %swap3A_664] {strides = array<i32>} : memref<1x50x1024xf32, #tpu.memory_space<vmem>>, vector<1x1x16xf32>,
      %swap3A_666 = vector.shape_cast %swap3A_665 : vector<1x1x16xf32> to vector<16xf32>
      %swap3A_667 = vector.shape_cast %get3A_659 : vector<16xf32> to vector<1x1x16xf32>
      tpu.vector_store %arg6[%swap3A_662, %swap3A_663, %swap3A_664], %swap3A_667 {strides = array<i32>} : memref<1x50x1024xf32, #tpu.memory_space<vmem>>, vector<1x1x16xf32>,
      %get3A_668 = arith.constant 14 : i32
      %get3A_669 = arith.index_cast %get3A_668 : i32 to index
      %get3A_670 = arith.constant 80 : index
      %get3A_671 = tpu.vector_load %arg7[%get3A_669, %get3A_670] {strides = array<i32>} : memref<16x128xf32, #tpu.memory_space<vmem>>, vector<1x16xf32>,
      %get3A_672 = vector.shape_cast %get3A_671 : vector<1x16xf32> to vector<16xf32>
      %swap3A_673 = arith.constant 0 : i32
      %swap3A_674 = arith.constant 48 : i32
      %swap3A_675 = arith.index_cast %swap3A_673 : i32 to index
      %swap3A_676 = arith.index_cast %swap3A_674 : i32 to index
      %swap3A_677 = arith.constant 80 : index
      %swap3A_678 = tpu.vector_load %arg6[%swap3A_675, %swap3A_676, %swap3A_677] {strides = array<i32>} : memref<1x50x1024xf32, #tpu.memory_space<vmem>>, vector<1x1x16xf32>,
      %swap3A_679 = vector.shape_cast %swap3A_678 : vector<1x1x16xf32> to vector<16xf32>
      %swap3A_680 = vector.shape_cast %get3A_672 : vector<16xf32> to vector<1x1x16xf32>
      tpu.vector_store %arg6[%swap3A_675, %swap3A_676, %swap3A_677], %swap3A_680 {strides = array<i32>} : memref<1x50x1024xf32, #tpu.memory_space<vmem>>, vector<1x1x16xf32>,
      %get3A_681 = arith.constant 14 : i32
      %get3A_682 = arith.index_cast %get3A_681 : i32 to index
      %get3A_683 = arith.constant 96 : index
      %get3A_684 = tpu.vector_load %arg7[%get3A_682, %get3A_683] {strides = array<i32>} : memref<16x128xf32, #tpu.memory_space<vmem>>, vector<1x16xf32>,
      %get3A_685 = vector.shape_cast %get3A_684 : vector<1x16xf32> to vector<16xf32>
      %swap3A_686 = arith.constant 0 : i32
      %swap3A_687 = arith.constant 48 : i32
      %swap3A_688 = arith.index_cast %swap3A_686 : i32 to index
      %swap3A_689 = arith.index_cast %swap3A_687 : i32 to index
      %swap3A_690 = arith.constant 96 : index
      %swap3A_691 = tpu.vector_load %arg6[%swap3A_688, %swap3A_689, %swap3A_690] {strides = array<i32>} : memref<1x50x1024xf32, #tpu.memory_space<vmem>>, vector<1x1x16xf32>,
      %swap3A_692 = vector.shape_cast %swap3A_691 : vector<1x1x16xf32> to vector<16xf32>
      %swap3A_693 = vector.shape_cast %get3A_685 : vector<16xf32> to vector<1x1x16xf32>
      tpu.vector_store %arg6[%swap3A_688, %swap3A_689, %swap3A_690], %swap3A_693 {strides = array<i32>} : memref<1x50x1024xf32, #tpu.memory_space<vmem>>, vector<1x1x16xf32>,
      %get3A_694 = arith.constant 14 : i32
      %get3A_695 = arith.index_cast %get3A_694 : i32 to index
      %get3A_696 = arith.constant 112 : index
      %get3A_697 = tpu.vector_load %arg7[%get3A_695, %get3A_696] {strides = array<i32>} : memref<16x128xf32, #tpu.memory_space<vmem>>, vector<1x16xf32>,
      %get3A_698 = vector.shape_cast %get3A_697 : vector<1x16xf32> to vector<16xf32>
      %swap3A_699 = arith.constant 0 : i32
      %swap3A_700 = arith.constant 48 : i32
      %swap3A_701 = arith.index_cast %swap3A_699 : i32 to index
      %swap3A_702 = arith.index_cast %swap3A_700 : i32 to index
      %swap3A_703 = arith.constant 112 : index
      %swap3A_704 = tpu.vector_load %arg6[%swap3A_701, %swap3A_702, %swap3A_703] {strides = array<i32>} : memref<1x50x1024xf32, #tpu.memory_space<vmem>>, vector<1x1x16xf32>,
      %swap3A_705 = vector.shape_cast %swap3A_704 : vector<1x1x16xf32> to vector<16xf32>
      %swap3A_706 = vector.shape_cast %get3A_698 : vector<16xf32> to vector<1x1x16xf32>
      tpu.vector_store %arg6[%swap3A_701, %swap3A_702, %swap3A_703], %swap3A_706 {strides = array<i32>} : memref<1x50x1024xf32, #tpu.memory_space<vmem>>, vector<1x1x16xf32>,
      %get3A_707 = arith.constant 14 : i32
      %get3A_708 = arith.index_cast %get3A_707 : i32 to index
      %get3A_709 = arith.constant 0 : index
      %get3A_710 = tpu.vector_load %arg8[%get3A_708, %get3A_709] {strides = array<i32>} : memref<16x128xf32, #tpu.memory_space<vmem>>, vector<1x16xf32>,
      %get3A_711 = vector.shape_cast %get3A_710 : vector<1x16xf32> to vector<16xf32>
      %swap3A_712 = arith.constant 0 : i32
      %swap3A_713 = arith.constant 48 : i32
      %swap3A_714 = arith.index_cast %swap3A_712 : i32 to index
      %swap3A_715 = arith.index_cast %swap3A_713 : i32 to index
      %swap3A_716 = arith.constant 128 : index
      %swap3A_717 = tpu.vector_load %arg6[%swap3A_714, %swap3A_715, %swap3A_716] {strides = array<i32>} : memref<1x50x1024xf32, #tpu.memory_space<vmem>>, vector<1x1x16xf32>,
      %swap3A_718 = vector.shape_cast %swap3A_717 : vector<1x1x16xf32> to vector<16xf32>
      %swap3A_719 = vector.shape_cast %get3A_711 : vector<16xf32> to vector<1x1x16xf32>
      tpu.vector_store %arg6[%swap3A_714, %swap3A_715, %swap3A_716], %swap3A_719 {strides = array<i32>} : memref<1x50x1024xf32, #tpu.memory_space<vmem>>, vector<1x1x16xf32>,
      %get3A_720 = arith.constant 14 : i32
      %get3A_721 = arith.index_cast %get3A_720 : i32 to index
      %get3A_722 = arith.constant 16 : index
      %get3A_723 = tpu.vector_load %arg8[%get3A_721, %get3A_722] {strides = array<i32>} : memref<16x128xf32, #tpu.memory_space<vmem>>, vector<1x16xf32>,
      %get3A_724 = vector.shape_cast %get3A_723 : vector<1x16xf32> to vector<16xf32>
      %swap3A_725 = arith.constant 0 : i32
      %swap3A_726 = arith.constant 48 : i32
      %swap3A_727 = arith.index_cast %swap3A_725 : i32 to index
      %swap3A_728 = arith.index_cast %swap3A_726 : i32 to index
      %swap3A_729 = arith.constant 144 : index
      %swap3A_730 = tpu.vector_load %arg6[%swap3A_727, %swap3A_728, %swap3A_729] {strides = array<i32>} : memref<1x50x1024xf32, #tpu.memory_space<vmem>>, vector<1x1x16xf32>,
      %swap3A_731 = vector.shape_cast %swap3A_730 : vector<1x1x16xf32> to vector<16xf32>
      %swap3A_732 = vector.shape_cast %get3A_724 : vector<16xf32> to vector<1x1x16xf32>
      tpu.vector_store %arg6[%swap3A_727, %swap3A_728, %swap3A_729], %swap3A_732 {strides = array<i32>} : memref<1x50x1024xf32, #tpu.memory_space<vmem>>, vector<1x1x16xf32>,
      %get3A_733 = arith.constant 14 : i32
      %get3A_734 = arith.index_cast %get3A_733 : i32 to index
      %get3A_735 = arith.constant 32 : index
      %get3A_736 = tpu.vector_load %arg8[%get3A_734, %get3A_735] {strides = array<i32>} : memref<16x128xf32, #tpu.memory_space<vmem>>, vector<1x16xf32>,
      %get3A_737 = vector.shape_cast %get3A_736 : vector<1x16xf32> to vector<16xf32>
      %swap3A_738 = arith.constant 0 : i32
      %swap3A_739 = arith.constant 48 : i32
      %swap3A_740 = arith.index_cast %swap3A_738 : i32 to index
      %swap3A_741 = arith.index_cast %swap3A_739 : i32 to index
      %swap3A_742 = arith.constant 160 : index
      %swap3A_743 = tpu.vector_load %arg6[%swap3A_740, %swap3A_741, %swap3A_742] {strides = array<i32>} : memref<1x50x1024xf32, #tpu.memory_space<vmem>>, vector<1x1x16xf32>,
      %swap3A_744 = vector.shape_cast %swap3A_743 : vector<1x1x16xf32> to vector<16xf32>
      %swap3A_745 = vector.shape_cast %get3A_737 : vector<16xf32> to vector<1x1x16xf32>
      tpu.vector_store %arg6[%swap3A_740, %swap3A_741, %swap3A_742], %swap3A_745 {strides = array<i32>} : memref<1x50x1024xf32, #tpu.memory_space<vmem>>, vector<1x1x16xf32>,
      %get3A_746 = arith.constant 14 : i32
      %get3A_747 = arith.index_cast %get3A_746 : i32 to index
      %get3A_748 = arith.constant 48 : index
      %get3A_749 = tpu.vector_load %arg8[%get3A_747, %get3A_748] {strides = array<i32>} : memref<16x128xf32, #tpu.memory_space<vmem>>, vector<1x16xf32>,
      %get3A_750 = vector.shape_cast %get3A_749 : vector<1x16xf32> to vector<16xf32>
      %swap3A_751 = arith.constant 0 : i32
      %swap3A_752 = arith.constant 48 : i32
      %swap3A_753 = arith.index_cast %swap3A_751 : i32 to index
      %swap3A_754 = arith.index_cast %swap3A_752 : i32 to index
      %swap3A_755 = arith.constant 176 : index
      %swap3A_756 = tpu.vector_load %arg6[%swap3A_753, %swap3A_754, %swap3A_755] {strides = array<i32>} : memref<1x50x1024xf32, #tpu.memory_space<vmem>>, vector<1x1x16xf32>,
      %swap3A_757 = vector.shape_cast %swap3A_756 : vector<1x1x16xf32> to vector<16xf32>
      %swap3A_758 = vector.shape_cast %get3A_750 : vector<16xf32> to vector<1x1x16xf32>
      tpu.vector_store %arg6[%swap3A_753, %swap3A_754, %swap3A_755], %swap3A_758 {strides = array<i32>} : memref<1x50x1024xf32, #tpu.memory_space<vmem>>, vector<1x1x16xf32>,
      %get3A_759 = arith.constant 14 : i32
      %get3A_760 = arith.index_cast %get3A_759 : i32 to index
      %get3A_761 = arith.constant 64 : index
      %get3A_762 = tpu.vector_load %arg8[%get3A_760, %get3A_761] {strides = array<i32>} : memref<16x128xf32, #tpu.memory_space<vmem>>, vector<1x16xf32>,
      %get3A_763 = vector.shape_cast %get3A_762 : vector<1x16xf32> to vector<16xf32>
      %swap3A_764 = arith.constant 0 : i32
      %swap3A_765 = arith.constant 48 : i32
      %swap3A_766 = arith.index_cast %swap3A_764 : i32 to index
      %swap3A_767 = arith.index_cast %swap3A_765 : i32 to index
      %swap3A_768 = arith.constant 192 : index
      %swap3A_769 = tpu.vector_load %arg6[%swap3A_766, %swap3A_767, %swap3A_768] {strides = array<i32>} : memref<1x50x1024xf32, #tpu.memory_space<vmem>>, vector<1x1x16xf32>,
      %swap3A_770 = vector.shape_cast %swap3A_769 : vector<1x1x16xf32> to vector<16xf32>
      %swap3A_771 = vector.shape_cast %get3A_763 : vector<16xf32> to vector<1x1x16xf32>
      tpu.vector_store %arg6[%swap3A_766, %swap3A_767, %swap3A_768], %swap3A_771 {strides = array<i32>} : memref<1x50x1024xf32, #tpu.memory_space<vmem>>, vector<1x1x16xf32>,
      %get3A_772 = arith.constant 14 : i32
      %get3A_773 = arith.index_cast %get3A_772 : i32 to index
      %get3A_774 = arith.constant 80 : index
      %get3A_775 = tpu.vector_load %arg8[%get3A_773, %get3A_774] {strides = array<i32>} : memref<16x128xf32, #tpu.memory_space<vmem>>, vector<1x16xf32>,
      %get3A_776 = vector.shape_cast %get3A_775 : vector<1x16xf32> to vector<16xf32>
      %swap3A_777 = arith.constant 0 : i32
      %swap3A_778 = arith.constant 48 : i32
      %swap3A_779 = arith.index_cast %swap3A_777 : i32 to index
      %swap3A_780 = arith.index_cast %swap3A_778 : i32 to index
      %swap3A_781 = arith.constant 208 : index
      %swap3A_782 = tpu.vector_load %arg6[%swap3A_779, %swap3A_780, %swap3A_781] {strides = array<i32>} : memref<1x50x1024xf32, #tpu.memory_space<vmem>>, vector<1x1x16xf32>,
      %swap3A_783 = vector.shape_cast %swap3A_782 : vector<1x1x16xf32> to vector<16xf32>
      %swap3A_784 = vector.shape_cast %get3A_776 : vector<16xf32> to vector<1x1x16xf32>
      tpu.vector_store %arg6[%swap3A_779, %swap3A_780, %swap3A_781], %swap3A_784 {strides = array<i32>} : memref<1x50x1024xf32, #tpu.memory_space<vmem>>, vector<1x1x16xf32>,
      %get3A_785 = arith.constant 14 : i32
      %get3A_786 = arith.index_cast %get3A_785 : i32 to index
      %get3A_787 = arith.constant 96 : index
      %get3A_788 = tpu.vector_load %arg8[%get3A_786, %get3A_787] {strides = array<i32>} : memref<16x128xf32, #tpu.memory_space<vmem>>, vector<1x16xf32>,
      %get3A_789 = vector.shape_cast %get3A_788 : vector<1x16xf32> to vector<16xf32>
      %swap3A_790 = arith.constant 0 : i32
      %swap3A_791 = arith.constant 48 : i32
      %swap3A_792 = arith.index_cast %swap3A_790 : i32 to index
      %swap3A_793 = arith.index_cast %swap3A_791 : i32 to index
      %swap3A_794 = arith.constant 224 : index
      %swap3A_795 = tpu.vector_load %arg6[%swap3A_792, %swap3A_793, %swap3A_794] {strides = array<i32>} : memref<1x50x1024xf32, #tpu.memory_space<vmem>>, vector<1x1x16xf32>,
      %swap3A_796 = vector.shape_cast %swap3A_795 : vector<1x1x16xf32> to vector<16xf32>
      %swap3A_797 = vector.shape_cast %get3A_789 : vector<16xf32> to vector<1x1x16xf32>
      tpu.vector_store %arg6[%swap3A_792, %swap3A_793, %swap3A_794], %swap3A_797 {strides = array<i32>} : memref<1x50x1024xf32, #tpu.memory_space<vmem>>, vector<1x1x16xf32>,
      %get3A_798 = arith.constant 14 : i32
      %get3A_799 = arith.index_cast %get3A_798 : i32 to index
      %get3A_800 = arith.constant 112 : index
      %get3A_801 = tpu.vector_load %arg8[%get3A_799, %get3A_800] {strides = array<i32>} : memref<16x128xf32, #tpu.memory_space<vmem>>, vector<1x16xf32>,
      %get3A_802 = vector.shape_cast %get3A_801 : vector<1x16xf32> to vector<16xf32>
      %swap3A_803 = arith.constant 0 : i32
      %swap3A_804 = arith.constant 48 : i32
      %swap3A_805 = arith.index_cast %swap3A_803 : i32 to index
      %swap3A_806 = arith.index_cast %swap3A_804 : i32 to index
      %swap3A_807 = arith.constant 240 : index
      %swap3A_808 = tpu.vector_load %arg6[%swap3A_805, %swap3A_806, %swap3A_807] {strides = array<i32>} : memref<1x50x1024xf32, #tpu.memory_space<vmem>>, vector<1x1x16xf32>,
      %swap3A_809 = vector.shape_cast %swap3A_808 : vector<1x1x16xf32> to vector<16xf32>
      %swap3A_810 = vector.shape_cast %get3A_802 : vector<16xf32> to vector<1x1x16xf32>
      tpu.vector_store %arg6[%swap3A_805, %swap3A_806, %swap3A_807], %swap3A_810 {strides = array<i32>} : memref<1x50x1024xf32, #tpu.memory_space<vmem>>, vector<1x1x16xf32>,
      %get3A_811 = arith.constant 14 : i32
      %get3A_812 = arith.index_cast %get3A_811 : i32 to index
      %get3A_813 = arith.constant 0 : index
      %get3A_814 = tpu.vector_load %arg9[%get3A_812, %get3A_813] {strides = array<i32>} : memref<16x128xf32, #tpu.memory_space<vmem>>, vector<1x16xf32>,
      %get3A_815 = vector.shape_cast %get3A_814 : vector<1x16xf32> to vector<16xf32>
      %swap3A_816 = arith.constant 0 : i32
      %swap3A_817 = arith.constant 48 : i32
      %swap3A_818 = arith.index_cast %swap3A_816 : i32 to index
      %swap3A_819 = arith.index_cast %swap3A_817 : i32 to index
      %swap3A_820 = arith.constant 256 : index
      %swap3A_821 = tpu.vector_load %arg6[%swap3A_818, %swap3A_819, %swap3A_820] {strides = array<i32>} : memref<1x50x1024xf32, #tpu.memory_space<vmem>>, vector<1x1x16xf32>,
      %swap3A_822 = vector.shape_cast %swap3A_821 : vector<1x1x16xf32> to vector<16xf32>
      %swap3A_823 = vector.shape_cast %get3A_815 : vector<16xf32> to vector<1x1x16xf32>
      tpu.vector_store %arg6[%swap3A_818, %swap3A_819, %swap3A_820], %swap3A_823 {strides = array<i32>} : memref<1x50x1024xf32, #tpu.memory_space<vmem>>, vector<1x1x16xf32>,
      %get3A_824 = arith.constant 14 : i32
      %get3A_825 = arith.index_cast %get3A_824 : i32 to index
      %get3A_826 = arith.constant 16 : index
      %get3A_827 = tpu.vector_load %arg9[%get3A_825, %get3A_826] {strides = array<i32>} : memref<16x128xf32, #tpu.memory_space<vmem>>, vector<1x16xf32>,
      %get3A_828 = vector.shape_cast %get3A_827 : vector<1x16xf32> to vector<16xf32>
      %swap3A_829 = arith.constant 0 : i32
      %swap3A_830 = arith.constant 48 : i32
      %swap3A_831 = arith.index_cast %swap3A_829 : i32 to index
      %swap3A_832 = arith.index_cast %swap3A_830 : i32 to index
      %swap3A_833 = arith.constant 272 : index
      %swap3A_834 = tpu.vector_load %arg6[%swap3A_831, %swap3A_832, %swap3A_833] {strides = array<i32>} : memref<1x50x1024xf32, #tpu.memory_space<vmem>>, vector<1x1x16xf32>,
      %swap3A_835 = vector.shape_cast %swap3A_834 : vector<1x1x16xf32> to vector<16xf32>
      %swap3A_836 = vector.shape_cast %get3A_828 : vector<16xf32> to vector<1x1x16xf32>
      tpu.vector_store %arg6[%swap3A_831, %swap3A_832, %swap3A_833], %swap3A_836 {strides = array<i32>} : memref<1x50x1024xf32, #tpu.memory_space<vmem>>, vector<1x1x16xf32>,
      %get3A_837 = arith.constant 14 : i32
      %get3A_838 = arith.index_cast %get3A_837 : i32 to index
      %get3A_839 = arith.constant 32 : index
      %get3A_840 = tpu.vector_load %arg9[%get3A_838, %get3A_839] {strides = array<i32>} : memref<16x128xf32, #tpu.memory_space<vmem>>, vector<1x16xf32>,
      %get3A_841 = vector.shape_cast %get3A_840 : vector<1x16xf32> to vector<16xf32>
      %swap3A_842 = arith.constant 0 : i32
      %swap3A_843 = arith.constant 48 : i32
      %swap3A_844 = arith.index_cast %swap3A_842 : i32 to index
      %swap3A_845 = arith.index_cast %swap3A_843 : i32 to index
      %swap3A_846 = arith.constant 288 : index
      %swap3A_847 = tpu.vector_load %arg6[%swap3A_844, %swap3A_845, %swap3A_846] {strides = array<i32>} : memref<1x50x1024xf32, #tpu.memory_space<vmem>>, vector<1x1x16xf32>,
      %swap3A_848 = vector.shape_cast %swap3A_847 : vector<1x1x16xf32> to vector<16xf32>
      %swap3A_849 = vector.shape_cast %get3A_841 : vector<16xf32> to vector<1x1x16xf32>
      tpu.vector_store %arg6[%swap3A_844, %swap3A_845, %swap3A_846], %swap3A_849 {strides = array<i32>} : memref<1x50x1024xf32, #tpu.memory_space<vmem>>, vector<1x1x16xf32>,
      %get3A_850 = arith.constant 14 : i32
      %get3A_851 = arith.index_cast %get3A_850 : i32 to index
      %get3A_852 = arith.constant 48 : index
      %get3A_853 = tpu.vector_load %arg9[%get3A_851, %get3A_852] {strides = array<i32>} : memref<16x128xf32, #tpu.memory_space<vmem>>, vector<1x16xf32>,
      %get3A_854 = vector.shape_cast %get3A_853 : vector<1x16xf32> to vector<16xf32>
      %swap3A_855 = arith.constant 0 : i32
      %swap3A_856 = arith.constant 48 : i32
      %swap3A_857 = arith.index_cast %swap3A_855 : i32 to index
      %swap3A_858 = arith.index_cast %swap3A_856 : i32 to index
      %swap3A_859 = arith.constant 304 : index
      %swap3A_860 = tpu.vector_load %arg6[%swap3A_857, %swap3A_858, %swap3A_859] {strides = array<i32>} : memref<1x50x1024xf32, #tpu.memory_space<vmem>>, vector<1x1x16xf32>,
      %swap3A_861 = vector.shape_cast %swap3A_860 : vector<1x1x16xf32> to vector<16xf32>
      %swap3A_862 = vector.shape_cast %get3A_854 : vector<16xf32> to vector<1x1x16xf32>
      tpu.vector_store %arg6[%swap3A_857, %swap3A_858, %swap3A_859], %swap3A_862 {strides = array<i32>} : memref<1x50x1024xf32, #tpu.memory_space<vmem>>, vector<1x1x16xf32>,
      %get3A_863 = arith.constant 14 : i32
      %get3A_864 = arith.index_cast %get3A_863 : i32 to index
      %get3A_865 = arith.constant 64 : index
      %get3A_866 = tpu.vector_load %arg9[%get3A_864, %get3A_865] {strides = array<i32>} : memref<16x128xf32, #tpu.memory_space<vmem>>, vector<1x16xf32>,
      %get3A_867 = vector.shape_cast %get3A_866 : vector<1x16xf32> to vector<16xf32>
      %swap3A_868 = arith.constant 0 : i32
      %swap3A_869 = arith.constant 48 : i32
      %swap3A_870 = arith.index_cast %swap3A_868 : i32 to index
      %swap3A_871 = arith.index_cast %swap3A_869 : i32 to index
      %swap3A_872 = arith.constant 320 : index
      %swap3A_873 = tpu.vector_load %arg6[%swap3A_870, %swap3A_871, %swap3A_872] {strides = array<i32>} : memref<1x50x1024xf32, #tpu.memory_space<vmem>>, vector<1x1x16xf32>,
      %swap3A_874 = vector.shape_cast %swap3A_873 : vector<1x1x16xf32> to vector<16xf32>
      %swap3A_875 = vector.shape_cast %get3A_867 : vector<16xf32> to vector<1x1x16xf32>
      tpu.vector_store %arg6[%swap3A_870, %swap3A_871, %swap3A_872], %swap3A_875 {strides = array<i32>} : memref<1x50x1024xf32, #tpu.memory_space<vmem>>, vector<1x1x16xf32>,
      %get3A_876 = arith.constant 14 : i32
      %get3A_877 = arith.index_cast %get3A_876 : i32 to index
      %get3A_878 = arith.constant 80 : index
      %get3A_879 = tpu.vector_load %arg9[%get3A_877, %get3A_878] {strides = array<i32>} : memref<16x128xf32, #tpu.memory_space<vmem>>, vector<1x16xf32>,
      %get3A_880 = vector.shape_cast %get3A_879 : vector<1x16xf32> to vector<16xf32>
      %swap3A_881 = arith.constant 0 : i32
      %swap3A_882 = arith.constant 48 : i32
      %swap3A_883 = arith.index_cast %swap3A_881 : i32 to index
      %swap3A_884 = arith.index_cast %swap3A_882 : i32 to index
      %swap3A_885 = arith.constant 336 : index
      %swap3A_886 = tpu.vector_load %arg6[%swap3A_883, %swap3A_884, %swap3A_885] {strides = array<i32>} : memref<1x50x1024xf32, #tpu.memory_space<vmem>>, vector<1x1x16xf32>,
      %swap3A_887 = vector.shape_cast %swap3A_886 : vector<1x1x16xf32> to vector<16xf32>
      %swap3A_888 = vector.shape_cast %get3A_880 : vector<16xf32> to vector<1x1x16xf32>
      tpu.vector_store %arg6[%swap3A_883, %swap3A_884, %swap3A_885], %swap3A_888 {strides = array<i32>} : memref<1x50x1024xf32, #tpu.memory_space<vmem>>, vector<1x1x16xf32>,
      %get3A_889 = arith.constant 14 : i32
      %get3A_890 = arith.index_cast %get3A_889 : i32 to index
      %get3A_891 = arith.constant 96 : index
      %get3A_892 = tpu.vector_load %arg9[%get3A_890, %get3A_891] {strides = array<i32>} : memref<16x128xf32, #tpu.memory_space<vmem>>, vector<1x16xf32>,
      %get3A_893 = vector.shape_cast %get3A_892 : vector<1x16xf32> to vector<16xf32>
      %swap3A_894 = arith.constant 0 : i32
      %swap3A_895 = arith.constant 48 : i32
      %swap3A_896 = arith.index_cast %swap3A_894 : i32 to index
      %swap3A_897 = arith.index_cast %swap3A_895 : i32 to index
      %swap3A_898 = arith.constant 352 : index
      %swap3A_899 = tpu.vector_load %arg6[%swap3A_896, %swap3A_897, %swap3A_898] {strides = array<i32>} : memref<1x50x1024xf32, #tpu.memory_space<vmem>>, vector<1x1x16xf32>,
      %swap3A_900 = vector.shape_cast %swap3A_899 : vector<1x1x16xf32> to vector<16xf32>
      %swap3A_901 = vector.shape_cast %get3A_893 : vector<16xf32> to vector<1x1x16xf32>
      tpu.vector_store %arg6[%swap3A_896, %swap3A_897, %swap3A_898], %swap3A_901 {strides = array<i32>} : memref<1x50x1024xf32, #tpu.memory_space<vmem>>, vector<1x1x16xf32>,
      %get3A_902 = arith.constant 14 : i32
      %get3A_903 = arith.index_cast %get3A_902 : i32 to index
      %get3A_904 = arith.constant 112 : index
      %get3A_905 = tpu.vector_load %arg9[%get3A_903, %get3A_904] {strides = array<i32>} : memref<16x128xf32, #tpu.memory_space<vmem>>, vector<1x16xf32>,
      %get3A_906 = vector.shape_cast %get3A_905 : vector<1x16xf32> to vector<16xf32>
      %swap3A_907 = arith.constant 0 : i32
      %swap3A_908 = arith.constant 48 : i32
      %swap3A_909 = arith.index_cast %swap3A_907 : i32 to index
      %swap3A_910 = arith.index_cast %swap3A_908 : i32 to index
      %swap3A_911 = arith.constant 368 : index
      %swap3A_912 = tpu.vector_load %arg6[%swap3A_909, %swap3A_910, %swap3A_911] {strides = array<i32>} : memref<1x50x1024xf32, #tpu.memory_space<vmem>>, vector<1x1x16xf32>,
      %swap3A_913 = vector.shape_cast %swap3A_912 : vector<1x1x16xf32> to vector<16xf32>
      %swap3A_914 = vector.shape_cast %get3A_906 : vector<16xf32> to vector<1x1x16xf32>
      tpu.vector_store %arg6[%swap3A_909, %swap3A_910, %swap3A_911], %swap3A_914 {strides = array<i32>} : memref<1x50x1024xf32, #tpu.memory_space<vmem>>, vector<1x1x16xf32>,
      %get3A_915 = arith.constant 14 : i32
      %get3A_916 = arith.index_cast %get3A_915 : i32 to index
      %get3A_917 = arith.constant 0 : index
      %get3A_918 = tpu.vector_load %arg10[%get3A_916, %get3A_917] {strides = array<i32>} : memref<16x128xf32, #tpu.memory_space<vmem>>, vector<1x16xf32>,
      %get3A_919 = vector.shape_cast %get3A_918 : vector<1x16xf32> to vector<16xf32>
      %swap3A_920 = arith.constant 0 : i32
      %swap3A_921 = arith.constant 48 : i32
      %swap3A_922 = arith.index_cast %swap3A_920 : i32 to index
      %swap3A_923 = arith.index_cast %swap3A_921 : i32 to index
      %swap3A_924 = arith.constant 384 : index
      %swap3A_925 = tpu.vector_load %arg6[%swap3A_922, %swap3A_923, %swap3A_924] {strides = array<i32>} : memref<1x50x1024xf32, #tpu.memory_space<vmem>>, vector<1x1x16xf32>,
      %swap3A_926 = vector.shape_cast %swap3A_925 : vector<1x1x16xf32> to vector<16xf32>
      %swap3A_927 = vector.shape_cast %get3A_919 : vector<16xf32> to vector<1x1x16xf32>
      tpu.vector_store %arg6[%swap3A_922, %swap3A_923, %swap3A_924], %swap3A_927 {strides = array<i32>} : memref<1x50x1024xf32, #tpu.memory_space<vmem>>, vector<1x1x16xf32>,
      %get3A_928 = arith.constant 14 : i32
      %get3A_929 = arith.index_cast %get3A_928 : i32 to index
      %get3A_930 = arith.constant 16 : index
      %get3A_931 = tpu.vector_load %arg10[%get3A_929, %get3A_930] {strides = array<i32>} : memref<16x128xf32, #tpu.memory_space<vmem>>, vector<1x16xf32>,
      %get3A_932 = vector.shape_cast %get3A_931 : vector<1x16xf32> to vector<16xf32>
      %swap3A_933 = arith.constant 0 : i32
      %swap3A_934 = arith.constant 48 : i32
      %swap3A_935 = arith.index_cast %swap3A_933 : i32 to index
      %swap3A_936 = arith.index_cast %swap3A_934 : i32 to index
      %swap3A_937 = arith.constant 400 : index
      %swap3A_938 = tpu.vector_load %arg6[%swap3A_935, %swap3A_936, %swap3A_937] {strides = array<i32>} : memref<1x50x1024xf32, #tpu.memory_space<vmem>>, vector<1x1x16xf32>,
      %swap3A_939 = vector.shape_cast %swap3A_938 : vector<1x1x16xf32> to vector<16xf32>
      %swap3A_940 = vector.shape_cast %get3A_932 : vector<16xf32> to vector<1x1x16xf32>
      tpu.vector_store %arg6[%swap3A_935, %swap3A_936, %swap3A_937], %swap3A_940 {strides = array<i32>} : memref<1x50x1024xf32, #tpu.memory_space<vmem>>, vector<1x1x16xf32>,
      %get3A_941 = arith.constant 14 : i32
      %get3A_942 = arith.index_cast %get3A_941 : i32 to index
      %get3A_943 = arith.constant 32 : index
      %get3A_944 = tpu.vector_load %arg10[%get3A_942, %get3A_943] {strides = array<i32>} : memref<16x128xf32, #tpu.memory_space<vmem>>, vector<1x16xf32>,
      %get3A_945 = vector.shape_cast %get3A_944 : vector<1x16xf32> to vector<16xf32>
      %swap3A_946 = arith.constant 0 : i32
      %swap3A_947 = arith.constant 48 : i32
      %swap3A_948 = arith.index_cast %swap3A_946 : i32 to index
      %swap3A_949 = arith.index_cast %swap3A_947 : i32 to index
      %swap3A_950 = arith.constant 416 : index
      %swap3A_951 = tpu.vector_load %arg6[%swap3A_948, %swap3A_949, %swap3A_950] {strides = array<i32>} : memref<1x50x1024xf32, #tpu.memory_space<vmem>>, vector<1x1x16xf32>,
      %swap3A_952 = vector.shape_cast %swap3A_951 : vector<1x1x16xf32> to vector<16xf32>
      %swap3A_953 = vector.shape_cast %get3A_945 : vector<16xf32> to vector<1x1x16xf32>
      tpu.vector_store %arg6[%swap3A_948, %swap3A_949, %swap3A_950], %swap3A_953 {strides = array<i32>} : memref<1x50x1024xf32, #tpu.memory_space<vmem>>, vector<1x1x16xf32>,
      %get3A_954 = arith.constant 14 : i32
      %get3A_955 = arith.index_cast %get3A_954 : i32 to index
      %get3A_956 = arith.constant 48 : index
      %get3A_957 = tpu.vector_load %arg10[%get3A_955, %get3A_956] {strides = array<i32>} : memref<16x128xf32, #tpu.memory_space<vmem>>, vector<1x16xf32>,
      %get3A_958 = vector.shape_cast %get3A_957 : vector<1x16xf32> to vector<16xf32>
      %swap3A_959 = arith.constant 0 : i32
      %swap3A_960 = arith.constant 48 : i32
      %swap3A_961 = arith.index_cast %swap3A_959 : i32 to index
      %swap3A_962 = arith.index_cast %swap3A_960 : i32 to index
      %swap3A_963 = arith.constant 432 : index
      %swap3A_964 = tpu.vector_load %arg6[%swap3A_961, %swap3A_962, %swap3A_963] {strides = array<i32>} : memref<1x50x1024xf32, #tpu.memory_space<vmem>>, vector<1x1x16xf32>,
      %swap3A_965 = vector.shape_cast %swap3A_964 : vector<1x1x16xf32> to vector<16xf32>
      %swap3A_966 = vector.shape_cast %get3A_958 : vector<16xf32> to vector<1x1x16xf32>
      tpu.vector_store %arg6[%swap3A_961, %swap3A_962, %swap3A_963], %swap3A_966 {strides = array<i32>} : memref<1x50x1024xf32, #tpu.memory_space<vmem>>, vector<1x1x16xf32>,
      %get3A_967 = arith.constant 14 : i32
      %get3A_968 = arith.index_cast %get3A_967 : i32 to index
      %get3A_969 = arith.constant 64 : index
      %get3A_970 = tpu.vector_load %arg10[%get3A_968, %get3A_969] {strides = array<i32>} : memref<16x128xf32, #tpu.memory_space<vmem>>, vector<1x16xf32>,
      %get3A_971 = vector.shape_cast %get3A_970 : vector<1x16xf32> to vector<16xf32>
      %swap3A_972 = arith.constant 0 : i32
      %swap3A_973 = arith.constant 48 : i32
      %swap3A_974 = arith.index_cast %swap3A_972 : i32 to index
      %swap3A_975 = arith.index_cast %swap3A_973 : i32 to index
      %swap3A_976 = arith.constant 448 : index
      %swap3A_977 = tpu.vector_load %arg6[%swap3A_974, %swap3A_975, %swap3A_976] {strides = array<i32>} : memref<1x50x1024xf32, #tpu.memory_space<vmem>>, vector<1x1x16xf32>,
      %swap3A_978 = vector.shape_cast %swap3A_977 : vector<1x1x16xf32> to vector<16xf32>
      %swap3A_979 = vector.shape_cast %get3A_971 : vector<16xf32> to vector<1x1x16xf32>
      tpu.vector_store %arg6[%swap3A_974, %swap3A_975, %swap3A_976], %swap3A_979 {strides = array<i32>} : memref<1x50x1024xf32, #tpu.memory_space<vmem>>, vector<1x1x16xf32>,
      %get3A_980 = arith.constant 14 : i32
      %get3A_981 = arith.index_cast %get3A_980 : i32 to index
      %get3A_982 = arith.constant 80 : index
      %get3A_983 = tpu.vector_load %arg10[%get3A_981, %get3A_982] {strides = array<i32>} : memref<16x128xf32, #tpu.memory_space<vmem>>, vector<1x16xf32>,
      %get3A_984 = vector.shape_cast %get3A_983 : vector<1x16xf32> to vector<16xf32>
      %swap3A_985 = arith.constant 0 : i32
      %swap3A_986 = arith.constant 48 : i32
      %swap3A_987 = arith.index_cast %swap3A_985 : i32 to index
      %swap3A_988 = arith.index_cast %swap3A_986 : i32 to index
      %swap3A_989 = arith.constant 464 : index
      %swap3A_990 = tpu.vector_load %arg6[%swap3A_987, %swap3A_988, %swap3A_989] {strides = array<i32>} : memref<1x50x1024xf32, #tpu.memory_space<vmem>>, vector<1x1x16xf32>,
      %swap3A_991 = vector.shape_cast %swap3A_990 : vector<1x1x16xf32> to vector<16xf32>
      %swap3A_992 = vector.shape_cast %get3A_984 : vector<16xf32> to vector<1x1x16xf32>
      tpu.vector_store %arg6[%swap3A_987, %swap3A_988, %swap3A_989], %swap3A_992 {strides = array<i32>} : memref<1x50x1024xf32, #tpu.memory_space<vmem>>, vector<1x1x16xf32>,
      %get3A_993 = arith.constant 14 : i32
      %get3A_994 = arith.index_cast %get3A_993 : i32 to index
      %get3A_995 = arith.constant 96 : index
      %get3A_996 = tpu.vector_load %arg10[%get3A_994, %get3A_995] {strides = array<i32>} : memref<16x128xf32, #tpu.memory_space<vmem>>, vector<1x16xf32>,
      %get3A_997 = vector.shape_cast %get3A_996 : vector<1x16xf32> to vector<16xf32>
      %swap3A_998 = arith.constant 0 : i32
      %swap3A_999 = arith.constant 48 : i32
      %swap3A_1000 = arith.index_cast %swap3A_998 : i32 to index
      %swap3A_1001 = arith.index_cast %swap3A_999 : i32 to index
      %swap3A_1002 = arith.constant 480 : index
      %swap3A_1003 = tpu.vector_load %arg6[%swap3A_1000, %swap3A_1001, %swap3A_1002] {strides = array<i32>} : memref<1x50x1024xf32, #tpu.memory_space<vmem>>, vector<1x1x16xf32>,
      %swap3A_1004 = vector.shape_cast %swap3A_1003 : vector<1x1x16xf32> to vector<16xf32>
      %swap3A_1005 = vector.shape_cast %get3A_997 : vector<16xf32> to vector<1x1x16xf32>
      tpu.vector_store %arg6[%swap3A_1000, %swap3A_1001, %swap3A_1002], %swap3A_1005 {strides = array<i32>} : memref<1x50x1024xf32, #tpu.memory_space<vmem>>, vector<1x1x16xf32>,
      %get3A_1006 = arith.constant 14 : i32
      %get3A_1007 = arith.index_cast %get3A_1006 : i32 to index
      %get3A_1008 = arith.constant 112 : index
      %get3A_1009 = tpu.vector_load %arg10[%get3A_1007, %get3A_1008] {strides = array<i32>} : memref<16x128xf32, #tpu.memory_space<vmem>>, vector<1x16xf32>,
      %get3A_1010 = vector.shape_cast %get3A_1009 : vector<1x16xf32> to vector<16xf32>
      %swap3A_1011 = arith.constant 0 : i32
      %swap3A_1012 = arith.constant 48 : i32
      %swap3A_1013 = arith.index_cast %swap3A_1011 : i32 to index
      %swap3A_1014 = arith.index_cast %swap3A_1012 : i32 to index
      %swap3A_1015 = arith.constant 496 : index
      %swap3A_1016 = tpu.vector_load %arg6[%swap3A_1013, %swap3A_1014, %swap3A_1015] {strides = array<i32>} : memref<1x50x1024xf32, #tpu.memory_space<vmem>>, vector<1x1x16xf32>,
      %swap3A_1017 = vector.shape_cast %swap3A_1016 : vector<1x1x16xf32> to vector<16xf32>
      %swap3A_1018 = vector.shape_cast %get3A_1010 : vector<16xf32> to vector<1x1x16xf32>
      tpu.vector_store %arg6[%swap3A_1013, %swap3A_1014, %swap3A_1015], %swap3A_1018 {strides = array<i32>} : memref<1x50x1024xf32, #tpu.memory_space<vmem>>, vector<1x1x16xf32>,
      %get3A_1019 = arith.constant 14 : i32
      %get3A_1020 = arith.index_cast %get3A_1019 : i32 to index
      %get3A_1021 = arith.constant 0 : index
      %get3A_1022 = tpu.vector_load %arg11[%get3A_1020, %get3A_1021] {strides = array<i32>} : memref<16x128xf32, #tpu.memory_space<vmem>>, vector<1x16xf32>,
      %get3A_1023 = vector.shape_cast %get3A_1022 : vector<1x16xf32> to vector<16xf32>
      %swap3A_1024 = arith.constant 0 : i32
      %swap3A_1025 = arith.constant 48 : i32
      %swap3A_1026 = arith.index_cast %swap3A_1024 : i32 to index
      %swap3A_1027 = arith.index_cast %swap3A_1025 : i32 to index
      %swap3A_1028 = arith.constant 512 : index
      %swap3A_1029 = tpu.vector_load %arg6[%swap3A_1026, %swap3A_1027, %swap3A_1028] {strides = array<i32>} : memref<1x50x1024xf32, #tpu.memory_space<vmem>>, vector<1x1x16xf32>,
      %swap3A_1030 = vector.shape_cast %swap3A_1029 : vector<1x1x16xf32> to vector<16xf32>
      %swap3A_1031 = vector.shape_cast %get3A_1023 : vector<16xf32> to vector<1x1x16xf32>
      tpu.vector_store %arg6[%swap3A_1026, %swap3A_1027, %swap3A_1028], %swap3A_1031 {strides = array<i32>} : memref<1x50x1024xf32, #tpu.memory_space<vmem>>, vector<1x1x16xf32>,
      %get3A_1032 = arith.constant 14 : i32
      %get3A_1033 = arith.index_cast %get3A_1032 : i32 to index
      %get3A_1034 = arith.constant 16 : index
      %get3A_1035 = tpu.vector_load %arg11[%get3A_1033, %get3A_1034] {strides = array<i32>} : memref<16x128xf32, #tpu.memory_space<vmem>>, vector<1x16xf32>,
      %get3A_1036 = vector.shape_cast %get3A_1035 : vector<1x16xf32> to vector<16xf32>
      %swap3A_1037 = arith.constant 0 : i32
      %swap3A_1038 = arith.constant 48 : i32
      %swap3A_1039 = arith.index_cast %swap3A_1037 : i32 to index
      %swap3A_1040 = arith.index_cast %swap3A_1038 : i32 to index
      %swap3A_1041 = arith.constant 528 : index
      %swap3A_1042 = tpu.vector_load %arg6[%swap3A_1039, %swap3A_1040, %swap3A_1041] {strides = array<i32>} : memref<1x50x1024xf32, #tpu.memory_space<vmem>>, vector<1x1x16xf32>,
      %swap3A_1043 = vector.shape_cast %swap3A_1042 : vector<1x1x16xf32> to vector<16xf32>
      %swap3A_1044 = vector.shape_cast %get3A_1036 : vector<16xf32> to vector<1x1x16xf32>
      tpu.vector_store %arg6[%swap3A_1039, %swap3A_1040, %swap3A_1041], %swap3A_1044 {strides = array<i32>} : memref<1x50x1024xf32, #tpu.memory_space<vmem>>, vector<1x1x16xf32>,
      %get3A_1045 = arith.constant 14 : i32
      %get3A_1046 = arith.index_cast %get3A_1045 : i32 to index
      %get3A_1047 = arith.constant 32 : index
      %get3A_1048 = tpu.vector_load %arg11[%get3A_1046, %get3A_1047] {strides = array<i32>} : memref<16x128xf32, #tpu.memory_space<vmem>>, vector<1x16xf32>,
      %get3A_1049 = vector.shape_cast %get3A_1048 : vector<1x16xf32> to vector<16xf32>
      %swap3A_1050 = arith.constant 0 : i32
      %swap3A_1051 = arith.constant 48 : i32
      %swap3A_1052 = arith.index_cast %swap3A_1050 : i32 to index
      %swap3A_1053 = arith.index_cast %swap3A_1051 : i32 to index
      %swap3A_1054 = arith.constant 544 : index
      %swap3A_1055 = tpu.vector_load %arg6[%swap3A_1052, %swap3A_1053, %swap3A_1054] {strides = array<i32>} : memref<1x50x1024xf32, #tpu.memory_space<vmem>>, vector<1x1x16xf32>,
      %swap3A_1056 = vector.shape_cast %swap3A_1055 : vector<1x1x16xf32> to vector<16xf32>
      %swap3A_1057 = vector.shape_cast %get3A_1049 : vector<16xf32> to vector<1x1x16xf32>
      tpu.vector_store %arg6[%swap3A_1052, %swap3A_1053, %swap3A_1054], %swap3A_1057 {strides = array<i32>} : memref<1x50x1024xf32, #tpu.memory_space<vmem>>, vector<1x1x16xf32>,
      %get3A_1058 = arith.constant 14 : i32
      %get3A_1059 = arith.index_cast %get3A_1058 : i32 to index
      %get3A_1060 = arith.constant 48 : index
      %get3A_1061 = tpu.vector_load %arg11[%get3A_1059, %get3A_1060] {strides = array<i32>} : memref<16x128xf32, #tpu.memory_space<vmem>>, vector<1x16xf32>,
      %get3A_1062 = vector.shape_cast %get3A_1061 : vector<1x16xf32> to vector<16xf32>
      %swap3A_1063 = arith.constant 0 : i32
      %swap3A_1064 = arith.constant 48 : i32
      %swap3A_1065 = arith.index_cast %swap3A_1063 : i32 to index
      %swap3A_1066 = arith.index_cast %swap3A_1064 : i32 to index
      %swap3A_1067 = arith.constant 560 : index
      %swap3A_1068 = tpu.vector_load %arg6[%swap3A_1065, %swap3A_1066, %swap3A_1067] {strides = array<i32>} : memref<1x50x1024xf32, #tpu.memory_space<vmem>>, vector<1x1x16xf32>,
      %swap3A_1069 = vector.shape_cast %swap3A_1068 : vector<1x1x16xf32> to vector<16xf32>
      %swap3A_1070 = vector.shape_cast %get3A_1062 : vector<16xf32> to vector<1x1x16xf32>
      tpu.vector_store %arg6[%swap3A_1065, %swap3A_1066, %swap3A_1067], %swap3A_1070 {strides = array<i32>} : memref<1x50x1024xf32, #tpu.memory_space<vmem>>, vector<1x1x16xf32>,
      %get3A_1071 = arith.constant 14 : i32
      %get3A_1072 = arith.index_cast %get3A_1071 : i32 to index
      %get3A_1073 = arith.constant 64 : index
      %get3A_1074 = tpu.vector_load %arg11[%get3A_1072, %get3A_1073] {strides = array<i32>} : memref<16x128xf32, #tpu.memory_space<vmem>>, vector<1x16xf32>,
      %get3A_1075 = vector.shape_cast %get3A_1074 : vector<1x16xf32> to vector<16xf32>
      %swap3A_1076 = arith.constant 0 : i32
      %swap3A_1077 = arith.constant 48 : i32
      %swap3A_1078 = arith.index_cast %swap3A_1076 : i32 to index
      %swap3A_1079 = arith.index_cast %swap3A_1077 : i32 to index
      %swap3A_1080 = arith.constant 576 : index
      %swap3A_1081 = tpu.vector_load %arg6[%swap3A_1078, %swap3A_1079, %swap3A_1080] {strides = array<i32>} : memref<1x50x1024xf32, #tpu.memory_space<vmem>>, vector<1x1x16xf32>,
      %swap3A_1082 = vector.shape_cast %swap3A_1081 : vector<1x1x16xf32> to vector<16xf32>
      %swap3A_1083 = vector.shape_cast %get3A_1075 : vector<16xf32> to vector<1x1x16xf32>
      tpu.vector_store %arg6[%swap3A_1078, %swap3A_1079, %swap3A_1080], %swap3A_1083 {strides = array<i32>} : memref<1x50x1024xf32, #tpu.memory_space<vmem>>, vector<1x1x16xf32>,
      %get3A_1084 = arith.constant 14 : i32
      %get3A_1085 = arith.index_cast %get3A_1084 : i32 to index
      %get3A_1086 = arith.constant 80 : index
      %get3A_1087 = tpu.vector_load %arg11[%get3A_1085, %get3A_1086] {strides = array<i32>} : memref<16x128xf32, #tpu.memory_space<vmem>>, vector<1x16xf32>,
      %get3A_1088 = vector.shape_cast %get3A_1087 : vector<1x16xf32> to vector<16xf32>
      %swap3A_1089 = arith.constant 0 : i32
      %swap3A_1090 = arith.constant 48 : i32
      %swap3A_1091 = arith.index_cast %swap3A_1089 : i32 to index
      %swap3A_1092 = arith.index_cast %swap3A_1090 : i32 to index
      %swap3A_1093 = arith.constant 592 : index
      %swap3A_1094 = tpu.vector_load %arg6[%swap3A_1091, %swap3A_1092, %swap3A_1093] {strides = array<i32>} : memref<1x50x1024xf32, #tpu.memory_space<vmem>>, vector<1x1x16xf32>,
      %swap3A_1095 = vector.shape_cast %swap3A_1094 : vector<1x1x16xf32> to vector<16xf32>
      %swap3A_1096 = vector.shape_cast %get3A_1088 : vector<16xf32> to vector<1x1x16xf32>
      tpu.vector_store %arg6[%swap3A_1091, %swap3A_1092, %swap3A_1093], %swap3A_1096 {strides = array<i32>} : memref<1x50x1024xf32, #tpu.memory_space<vmem>>, vector<1x1x16xf32>,
      %get3A_1097 = arith.constant 14 : i32
      %get3A_1098 = arith.index_cast %get3A_1097 : i32 to index
      %get3A_1099 = arith.constant 96 : index
      %get3A_1100 = tpu.vector_load %arg11[%get3A_1098, %get3A_1099] {strides = array<i32>} : memref<16x128xf32, #tpu.memory_space<vmem>>, vector<1x16xf32>,
      %get3A_1101 = vector.shape_cast %get3A_1100 : vector<1x16xf32> to vector<16xf32>
      %swap3A_1102 = arith.constant 0 : i32
      %swap3A_1103 = arith.constant 48 : i32
      %swap3A_1104 = arith.index_cast %swap3A_1102 : i32 to index
      %swap3A_1105 = arith.index_cast %swap3A_1103 : i32 to index
      %swap3A_1106 = arith.constant 608 : index
      %swap3A_1107 = tpu.vector_load %arg6[%swap3A_1104, %swap3A_1105, %swap3A_1106] {strides = array<i32>} : memref<1x50x1024xf32, #tpu.memory_space<vmem>>, vector<1x1x16xf32>,
      %swap3A_1108 = vector.shape_cast %swap3A_1107 : vector<1x1x16xf32> to vector<16xf32>
      %swap3A_1109 = vector.shape_cast %get3A_1101 : vector<16xf32> to vector<1x1x16xf32>
      tpu.vector_store %arg6[%swap3A_1104, %swap3A_1105, %swap3A_1106], %swap3A_1109 {strides = array<i32>} : memref<1x50x1024xf32, #tpu.memory_space<vmem>>, vector<1x1x16xf32>,
      %get3A_1110 = arith.constant 14 : i32
      %get3A_1111 = arith.index_cast %get3A_1110 : i32 to index
      %get3A_1112 = arith.constant 112 : index
      %get3A_1113 = tpu.vector_load %arg11[%get3A_1111, %get3A_1112] {strides = array<i32>} : memref<16x128xf32, #tpu.memory_space<vmem>>, vector<1x16xf32>,
      %get3A_1114 = vector.shape_cast %get3A_1113 : vector<1x16xf32> to vector<16xf32>
      %swap3A_1115 = arith.constant 0 : i32
      %swap3A_1116 = arith.constant 48 : i32
      %swap3A_1117 = arith.index_cast %swap3A_1115 : i32 to index
      %swap3A_1118 = arith.index_cast %swap3A_1116 : i32 to index
      %swap3A_1119 = arith.constant 624 : index
      %swap3A_1120 = tpu.vector_load %arg6[%swap3A_1117, %swap3A_1118, %swap3A_1119] {strides = array<i32>} : memref<1x50x1024xf32, #tpu.memory_space<vmem>>, vector<1x1x16xf32>,
      %swap3A_1121 = vector.shape_cast %swap3A_1120 : vector<1x1x16xf32> to vector<16xf32>
      %swap3A_1122 = vector.shape_cast %get3A_1114 : vector<16xf32> to vector<1x1x16xf32>
      tpu.vector_store %arg6[%swap3A_1117, %swap3A_1118, %swap3A_1119], %swap3A_1122 {strides = array<i32>} : memref<1x50x1024xf32, #tpu.memory_space<vmem>>, vector<1x1x16xf32>,
      %get3A_1123 = arith.constant 14 : i32
      %get3A_1124 = arith.index_cast %get3A_1123 : i32 to index
      %get3A_1125 = arith.constant 0 : index
      %get3A_1126 = tpu.vector_load %arg12[%get3A_1124, %get3A_1125] {strides = array<i32>} : memref<16x128xf32, #tpu.memory_space<vmem>>, vector<1x16xf32>,
      %get3A_1127 = vector.shape_cast %get3A_1126 : vector<1x16xf32> to vector<16xf32>
      %swap3A_1128 = arith.constant 0 : i32
      %swap3A_1129 = arith.constant 48 : i32
      %swap3A_1130 = arith.index_cast %swap3A_1128 : i32 to index
      %swap3A_1131 = arith.index_cast %swap3A_1129 : i32 to index
      %swap3A_1132 = arith.constant 640 : index
      %swap3A_1133 = tpu.vector_load %arg6[%swap3A_1130, %swap3A_1131, %swap3A_1132] {strides = array<i32>} : memref<1x50x1024xf32, #tpu.memory_space<vmem>>, vector<1x1x16xf32>,
      %swap3A_1134 = vector.shape_cast %swap3A_1133 : vector<1x1x16xf32> to vector<16xf32>
      %swap3A_1135 = vector.shape_cast %get3A_1127 : vector<16xf32> to vector<1x1x16xf32>
      tpu.vector_store %arg6[%swap3A_1130, %swap3A_1131, %swap3A_1132], %swap3A_1135 {strides = array<i32>} : memref<1x50x1024xf32, #tpu.memory_space<vmem>>, vector<1x1x16xf32>,
      %get3A_1136 = arith.constant 14 : i32
      %get3A_1137 = arith.index_cast %get3A_1136 : i32 to index
      %get3A_1138 = arith.constant 16 : index
      %get3A_1139 = tpu.vector_load %arg12[%get3A_1137, %get3A_1138] {strides = array<i32>} : memref<16x128xf32, #tpu.memory_space<vmem>>, vector<1x16xf32>,
      %get3A_1140 = vector.shape_cast %get3A_1139 : vector<1x16xf32> to vector<16xf32>
      %swap3A_1141 = arith.constant 0 : i32
      %swap3A_1142 = arith.constant 48 : i32
      %swap3A_1143 = arith.index_cast %swap3A_1141 : i32 to index
      %swap3A_1144 = arith.index_cast %swap3A_1142 : i32 to index
      %swap3A_1145 = arith.constant 656 : index
      %swap3A_1146 = tpu.vector_load %arg6[%swap3A_1143, %swap3A_1144, %swap3A_1145] {strides = array<i32>} : memref<1x50x1024xf32, #tpu.memory_space<vmem>>, vector<1x1x16xf32>,
      %swap3A_1147 = vector.shape_cast %swap3A_1146 : vector<1x1x16xf32> to vector<16xf32>
      %swap3A_1148 = vector.shape_cast %get3A_1140 : vector<16xf32> to vector<1x1x16xf32>
      tpu.vector_store %arg6[%swap3A_1143, %swap3A_1144, %swap3A_1145], %swap3A_1148 {strides = array<i32>} : memref<1x50x1024xf32, #tpu.memory_space<vmem>>, vector<1x1x16xf32>,
      %get3A_1149 = arith.constant 14 : i32
      %get3A_1150 = arith.index_cast %get3A_1149 : i32 to index
      %get3A_1151 = arith.constant 32 : index
      %get3A_1152 = tpu.vector_load %arg12[%get3A_1150, %get3A_1151] {strides = array<i32>} : memref<16x128xf32, #tpu.memory_space<vmem>>, vector<1x16xf32>,
      %get3A_1153 = vector.shape_cast %get3A_1152 : vector<1x16xf32> to vector<16xf32>
      %swap3A_1154 = arith.constant 0 : i32
      %swap3A_1155 = arith.constant 48 : i32
      %swap3A_1156 = arith.index_cast %swap3A_1154 : i32 to index
      %swap3A_1157 = arith.index_cast %swap3A_1155 : i32 to index
      %swap3A_1158 = arith.constant 672 : index
      %swap3A_1159 = tpu.vector_load %arg6[%swap3A_1156, %swap3A_1157, %swap3A_1158] {strides = array<i32>} : memref<1x50x1024xf32, #tpu.memory_space<vmem>>, vector<1x1x16xf32>,
      %swap3A_1160 = vector.shape_cast %swap3A_1159 : vector<1x1x16xf32> to vector<16xf32>
      %swap3A_1161 = vector.shape_cast %get3A_1153 : vector<16xf32> to vector<1x1x16xf32>
      tpu.vector_store %arg6[%swap3A_1156, %swap3A_1157, %swap3A_1158], %swap3A_1161 {strides = array<i32>} : memref<1x50x1024xf32, #tpu.memory_space<vmem>>, vector<1x1x16xf32>,
      %get3A_1162 = arith.constant 14 : i32
      %get3A_1163 = arith.index_cast %get3A_1162 : i32 to index
      %get3A_1164 = arith.constant 48 : index
      %get3A_1165 = tpu.vector_load %arg12[%get3A_1163, %get3A_1164] {strides = array<i32>} : memref<16x128xf32, #tpu.memory_space<vmem>>, vector<1x16xf32>,
      %get3A_1166 = vector.shape_cast %get3A_1165 : vector<1x16xf32> to vector<16xf32>
      %swap3A_1167 = arith.constant 0 : i32
      %swap3A_1168 = arith.constant 48 : i32
      %swap3A_1169 = arith.index_cast %swap3A_1167 : i32 to index
      %swap3A_1170 = arith.index_cast %swap3A_1168 : i32 to index
      %swap3A_1171 = arith.constant 688 : index
      %swap3A_1172 = tpu.vector_load %arg6[%swap3A_1169, %swap3A_1170, %swap3A_1171] {strides = array<i32>} : memref<1x50x1024xf32, #tpu.memory_space<vmem>>, vector<1x1x16xf32>,
      %swap3A_1173 = vector.shape_cast %swap3A_1172 : vector<1x1x16xf32> to vector<16xf32>
      %swap3A_1174 = vector.shape_cast %get3A_1166 : vector<16xf32> to vector<1x1x16xf32>
      tpu.vector_store %arg6[%swap3A_1169, %swap3A_1170, %swap3A_1171], %swap3A_1174 {strides = array<i32>} : memref<1x50x1024xf32, #tpu.memory_space<vmem>>, vector<1x1x16xf32>,
      %get3A_1175 = arith.constant 14 : i32
      %get3A_1176 = arith.index_cast %get3A_1175 : i32 to index
      %get3A_1177 = arith.constant 64 : index
      %get3A_1178 = tpu.vector_load %arg12[%get3A_1176, %get3A_1177] {strides = array<i32>} : memref<16x128xf32, #tpu.memory_space<vmem>>, vector<1x16xf32>,
      %get3A_1179 = vector.shape_cast %get3A_1178 : vector<1x16xf32> to vector<16xf32>
      %swap3A_1180 = arith.constant 0 : i32
      %swap3A_1181 = arith.constant 48 : i32
      %swap3A_1182 = arith.index_cast %swap3A_1180 : i32 to index
      %swap3A_1183 = arith.index_cast %swap3A_1181 : i32 to index
      %swap3A_1184 = arith.constant 704 : index
      %swap3A_1185 = tpu.vector_load %arg6[%swap3A_1182, %swap3A_1183, %swap3A_1184] {strides = array<i32>} : memref<1x50x1024xf32, #tpu.memory_space<vmem>>, vector<1x1x16xf32>,
      %swap3A_1186 = vector.shape_cast %swap3A_1185 : vector<1x1x16xf32> to vector<16xf32>
      %swap3A_1187 = vector.shape_cast %get3A_1179 : vector<16xf32> to vector<1x1x16xf32>
      tpu.vector_store %arg6[%swap3A_1182, %swap3A_1183, %swap3A_1184], %swap3A_1187 {strides = array<i32>} : memref<1x50x1024xf32, #tpu.memory_space<vmem>>, vector<1x1x16xf32>,
      %get3A_1188 = arith.constant 14 : i32
      %get3A_1189 = arith.index_cast %get3A_1188 : i32 to index
      %get3A_1190 = arith.constant 80 : index
      %get3A_1191 = tpu.vector_load %arg12[%get3A_1189, %get3A_1190] {strides = array<i32>} : memref<16x128xf32, #tpu.memory_space<vmem>>, vector<1x16xf32>,
      %get3A_1192 = vector.shape_cast %get3A_1191 : vector<1x16xf32> to vector<16xf32>
      %swap3A_1193 = arith.constant 0 : i32
      %swap3A_1194 = arith.constant 48 : i32
      %swap3A_1195 = arith.index_cast %swap3A_1193 : i32 to index
      %swap3A_1196 = arith.index_cast %swap3A_1194 : i32 to index
      %swap3A_1197 = arith.constant 720 : index
      %swap3A_1198 = tpu.vector_load %arg6[%swap3A_1195, %swap3A_1196, %swap3A_1197] {strides = array<i32>} : memref<1x50x1024xf32, #tpu.memory_space<vmem>>, vector<1x1x16xf32>,
      %swap3A_1199 = vector.shape_cast %swap3A_1198 : vector<1x1x16xf32> to vector<16xf32>
      %swap3A_1200 = vector.shape_cast %get3A_1192 : vector<16xf32> to vector<1x1x16xf32>
      tpu.vector_store %arg6[%swap3A_1195, %swap3A_1196, %swap3A_1197], %swap3A_1200 {strides = array<i32>} : memref<1x50x1024xf32, #tpu.memory_space<vmem>>, vector<1x1x16xf32>,
      %get3A_1201 = arith.constant 14 : i32
      %get3A_1202 = arith.index_cast %get3A_1201 : i32 to index
      %get3A_1203 = arith.constant 96 : index
      %get3A_1204 = tpu.vector_load %arg12[%get3A_1202, %get3A_1203] {strides = array<i32>} : memref<16x128xf32, #tpu.memory_space<vmem>>, vector<1x16xf32>,
      %get3A_1205 = vector.shape_cast %get3A_1204 : vector<1x16xf32> to vector<16xf32>
      %swap3A_1206 = arith.constant 0 : i32
      %swap3A_1207 = arith.constant 48 : i32
      %swap3A_1208 = arith.index_cast %swap3A_1206 : i32 to index
      %swap3A_1209 = arith.index_cast %swap3A_1207 : i32 to index
      %swap3A_1210 = arith.constant 736 : index
      %swap3A_1211 = tpu.vector_load %arg6[%swap3A_1208, %swap3A_1209, %swap3A_1210] {strides = array<i32>} : memref<1x50x1024xf32, #tpu.memory_space<vmem>>, vector<1x1x16xf32>,
      %swap3A_1212 = vector.shape_cast %swap3A_1211 : vector<1x1x16xf32> to vector<16xf32>
      %swap3A_1213 = vector.shape_cast %get3A_1205 : vector<16xf32> to vector<1x1x16xf32>
      tpu.vector_store %arg6[%swap3A_1208, %swap3A_1209, %swap3A_1210], %swap3A_1213 {strides = array<i32>} : memref<1x50x1024xf32, #tpu.memory_space<vmem>>, vector<1x1x16xf32>,
      %get3A_1214 = arith.constant 14 : i32
      %get3A_1215 = arith.index_cast %get3A_1214 : i32 to index
      %get3A_1216 = arith.constant 112 : index
      %get3A_1217 = tpu.vector_load %arg12[%get3A_1215, %get3A_1216] {strides = array<i32>} : memref<16x128xf32, #tpu.memory_space<vmem>>, vector<1x16xf32>,
      %get3A_1218 = vector.shape_cast %get3A_1217 : vector<1x16xf32> to vector<16xf32>
      %swap3A_1219 = arith.constant 0 : i32
      %swap3A_1220 = arith.constant 48 : i32
      %swap3A_1221 = arith.index_cast %swap3A_1219 : i32 to index
      %swap3A_1222 = arith.index_cast %swap3A_1220 : i32 to index
      %swap3A_1223 = arith.constant 752 : index
      %swap3A_1224 = tpu.vector_load %arg6[%swap3A_1221, %swap3A_1222, %swap3A_1223] {strides = array<i32>} : memref<1x50x1024xf32, #tpu.memory_space<vmem>>, vector<1x1x16xf32>,
      %swap3A_1225 = vector.shape_cast %swap3A_1224 : vector<1x1x16xf32> to vector<16xf32>
      %swap3A_1226 = vector.shape_cast %get3A_1218 : vector<16xf32> to vector<1x1x16xf32>
      tpu.vector_store %arg6[%swap3A_1221, %swap3A_1222, %swap3A_1223], %swap3A_1226 {strides = array<i32>} : memref<1x50x1024xf32, #tpu.memory_space<vmem>>, vector<1x1x16xf32>,
      %get3A_1227 = arith.constant 14 : i32
      %get3A_1228 = arith.index_cast %get3A_1227 : i32 to index
      %get3A_1229 = arith.constant 0 : index
      %get3A_1230 = tpu.vector_load %arg13[%get3A_1228, %get3A_1229] {strides = array<i32>} : memref<16x128xf32, #tpu.memory_space<vmem>>, vector<1x16xf32>,
      %get3A_1231 = vector.shape_cast %get3A_1230 : vector<1x16xf32> to vector<16xf32>
      %swap3A_1232 = arith.constant 0 : i32
      %swap3A_1233 = arith.constant 48 : i32
      %swap3A_1234 = arith.index_cast %swap3A_1232 : i32 to index
      %swap3A_1235 = arith.index_cast %swap3A_1233 : i32 to index
      %swap3A_1236 = arith.constant 768 : index
      %swap3A_1237 = tpu.vector_load %arg6[%swap3A_1234, %swap3A_1235, %swap3A_1236] {strides = array<i32>} : memref<1x50x1024xf32, #tpu.memory_space<vmem>>, vector<1x1x16xf32>,
      %swap3A_1238 = vector.shape_cast %swap3A_1237 : vector<1x1x16xf32> to vector<16xf32>
      %swap3A_1239 = vector.shape_cast %get3A_1231 : vector<16xf32> to vector<1x1x16xf32>
      tpu.vector_store %arg6[%swap3A_1234, %swap3A_1235, %swap3A_1236], %swap3A_1239 {strides = array<i32>} : memref<1x50x1024xf32, #tpu.memory_space<vmem>>, vector<1x1x16xf32>,
      %get3A_1240 = arith.constant 14 : i32
      %get3A_1241 = arith.index_cast %get3A_1240 : i32 to index
      %get3A_1242 = arith.constant 16 : index
      %get3A_1243 = tpu.vector_load %arg13[%get3A_1241, %get3A_1242] {strides = array<i32>} : memref<16x128xf32, #tpu.memory_space<vmem>>, vector<1x16xf32>,
      %get3A_1244 = vector.shape_cast %get3A_1243 : vector<1x16xf32> to vector<16xf32>
      %swap3A_1245 = arith.constant 0 : i32
      %swap3A_1246 = arith.constant 48 : i32
      %swap3A_1247 = arith.index_cast %swap3A_1245 : i32 to index
      %swap3A_1248 = arith.index_cast %swap3A_1246 : i32 to index
      %swap3A_1249 = arith.constant 784 : index
      %swap3A_1250 = tpu.vector_load %arg6[%swap3A_1247, %swap3A_1248, %swap3A_1249] {strides = array<i32>} : memref<1x50x1024xf32, #tpu.memory_space<vmem>>, vector<1x1x16xf32>,
      %swap3A_1251 = vector.shape_cast %swap3A_1250 : vector<1x1x16xf32> to vector<16xf32>
      %swap3A_1252 = vector.shape_cast %get3A_1244 : vector<16xf32> to vector<1x1x16xf32>
      tpu.vector_store %arg6[%swap3A_1247, %swap3A_1248, %swap3A_1249], %swap3A_1252 {strides = array<i32>} : memref<1x50x1024xf32, #tpu.memory_space<vmem>>, vector<1x1x16xf32>,
      %get3A_1253 = arith.constant 14 : i32
      %get3A_1254 = arith.index_cast %get3A_1253 : i32 to index
      %get3A_1255 = arith.constant 32 : index
      %get3A_1256 = tpu.vector_load %arg13[%get3A_1254, %get3A_1255] {strides = array<i32>} : memref<16x128xf32, #tpu.memory_space<vmem>>, vector<1x16xf32>,
      %get3A_1257 = vector.shape_cast %get3A_1256 : vector<1x16xf32> to vector<16xf32>
      %swap3A_1258 = arith.constant 0 : i32
      %swap3A_1259 = arith.constant 48 : i32
      %swap3A_1260 = arith.index_cast %swap3A_1258 : i32 to index
      %swap3A_1261 = arith.index_cast %swap3A_1259 : i32 to index
      %swap3A_1262 = arith.constant 800 : index
      %swap3A_1263 = tpu.vector_load %arg6[%swap3A_1260, %swap3A_1261, %swap3A_1262] {strides = array<i32>} : memref<1x50x1024xf32, #tpu.memory_space<vmem>>, vector<1x1x16xf32>,
      %swap3A_1264 = vector.shape_cast %swap3A_1263 : vector<1x1x16xf32> to vector<16xf32>
      %swap3A_1265 = vector.shape_cast %get3A_1257 : vector<16xf32> to vector<1x1x16xf32>
      tpu.vector_store %arg6[%swap3A_1260, %swap3A_1261, %swap3A_1262], %swap3A_1265 {strides = array<i32>} : memref<1x50x1024xf32, #tpu.memory_space<vmem>>, vector<1x1x16xf32>,
      %get3A_1266 = arith.constant 14 : i32
      %get3A_1267 = arith.index_cast %get3A_1266 : i32 to index
      %get3A_1268 = arith.constant 48 : index
      %get3A_1269 = tpu.vector_load %arg13[%get3A_1267, %get3A_1268] {strides = array<i32>} : memref<16x128xf32, #tpu.memory_space<vmem>>, vector<1x16xf32>,
      %get3A_1270 = vector.shape_cast %get3A_1269 : vector<1x16xf32> to vector<16xf32>
      %swap3A_1271 = arith.constant 0 : i32
      %swap3A_1272 = arith.constant 48 : i32
      %swap3A_1273 = arith.index_cast %swap3A_1271 : i32 to index
      %swap3A_1274 = arith.index_cast %swap3A_1272 : i32 to index
      %swap3A_1275 = arith.constant 816 : index
      %swap3A_1276 = tpu.vector_load %arg6[%swap3A_1273, %swap3A_1274, %swap3A_1275] {strides = array<i32>} : memref<1x50x1024xf32, #tpu.memory_space<vmem>>, vector<1x1x16xf32>,
      %swap3A_1277 = vector.shape_cast %swap3A_1276 : vector<1x1x16xf32> to vector<16xf32>
      %swap3A_1278 = vector.shape_cast %get3A_1270 : vector<16xf32> to vector<1x1x16xf32>
      tpu.vector_store %arg6[%swap3A_1273, %swap3A_1274, %swap3A_1275], %swap3A_1278 {strides = array<i32>} : memref<1x50x1024xf32, #tpu.memory_space<vmem>>, vector<1x1x16xf32>,
      %get3A_1279 = arith.constant 14 : i32
      %get3A_1280 = arith.index_cast %get3A_1279 : i32 to index
      %get3A_1281 = arith.constant 64 : index
      %get3A_1282 = tpu.vector_load %arg13[%get3A_1280, %get3A_1281] {strides = array<i32>} : memref<16x128xf32, #tpu.memory_space<vmem>>, vector<1x16xf32>,
      %get3A_1283 = vector.shape_cast %get3A_1282 : vector<1x16xf32> to vector<16xf32>
      %swap3A_1284 = arith.constant 0 : i32
      %swap3A_1285 = arith.constant 48 : i32
      %swap3A_1286 = arith.index_cast %swap3A_1284 : i32 to index
      %swap3A_1287 = arith.index_cast %swap3A_1285 : i32 to index
      %swap3A_1288 = arith.constant 832 : index
      %swap3A_1289 = tpu.vector_load %arg6[%swap3A_1286, %swap3A_1287, %swap3A_1288] {strides = array<i32>} : memref<1x50x1024xf32, #tpu.memory_space<vmem>>, vector<1x1x16xf32>,
      %swap3A_1290 = vector.shape_cast %swap3A_1289 : vector<1x1x16xf32> to vector<16xf32>
      %swap3A_1291 = vector.shape_cast %get3A_1283 : vector<16xf32> to vector<1x1x16xf32>
      tpu.vector_store %arg6[%swap3A_1286, %swap3A_1287, %swap3A_1288], %swap3A_1291 {strides = array<i32>} : memref<1x50x1024xf32, #tpu.memory_space<vmem>>, vector<1x1x16xf32>,
      %get3A_1292 = arith.constant 14 : i32
      %get3A_1293 = arith.index_cast %get3A_1292 : i32 to index
      %get3A_1294 = arith.constant 80 : index
      %get3A_1295 = tpu.vector_load %arg13[%get3A_1293, %get3A_1294] {strides = array<i32>} : memref<16x128xf32, #tpu.memory_space<vmem>>, vector<1x16xf32>,
      %get3A_1296 = vector.shape_cast %get3A_1295 : vector<1x16xf32> to vector<16xf32>
      %swap3A_1297 = arith.constant 0 : i32
      %swap3A_1298 = arith.constant 48 : i32
      %swap3A_1299 = arith.index_cast %swap3A_1297 : i32 to index
      %swap3A_1300 = arith.index_cast %swap3A_1298 : i32 to index
      %swap3A_1301 = arith.constant 848 : index
      %swap3A_1302 = tpu.vector_load %arg6[%swap3A_1299, %swap3A_1300, %swap3A_1301] {strides = array<i32>} : memref<1x50x1024xf32, #tpu.memory_space<vmem>>, vector<1x1x16xf32>,
      %swap3A_1303 = vector.shape_cast %swap3A_1302 : vector<1x1x16xf32> to vector<16xf32>
      %swap3A_1304 = vector.shape_cast %get3A_1296 : vector<16xf32> to vector<1x1x16xf32>
      tpu.vector_store %arg6[%swap3A_1299, %swap3A_1300, %swap3A_1301], %swap3A_1304 {strides = array<i32>} : memref<1x50x1024xf32, #tpu.memory_space<vmem>>, vector<1x1x16xf32>,
      %get3A_1305 = arith.constant 14 : i32
      %get3A_1306 = arith.index_cast %get3A_1305 : i32 to index
      %get3A_1307 = arith.constant 96 : index
      %get3A_1308 = tpu.vector_load %arg13[%get3A_1306, %get3A_1307] {strides = array<i32>} : memref<16x128xf32, #tpu.memory_space<vmem>>, vector<1x16xf32>,
      %get3A_1309 = vector.shape_cast %get3A_1308 : vector<1x16xf32> to vector<16xf32>
      %swap3A_1310 = arith.constant 0 : i32
      %swap3A_1311 = arith.constant 48 : i32
      %swap3A_1312 = arith.index_cast %swap3A_1310 : i32 to index
      %swap3A_1313 = arith.index_cast %swap3A_1311 : i32 to index
      %swap3A_1314 = arith.constant 864 : index
      %swap3A_1315 = tpu.vector_load %arg6[%swap3A_1312, %swap3A_1313, %swap3A_1314] {strides = array<i32>} : memref<1x50x1024xf32, #tpu.memory_space<vmem>>, vector<1x1x16xf32>,
      %swap3A_1316 = vector.shape_cast %swap3A_1315 : vector<1x1x16xf32> to vector<16xf32>
      %swap3A_1317 = vector.shape_cast %get3A_1309 : vector<16xf32> to vector<1x1x16xf32>
      tpu.vector_store %arg6[%swap3A_1312, %swap3A_1313, %swap3A_1314], %swap3A_1317 {strides = array<i32>} : memref<1x50x1024xf32, #tpu.memory_space<vmem>>, vector<1x1x16xf32>,
      %get3A_1318 = arith.constant 14 : i32
      %get3A_1319 = arith.index_cast %get3A_1318 : i32 to index
      %get3A_1320 = arith.constant 112 : index
      %get3A_1321 = tpu.vector_load %arg13[%get3A_1319, %get3A_1320] {strides = array<i32>} : memref<16x128xf32, #tpu.memory_space<vmem>>, vector<1x16xf32>,
      %get3A_1322 = vector.shape_cast %get3A_1321 : vector<1x16xf32> to vector<16xf32>
      %swap3A_1323 = arith.constant 0 : i32
      %swap3A_1324 = arith.constant 48 : i32
      %swap3A_1325 = arith.index_cast %swap3A_1323 : i32 to index
      %swap3A_1326 = arith.index_cast %swap3A_1324 : i32 to index
      %swap3A_1327 = arith.constant 880 : index
      %swap3A_1328 = tpu.vector_load %arg6[%swap3A_1325, %swap3A_1326, %swap3A_1327] {strides = array<i32>} : memref<1x50x1024xf32, #tpu.memory_space<vmem>>, vector<1x1x16xf32>,
      %swap3A_1329 = vector.shape_cast %swap3A_1328 : vector<1x1x16xf32> to vector<16xf32>
      %swap3A_1330 = vector.shape_cast %get3A_1322 : vector<16xf32> to vector<1x1x16xf32>
      tpu.vector_store %arg6[%swap3A_1325, %swap3A_1326, %swap3A_1327], %swap3A_1330 {strides = array<i32>} : memref<1x50x1024xf32, #tpu.memory_space<vmem>>, vector<1x1x16xf32>,
      %get3A_1331 = arith.constant 14 : i32
      %get3A_1332 = arith.index_cast %get3A_1331 : i32 to index
      %get3A_1333 = arith.constant 0 : index
      %get3A_1334 = tpu.vector_load %arg14[%get3A_1332, %get3A_1333] {strides = array<i32>} : memref<16x128xf32, #tpu.memory_space<vmem>>, vector<1x16xf32>,
      %get3A_1335 = vector.shape_cast %get3A_1334 : vector<1x16xf32> to vector<16xf32>
      %swap3A_1336 = arith.constant 0 : i32
      %swap3A_1337 = arith.constant 48 : i32
      %swap3A_1338 = arith.index_cast %swap3A_1336 : i32 to index
      %swap3A_1339 = arith.index_cast %swap3A_1337 : i32 to index
      %swap3A_1340 = arith.constant 896 : index
      %swap3A_1341 = tpu.vector_load %arg6[%swap3A_1338, %swap3A_1339, %swap3A_1340] {strides = array<i32>} : memref<1x50x1024xf32, #tpu.memory_space<vmem>>, vector<1x1x16xf32>,
      %swap3A_1342 = vector.shape_cast %swap3A_1341 : vector<1x1x16xf32> to vector<16xf32>
      %swap3A_1343 = vector.shape_cast %get3A_1335 : vector<16xf32> to vector<1x1x16xf32>
      tpu.vector_store %arg6[%swap3A_1338, %swap3A_1339, %swap3A_1340], %swap3A_1343 {strides = array<i32>} : memref<1x50x1024xf32, #tpu.memory_space<vmem>>, vector<1x1x16xf32>,
      %get3A_1344 = arith.constant 14 : i32
      %get3A_1345 = arith.index_cast %get3A_1344 : i32 to index
      %get3A_1346 = arith.constant 16 : index
      %get3A_1347 = tpu.vector_load %arg14[%get3A_1345, %get3A_1346] {strides = array<i32>} : memref<16x128xf32, #tpu.memory_space<vmem>>, vector<1x16xf32>,
      %get3A_1348 = vector.shape_cast %get3A_1347 : vector<1x16xf32> to vector<16xf32>
      %swap3A_1349 = arith.constant 0 : i32
      %swap3A_1350 = arith.constant 48 : i32
      %swap3A_1351 = arith.index_cast %swap3A_1349 : i32 to index
      %swap3A_1352 = arith.index_cast %swap3A_1350 : i32 to index
      %swap3A_1353 = arith.constant 912 : index
      %swap3A_1354 = tpu.vector_load %arg6[%swap3A_1351, %swap3A_1352, %swap3A_1353] {strides = array<i32>} : memref<1x50x1024xf32, #tpu.memory_space<vmem>>, vector<1x1x16xf32>,
      %swap3A_1355 = vector.shape_cast %swap3A_1354 : vector<1x1x16xf32> to vector<16xf32>
      %swap3A_1356 = vector.shape_cast %get3A_1348 : vector<16xf32> to vector<1x1x16xf32>
      tpu.vector_store %arg6[%swap3A_1351, %swap3A_1352, %swap3A_1353], %swap3A_1356 {strides = array<i32>} : memref<1x50x1024xf32, #tpu.memory_space<vmem>>, vector<1x1x16xf32>,
      %get3A_1357 = arith.constant 14 : i32
      %get3A_1358 = arith.index_cast %get3A_1357 : i32 to index
      %get3A_1359 = arith.constant 32 : index
      %get3A_1360 = tpu.vector_load %arg14[%get3A_1358, %get3A_1359] {strides = array<i32>} : memref<16x128xf32, #tpu.memory_space<vmem>>, vector<1x16xf32>,
      %get3A_1361 = vector.shape_cast %get3A_1360 : vector<1x16xf32> to vector<16xf32>
      %swap3A_1362 = arith.constant 0 : i32
      %swap3A_1363 = arith.constant 48 : i32
      %swap3A_1364 = arith.index_cast %swap3A_1362 : i32 to index
      %swap3A_1365 = arith.index_cast %swap3A_1363 : i32 to index
      %swap3A_1366 = arith.constant 928 : index
      %swap3A_1367 = tpu.vector_load %arg6[%swap3A_1364, %swap3A_1365, %swap3A_1366] {strides = array<i32>} : memref<1x50x1024xf32, #tpu.memory_space<vmem>>, vector<1x1x16xf32>,
      %swap3A_1368 = vector.shape_cast %swap3A_1367 : vector<1x1x16xf32> to vector<16xf32>
      %swap3A_1369 = vector.shape_cast %get3A_1361 : vector<16xf32> to vector<1x1x16xf32>
      tpu.vector_store %arg6[%swap3A_1364, %swap3A_1365, %swap3A_1366], %swap3A_1369 {strides = array<i32>} : memref<1x50x1024xf32, #tpu.memory_space<vmem>>, vector<1x1x16xf32>,
      %get3A_1370 = arith.constant 14 : i32
      %get3A_1371 = arith.index_cast %get3A_1370 : i32 to index
      %get3A_1372 = arith.constant 48 : index
      %get3A_1373 = tpu.vector_load %arg14[%get3A_1371, %get3A_1372] {strides = array<i32>} : memref<16x128xf32, #tpu.memory_space<vmem>>, vector<1x16xf32>,
      %get3A_1374 = vector.shape_cast %get3A_1373 : vector<1x16xf32> to vector<16xf32>
      %swap3A_1375 = arith.constant 0 : i32
      %swap3A_1376 = arith.constant 48 : i32
      %swap3A_1377 = arith.index_cast %swap3A_1375 : i32 to index
      %swap3A_1378 = arith.index_cast %swap3A_1376 : i32 to index
      %swap3A_1379 = arith.constant 944 : index
      %swap3A_1380 = tpu.vector_load %arg6[%swap3A_1377, %swap3A_1378, %swap3A_1379] {strides = array<i32>} : memref<1x50x1024xf32, #tpu.memory_space<vmem>>, vector<1x1x16xf32>,
      %swap3A_1381 = vector.shape_cast %swap3A_1380 : vector<1x1x16xf32> to vector<16xf32>
      %swap3A_1382 = vector.shape_cast %get3A_1374 : vector<16xf32> to vector<1x1x16xf32>
      tpu.vector_store %arg6[%swap3A_1377, %swap3A_1378, %swap3A_1379], %swap3A_1382 {strides = array<i32>} : memref<1x50x1024xf32, #tpu.memory_space<vmem>>, vector<1x1x16xf32>,
      %get3A_1383 = arith.constant 14 : i32
      %get3A_1384 = arith.index_cast %get3A_1383 : i32 to index
      %get3A_1385 = arith.constant 64 : index
      %get3A_1386 = tpu.vector_load %arg14[%get3A_1384, %get3A_1385] {strides = array<i32>} : memref<16x128xf32, #tpu.memory_space<vmem>>, vector<1x16xf32>,
      %get3A_1387 = vector.shape_cast %get3A_1386 : vector<1x16xf32> to vector<16xf32>
      %swap3A_1388 = arith.constant 0 : i32
      %swap3A_1389 = arith.constant 48 : i32
      %swap3A_1390 = arith.index_cast %swap3A_1388 : i32 to index
      %swap3A_1391 = arith.index_cast %swap3A_1389 : i32 to index
      %swap3A_1392 = arith.constant 960 : index
      %swap3A_1393 = tpu.vector_load %arg6[%swap3A_1390, %swap3A_1391, %swap3A_1392] {strides = array<i32>} : memref<1x50x1024xf32, #tpu.memory_space<vmem>>, vector<1x1x16xf32>,
      %swap3A_1394 = vector.shape_cast %swap3A_1393 : vector<1x1x16xf32> to vector<16xf32>
      %swap3A_1395 = vector.shape_cast %get3A_1387 : vector<16xf32> to vector<1x1x16xf32>
      tpu.vector_store %arg6[%swap3A_1390, %swap3A_1391, %swap3A_1392], %swap3A_1395 {strides = array<i32>} : memref<1x50x1024xf32, #tpu.memory_space<vmem>>, vector<1x1x16xf32>,
      %get3A_1396 = arith.constant 14 : i32
      %get3A_1397 = arith.index_cast %get3A_1396 : i32 to index
      %get3A_1398 = arith.constant 80 : index
      %get3A_1399 = tpu.vector_load %arg14[%get3A_1397, %get3A_1398] {strides = array<i32>} : memref<16x128xf32, #tpu.memory_space<vmem>>, vector<1x16xf32>,
      %get3A_1400 = vector.shape_cast %get3A_1399 : vector<1x16xf32> to vector<16xf32>
      %swap3A_1401 = arith.constant 0 : i32
      %swap3A_1402 = arith.constant 48 : i32
      %swap3A_1403 = arith.index_cast %swap3A_1401 : i32 to index
      %swap3A_1404 = arith.index_cast %swap3A_1402 : i32 to index
      %swap3A_1405 = arith.constant 976 : index
      %swap3A_1406 = tpu.vector_load %arg6[%swap3A_1403, %swap3A_1404, %swap3A_1405] {strides = array<i32>} : memref<1x50x1024xf32, #tpu.memory_space<vmem>>, vector<1x1x16xf32>,
      %swap3A_1407 = vector.shape_cast %swap3A_1406 : vector<1x1x16xf32> to vector<16xf32>
      %swap3A_1408 = vector.shape_cast %get3A_1400 : vector<16xf32> to vector<1x1x16xf32>
      tpu.vector_store %arg6[%swap3A_1403, %swap3A_1404, %swap3A_1405], %swap3A_1408 {strides = array<i32>} : memref<1x50x1024xf32, #tpu.memory_space<vmem>>, vector<1x1x16xf32>,
      %get3A_1409 = arith.constant 14 : i32
      %get3A_1410 = arith.index_cast %get3A_1409 : i32 to index
      %get3A_1411 = arith.constant 96 : index
      %get3A_1412 = tpu.vector_load %arg14[%get3A_1410, %get3A_1411] {strides = array<i32>} : memref<16x128xf32, #tpu.memory_space<vmem>>, vector<1x16xf32>,
      %get3A_1413 = vector.shape_cast %get3A_1412 : vector<1x16xf32> to vector<16xf32>
      %swap3A_1414 = arith.constant 0 : i32
      %swap3A_1415 = arith.constant 48 : i32
      %swap3A_1416 = arith.index_cast %swap3A_1414 : i32 to index
      %swap3A_1417 = arith.index_cast %swap3A_1415 : i32 to index
      %swap3A_1418 = arith.constant 992 : index
      %swap3A_1419 = tpu.vector_load %arg6[%swap3A_1416, %swap3A_1417, %swap3A_1418] {strides = array<i32>} : memref<1x50x1024xf32, #tpu.memory_space<vmem>>, vector<1x1x16xf32>,
      %swap3A_1420 = vector.shape_cast %swap3A_1419 : vector<1x1x16xf32> to vector<16xf32>
      %swap3A_1421 = vector.shape_cast %get3A_1413 : vector<16xf32> to vector<1x1x16xf32>
      tpu.vector_store %arg6[%swap3A_1416, %swap3A_1417, %swap3A_1418], %swap3A_1421 {strides = array<i32>} : memref<1x50x1024xf32, #tpu.memory_space<vmem>>, vector<1x1x16xf32>,
      %get3A_1422 = arith.constant 14 : i32
      %get3A_1423 = arith.index_cast %get3A_1422 : i32 to index
      %get3A_1424 = arith.constant 112 : index
      %get3A_1425 = tpu.vector_load %arg14[%get3A_1423, %get3A_1424] {strides = array<i32>} : memref<16x128xf32, #tpu.memory_space<vmem>>, vector<1x16xf32>,
      %get3A_1426 = vector.shape_cast %get3A_1425 : vector<1x16xf32> to vector<16xf32>
      %swap3A_1427 = arith.constant 0 : i32
      %swap3A_1428 = arith.constant 48 : i32
      %swap3A_1429 = arith.index_cast %swap3A_1427 : i32 to index
      %swap3A_1430 = arith.index_cast %swap3A_1428 : i32 to index
      %swap3A_1431 = arith.constant 1008 : index
      %swap3A_1432 = tpu.vector_load %arg6[%swap3A_1429, %swap3A_1430, %swap3A_1431] {strides = array<i32>} : memref<1x50x1024xf32, #tpu.memory_space<vmem>>, vector<1x1x16xf32>,
      %swap3A_1433 = vector.shape_cast %swap3A_1432 : vector<1x1x16xf32> to vector<16xf32>
      %swap3A_1434 = vector.shape_cast %get3A_1426 : vector<16xf32> to vector<1x1x16xf32>
      tpu.vector_store %arg6[%swap3A_1429, %swap3A_1430, %swap3A_1431], %swap3A_1434 {strides = array<i32>} : memref<1x50x1024xf32, #tpu.memory_space<vmem>>, vector<1x1x16xf32>,
      %get3A_1435 = arith.constant 15 : i32
      %get3A_1436 = arith.index_cast %get3A_1435 : i32 to index
      %get3A_1437 = arith.constant 0 : index
      %get3A_1438 = tpu.vector_load %arg7[%get3A_1436, %get3A_1437] {strides = array<i32>} : memref<16x128xf32, #tpu.memory_space<vmem>>, vector<1x16xf32>,
      %get3A_1439 = vector.shape_cast %get3A_1438 : vector<1x16xf32> to vector<16xf32>
      %swap3A_1440 = arith.constant 0 : i32
      %swap3A_1441 = arith.constant 49 : i32
      %swap3A_1442 = arith.index_cast %swap3A_1440 : i32 to index
      %swap3A_1443 = arith.index_cast %swap3A_1441 : i32 to index
      %swap3A_1444 = arith.constant 0 : index
      %swap3A_1445 = tpu.vector_load %arg6[%swap3A_1442, %swap3A_1443, %swap3A_1444] {strides = array<i32>} : memref<1x50x1024xf32, #tpu.memory_space<vmem>>, vector<1x1x16xf32>,
      %swap3A_1446 = vector.shape_cast %swap3A_1445 : vector<1x1x16xf32> to vector<16xf32>
      %swap3A_1447 = vector.shape_cast %get3A_1439 : vector<16xf32> to vector<1x1x16xf32>
      tpu.vector_store %arg6[%swap3A_1442, %swap3A_1443, %swap3A_1444], %swap3A_1447 {strides = array<i32>} : memref<1x50x1024xf32, #tpu.memory_space<vmem>>, vector<1x1x16xf32>,
      %get3A_1448 = arith.constant 15 : i32
      %get3A_1449 = arith.index_cast %get3A_1448 : i32 to index
      %get3A_1450 = arith.constant 16 : index
      %get3A_1451 = tpu.vector_load %arg7[%get3A_1449, %get3A_1450] {strides = array<i32>} : memref<16x128xf32, #tpu.memory_space<vmem>>, vector<1x16xf32>,
      %get3A_1452 = vector.shape_cast %get3A_1451 : vector<1x16xf32> to vector<16xf32>
      %swap3A_1453 = arith.constant 0 : i32
      %swap3A_1454 = arith.constant 49 : i32
      %swap3A_1455 = arith.index_cast %swap3A_1453 : i32 to index
      %swap3A_1456 = arith.index_cast %swap3A_1454 : i32 to index
      %swap3A_1457 = arith.constant 16 : index
      %swap3A_1458 = tpu.vector_load %arg6[%swap3A_1455, %swap3A_1456, %swap3A_1457] {strides = array<i32>} : memref<1x50x1024xf32, #tpu.memory_space<vmem>>, vector<1x1x16xf32>,
      %swap3A_1459 = vector.shape_cast %swap3A_1458 : vector<1x1x16xf32> to vector<16xf32>
      %swap3A_1460 = vector.shape_cast %get3A_1452 : vector<16xf32> to vector<1x1x16xf32>
      tpu.vector_store %arg6[%swap3A_1455, %swap3A_1456, %swap3A_1457], %swap3A_1460 {strides = array<i32>} : memref<1x50x1024xf32, #tpu.memory_space<vmem>>, vector<1x1x16xf32>,
      %get3A_1461 = arith.constant 15 : i32
      %get3A_1462 = arith.index_cast %get3A_1461 : i32 to index
      %get3A_1463 = arith.constant 32 : index
      %get3A_1464 = tpu.vector_load %arg7[%get3A_1462, %get3A_1463] {strides = array<i32>} : memref<16x128xf32, #tpu.memory_space<vmem>>, vector<1x16xf32>,
      %get3A_1465 = vector.shape_cast %get3A_1464 : vector<1x16xf32> to vector<16xf32>
      %swap3A_1466 = arith.constant 0 : i32
      %swap3A_1467 = arith.constant 49 : i32
      %swap3A_1468 = arith.index_cast %swap3A_1466 : i32 to index
      %swap3A_1469 = arith.index_cast %swap3A_1467 : i32 to index
      %swap3A_1470 = arith.constant 32 : index
      %swap3A_1471 = tpu.vector_load %arg6[%swap3A_1468, %swap3A_1469, %swap3A_1470] {strides = array<i32>} : memref<1x50x1024xf32, #tpu.memory_space<vmem>>, vector<1x1x16xf32>,
      %swap3A_1472 = vector.shape_cast %swap3A_1471 : vector<1x1x16xf32> to vector<16xf32>
      %swap3A_1473 = vector.shape_cast %get3A_1465 : vector<16xf32> to vector<1x1x16xf32>
      tpu.vector_store %arg6[%swap3A_1468, %swap3A_1469, %swap3A_1470], %swap3A_1473 {strides = array<i32>} : memref<1x50x1024xf32, #tpu.memory_space<vmem>>, vector<1x1x16xf32>,
      %get3A_1474 = arith.constant 15 : i32
      %get3A_1475 = arith.index_cast %get3A_1474 : i32 to index
      %get3A_1476 = arith.constant 48 : index
      %get3A_1477 = tpu.vector_load %arg7[%get3A_1475, %get3A_1476] {strides = array<i32>} : memref<16x128xf32, #tpu.memory_space<vmem>>, vector<1x16xf32>,
      %get3A_1478 = vector.shape_cast %get3A_1477 : vector<1x16xf32> to vector<16xf32>
      %swap3A_1479 = arith.constant 0 : i32
      %swap3A_1480 = arith.constant 49 : i32
      %swap3A_1481 = arith.index_cast %swap3A_1479 : i32 to index
      %swap3A_1482 = arith.index_cast %swap3A_1480 : i32 to index
      %swap3A_1483 = arith.constant 48 : index
      %swap3A_1484 = tpu.vector_load %arg6[%swap3A_1481, %swap3A_1482, %swap3A_1483] {strides = array<i32>} : memref<1x50x1024xf32, #tpu.memory_space<vmem>>, vector<1x1x16xf32>,
      %swap3A_1485 = vector.shape_cast %swap3A_1484 : vector<1x1x16xf32> to vector<16xf32>
      %swap3A_1486 = vector.shape_cast %get3A_1478 : vector<16xf32> to vector<1x1x16xf32>
      tpu.vector_store %arg6[%swap3A_1481, %swap3A_1482, %swap3A_1483], %swap3A_1486 {strides = array<i32>} : memref<1x50x1024xf32, #tpu.memory_space<vmem>>, vector<1x1x16xf32>,
      %get3A_1487 = arith.constant 15 : i32
      %get3A_1488 = arith.index_cast %get3A_1487 : i32 to index
      %get3A_1489 = arith.constant 64 : index
      %get3A_1490 = tpu.vector_load %arg7[%get3A_1488, %get3A_1489] {strides = array<i32>} : memref<16x128xf32, #tpu.memory_space<vmem>>, vector<1x16xf32>,
      %get3A_1491 = vector.shape_cast %get3A_1490 : vector<1x16xf32> to vector<16xf32>
      %swap3A_1492 = arith.constant 0 : i32
      %swap3A_1493 = arith.constant 49 : i32
      %swap3A_1494 = arith.index_cast %swap3A_1492 : i32 to index
      %swap3A_1495 = arith.index_cast %swap3A_1493 : i32 to index
      %swap3A_1496 = arith.constant 64 : index
      %swap3A_1497 = tpu.vector_load %arg6[%swap3A_1494, %swap3A_1495, %swap3A_1496] {strides = array<i32>} : memref<1x50x1024xf32, #tpu.memory_space<vmem>>, vector<1x1x16xf32>,
      %swap3A_1498 = vector.shape_cast %swap3A_1497 : vector<1x1x16xf32> to vector<16xf32>
      %swap3A_1499 = vector.shape_cast %get3A_1491 : vector<16xf32> to vector<1x1x16xf32>
      tpu.vector_store %arg6[%swap3A_1494, %swap3A_1495, %swap3A_1496], %swap3A_1499 {strides = array<i32>} : memref<1x50x1024xf32, #tpu.memory_space<vmem>>, vector<1x1x16xf32>,
      %get3A_1500 = arith.constant 15 : i32
      %get3A_1501 = arith.index_cast %get3A_1500 : i32 to index
      %get3A_1502 = arith.constant 80 : index
      %get3A_1503 = tpu.vector_load %arg7[%get3A_1501, %get3A_1502] {strides = array<i32>} : memref<16x128xf32, #tpu.memory_space<vmem>>, vector<1x16xf32>,
      %get3A_1504 = vector.shape_cast %get3A_1503 : vector<1x16xf32> to vector<16xf32>
      %swap3A_1505 = arith.constant 0 : i32
      %swap3A_1506 = arith.constant 49 : i32
      %swap3A_1507 = arith.index_cast %swap3A_1505 : i32 to index
      %swap3A_1508 = arith.index_cast %swap3A_1506 : i32 to index
      %swap3A_1509 = arith.constant 80 : index
      %swap3A_1510 = tpu.vector_load %arg6[%swap3A_1507, %swap3A_1508, %swap3A_1509] {strides = array<i32>} : memref<1x50x1024xf32, #tpu.memory_space<vmem>>, vector<1x1x16xf32>,
      %swap3A_1511 = vector.shape_cast %swap3A_1510 : vector<1x1x16xf32> to vector<16xf32>
      %swap3A_1512 = vector.shape_cast %get3A_1504 : vector<16xf32> to vector<1x1x16xf32>
      tpu.vector_store %arg6[%swap3A_1507, %swap3A_1508, %swap3A_1509], %swap3A_1512 {strides = array<i32>} : memref<1x50x1024xf32, #tpu.memory_space<vmem>>, vector<1x1x16xf32>,
      %get3A_1513 = arith.constant 15 : i32
      %get3A_1514 = arith.index_cast %get3A_1513 : i32 to index
      %get3A_1515 = arith.constant 96 : index
      %get3A_1516 = tpu.vector_load %arg7[%get3A_1514, %get3A_1515] {strides = array<i32>} : memref<16x128xf32, #tpu.memory_space<vmem>>, vector<1x16xf32>,
      %get3A_1517 = vector.shape_cast %get3A_1516 : vector<1x16xf32> to vector<16xf32>
      %swap3A_1518 = arith.constant 0 : i32
      %swap3A_1519 = arith.constant 49 : i32
      %swap3A_1520 = arith.index_cast %swap3A_1518 : i32 to index
      %swap3A_1521 = arith.index_cast %swap3A_1519 : i32 to index
      %swap3A_1522 = arith.constant 96 : index
      %swap3A_1523 = tpu.vector_load %arg6[%swap3A_1520, %swap3A_1521, %swap3A_1522] {strides = array<i32>} : memref<1x50x1024xf32, #tpu.memory_space<vmem>>, vector<1x1x16xf32>,
      %swap3A_1524 = vector.shape_cast %swap3A_1523 : vector<1x1x16xf32> to vector<16xf32>
      %swap3A_1525 = vector.shape_cast %get3A_1517 : vector<16xf32> to vector<1x1x16xf32>
      tpu.vector_store %arg6[%swap3A_1520, %swap3A_1521, %swap3A_1522], %swap3A_1525 {strides = array<i32>} : memref<1x50x1024xf32, #tpu.memory_space<vmem>>, vector<1x1x16xf32>,
      %get3A_1526 = arith.constant 15 : i32
      %get3A_1527 = arith.index_cast %get3A_1526 : i32 to index
      %get3A_1528 = arith.constant 112 : index
      %get3A_1529 = tpu.vector_load %arg7[%get3A_1527, %get3A_1528] {strides = array<i32>} : memref<16x128xf32, #tpu.memory_space<vmem>>, vector<1x16xf32>,
      %get3A_1530 = vector.shape_cast %get3A_1529 : vector<1x16xf32> to vector<16xf32>
      %swap3A_1531 = arith.constant 0 : i32
      %swap3A_1532 = arith.constant 49 : i32
      %swap3A_1533 = arith.index_cast %swap3A_1531 : i32 to index
      %swap3A_1534 = arith.index_cast %swap3A_1532 : i32 to index
      %swap3A_1535 = arith.constant 112 : index
      %swap3A_1536 = tpu.vector_load %arg6[%swap3A_1533, %swap3A_1534, %swap3A_1535] {strides = array<i32>} : memref<1x50x1024xf32, #tpu.memory_space<vmem>>, vector<1x1x16xf32>,
      %swap3A_1537 = vector.shape_cast %swap3A_1536 : vector<1x1x16xf32> to vector<16xf32>
      %swap3A_1538 = vector.shape_cast %get3A_1530 : vector<16xf32> to vector<1x1x16xf32>
      tpu.vector_store %arg6[%swap3A_1533, %swap3A_1534, %swap3A_1535], %swap3A_1538 {strides = array<i32>} : memref<1x50x1024xf32, #tpu.memory_space<vmem>>, vector<1x1x16xf32>,
      %get3A_1539 = arith.constant 15 : i32
      %get3A_1540 = arith.index_cast %get3A_1539 : i32 to index
      %get3A_1541 = arith.constant 0 : index
      %get3A_1542 = tpu.vector_load %arg8[%get3A_1540, %get3A_1541] {strides = array<i32>} : memref<16x128xf32, #tpu.memory_space<vmem>>, vector<1x16xf32>,
      %get3A_1543 = vector.shape_cast %get3A_1542 : vector<1x16xf32> to vector<16xf32>
      %swap3A_1544 = arith.constant 0 : i32
      %swap3A_1545 = arith.constant 49 : i32
      %swap3A_1546 = arith.index_cast %swap3A_1544 : i32 to index
      %swap3A_1547 = arith.index_cast %swap3A_1545 : i32 to index
      %swap3A_1548 = arith.constant 128 : index
      %swap3A_1549 = tpu.vector_load %arg6[%swap3A_1546, %swap3A_1547, %swap3A_1548] {strides = array<i32>} : memref<1x50x1024xf32, #tpu.memory_space<vmem>>, vector<1x1x16xf32>,
      %swap3A_1550 = vector.shape_cast %swap3A_1549 : vector<1x1x16xf32> to vector<16xf32>
      %swap3A_1551 = vector.shape_cast %get3A_1543 : vector<16xf32> to vector<1x1x16xf32>
      tpu.vector_store %arg6[%swap3A_1546, %swap3A_1547, %swap3A_1548], %swap3A_1551 {strides = array<i32>} : memref<1x50x1024xf32, #tpu.memory_space<vmem>>, vector<1x1x16xf32>,
      %get3A_1552 = arith.constant 15 : i32
      %get3A_1553 = arith.index_cast %get3A_1552 : i32 to index
      %get3A_1554 = arith.constant 16 : index
      %get3A_1555 = tpu.vector_load %arg8[%get3A_1553, %get3A_1554] {strides = array<i32>} : memref<16x128xf32, #tpu.memory_space<vmem>>, vector<1x16xf32>,
      %get3A_1556 = vector.shape_cast %get3A_1555 : vector<1x16xf32> to vector<16xf32>
      %swap3A_1557 = arith.constant 0 : i32
      %swap3A_1558 = arith.constant 49 : i32
      %swap3A_1559 = arith.index_cast %swap3A_1557 : i32 to index
      %swap3A_1560 = arith.index_cast %swap3A_1558 : i32 to index
      %swap3A_1561 = arith.constant 144 : index
      %swap3A_1562 = tpu.vector_load %arg6[%swap3A_1559, %swap3A_1560, %swap3A_1561] {strides = array<i32>} : memref<1x50x1024xf32, #tpu.memory_space<vmem>>, vector<1x1x16xf32>,
      %swap3A_1563 = vector.shape_cast %swap3A_1562 : vector<1x1x16xf32> to vector<16xf32>
      %swap3A_1564 = vector.shape_cast %get3A_1556 : vector<16xf32> to vector<1x1x16xf32>
      tpu.vector_store %arg6[%swap3A_1559, %swap3A_1560, %swap3A_1561], %swap3A_1564 {strides = array<i32>} : memref<1x50x1024xf32, #tpu.memory_space<vmem>>, vector<1x1x16xf32>,
      %get3A_1565 = arith.constant 15 : i32
      %get3A_1566 = arith.index_cast %get3A_1565 : i32 to index
      %get3A_1567 = arith.constant 32 : index
      %get3A_1568 = tpu.vector_load %arg8[%get3A_1566, %get3A_1567] {strides = array<i32>} : memref<16x128xf32, #tpu.memory_space<vmem>>, vector<1x16xf32>,
      %get3A_1569 = vector.shape_cast %get3A_1568 : vector<1x16xf32> to vector<16xf32>
      %swap3A_1570 = arith.constant 0 : i32
      %swap3A_1571 = arith.constant 49 : i32
      %swap3A_1572 = arith.index_cast %swap3A_1570 : i32 to index
      %swap3A_1573 = arith.index_cast %swap3A_1571 : i32 to index
      %swap3A_1574 = arith.constant 160 : index
      %swap3A_1575 = tpu.vector_load %arg6[%swap3A_1572, %swap3A_1573, %swap3A_1574] {strides = array<i32>} : memref<1x50x1024xf32, #tpu.memory_space<vmem>>, vector<1x1x16xf32>,
      %swap3A_1576 = vector.shape_cast %swap3A_1575 : vector<1x1x16xf32> to vector<16xf32>
      %swap3A_1577 = vector.shape_cast %get3A_1569 : vector<16xf32> to vector<1x1x16xf32>
      tpu.vector_store %arg6[%swap3A_1572, %swap3A_1573, %swap3A_1574], %swap3A_1577 {strides = array<i32>} : memref<1x50x1024xf32, #tpu.memory_space<vmem>>, vector<1x1x16xf32>,
      %get3A_1578 = arith.constant 15 : i32
      %get3A_1579 = arith.index_cast %get3A_1578 : i32 to index
      %get3A_1580 = arith.constant 48 : index
      %get3A_1581 = tpu.vector_load %arg8[%get3A_1579, %get3A_1580] {strides = array<i32>} : memref<16x128xf32, #tpu.memory_space<vmem>>, vector<1x16xf32>,
      %get3A_1582 = vector.shape_cast %get3A_1581 : vector<1x16xf32> to vector<16xf32>
      %swap3A_1583 = arith.constant 0 : i32
      %swap3A_1584 = arith.constant 49 : i32
      %swap3A_1585 = arith.index_cast %swap3A_1583 : i32 to index
      %swap3A_1586 = arith.index_cast %swap3A_1584 : i32 to index
      %swap3A_1587 = arith.constant 176 : index
      %swap3A_1588 = tpu.vector_load %arg6[%swap3A_1585, %swap3A_1586, %swap3A_1587] {strides = array<i32>} : memref<1x50x1024xf32, #tpu.memory_space<vmem>>, vector<1x1x16xf32>,
      %swap3A_1589 = vector.shape_cast %swap3A_1588 : vector<1x1x16xf32> to vector<16xf32>
      %swap3A_1590 = vector.shape_cast %get3A_1582 : vector<16xf32> to vector<1x1x16xf32>
      tpu.vector_store %arg6[%swap3A_1585, %swap3A_1586, %swap3A_1587], %swap3A_1590 {strides = array<i32>} : memref<1x50x1024xf32, #tpu.memory_space<vmem>>, vector<1x1x16xf32>,
      %get3A_1591 = arith.constant 15 : i32
      %get3A_1592 = arith.index_cast %get3A_1591 : i32 to index
      %get3A_1593 = arith.constant 64 : index
      %get3A_1594 = tpu.vector_load %arg8[%get3A_1592, %get3A_1593] {strides = array<i32>} : memref<16x128xf32, #tpu.memory_space<vmem>>, vector<1x16xf32>,
      %get3A_1595 = vector.shape_cast %get3A_1594 : vector<1x16xf32> to vector<16xf32>
      %swap3A_1596 = arith.constant 0 : i32
      %swap3A_1597 = arith.constant 49 : i32
      %swap3A_1598 = arith.index_cast %swap3A_1596 : i32 to index
      %swap3A_1599 = arith.index_cast %swap3A_1597 : i32 to index
      %swap3A_1600 = arith.constant 192 : index
      %swap3A_1601 = tpu.vector_load %arg6[%swap3A_1598, %swap3A_1599, %swap3A_1600] {strides = array<i32>} : memref<1x50x1024xf32, #tpu.memory_space<vmem>>, vector<1x1x16xf32>,
      %swap3A_1602 = vector.shape_cast %swap3A_1601 : vector<1x1x16xf32> to vector<16xf32>
      %swap3A_1603 = vector.shape_cast %get3A_1595 : vector<16xf32> to vector<1x1x16xf32>
      tpu.vector_store %arg6[%swap3A_1598, %swap3A_1599, %swap3A_1600], %swap3A_1603 {strides = array<i32>} : memref<1x50x1024xf32, #tpu.memory_space<vmem>>, vector<1x1x16xf32>,
      %get3A_1604 = arith.constant 15 : i32
      %get3A_1605 = arith.index_cast %get3A_1604 : i32 to index
      %get3A_1606 = arith.constant 80 : index
      %get3A_1607 = tpu.vector_load %arg8[%get3A_1605, %get3A_1606] {strides = array<i32>} : memref<16x128xf32, #tpu.memory_space<vmem>>, vector<1x16xf32>,
      %get3A_1608 = vector.shape_cast %get3A_1607 : vector<1x16xf32> to vector<16xf32>
      %swap3A_1609 = arith.constant 0 : i32
      %swap3A_1610 = arith.constant 49 : i32
      %swap3A_1611 = arith.index_cast %swap3A_1609 : i32 to index
      %swap3A_1612 = arith.index_cast %swap3A_1610 : i32 to index
      %swap3A_1613 = arith.constant 208 : index
      %swap3A_1614 = tpu.vector_load %arg6[%swap3A_1611, %swap3A_1612, %swap3A_1613] {strides = array<i32>} : memref<1x50x1024xf32, #tpu.memory_space<vmem>>, vector<1x1x16xf32>,
      %swap3A_1615 = vector.shape_cast %swap3A_1614 : vector<1x1x16xf32> to vector<16xf32>
      %swap3A_1616 = vector.shape_cast %get3A_1608 : vector<16xf32> to vector<1x1x16xf32>
      tpu.vector_store %arg6[%swap3A_1611, %swap3A_1612, %swap3A_1613], %swap3A_1616 {strides = array<i32>} : memref<1x50x1024xf32, #tpu.memory_space<vmem>>, vector<1x1x16xf32>,
      %get3A_1617 = arith.constant 15 : i32
      %get3A_1618 = arith.index_cast %get3A_1617 : i32 to index
      %get3A_1619 = arith.constant 96 : index
      %get3A_1620 = tpu.vector_load %arg8[%get3A_1618, %get3A_1619] {strides = array<i32>} : memref<16x128xf32, #tpu.memory_space<vmem>>, vector<1x16xf32>,
      %get3A_1621 = vector.shape_cast %get3A_1620 : vector<1x16xf32> to vector<16xf32>
      %swap3A_1622 = arith.constant 0 : i32
      %swap3A_1623 = arith.constant 49 : i32
      %swap3A_1624 = arith.index_cast %swap3A_1622 : i32 to index
      %swap3A_1625 = arith.index_cast %swap3A_1623 : i32 to index
      %swap3A_1626 = arith.constant 224 : index
      %swap3A_1627 = tpu.vector_load %arg6[%swap3A_1624, %swap3A_1625, %swap3A_1626] {strides = array<i32>} : memref<1x50x1024xf32, #tpu.memory_space<vmem>>, vector<1x1x16xf32>,
      %swap3A_1628 = vector.shape_cast %swap3A_1627 : vector<1x1x16xf32> to vector<16xf32>
      %swap3A_1629 = vector.shape_cast %get3A_1621 : vector<16xf32> to vector<1x1x16xf32>
      tpu.vector_store %arg6[%swap3A_1624, %swap3A_1625, %swap3A_1626], %swap3A_1629 {strides = array<i32>} : memref<1x50x1024xf32, #tpu.memory_space<vmem>>, vector<1x1x16xf32>,
      %get3A_1630 = arith.constant 15 : i32
      %get3A_1631 = arith.index_cast %get3A_1630 : i32 to index
      %get3A_1632 = arith.constant 112 : index
      %get3A_1633 = tpu.vector_load %arg8[%get3A_1631, %get3A_1632] {strides = array<i32>} : memref<16x128xf32, #tpu.memory_space<vmem>>, vector<1x16xf32>,
      %get3A_1634 = vector.shape_cast %get3A_1633 : vector<1x16xf32> to vector<16xf32>
      %swap3A_1635 = arith.constant 0 : i32
      %swap3A_1636 = arith.constant 49 : i32
      %swap3A_1637 = arith.index_cast %swap3A_1635 : i32 to index
      %swap3A_1638 = arith.index_cast %swap3A_1636 : i32 to index
      %swap3A_1639 = arith.constant 240 : index
      %swap3A_1640 = tpu.vector_load %arg6[%swap3A_1637, %swap3A_1638, %swap3A_1639] {strides = array<i32>} : memref<1x50x1024xf32, #tpu.memory_space<vmem>>, vector<1x1x16xf32>,
      %swap3A_1641 = vector.shape_cast %swap3A_1640 : vector<1x1x16xf32> to vector<16xf32>
      %swap3A_1642 = vector.shape_cast %get3A_1634 : vector<16xf32> to vector<1x1x16xf32>
      tpu.vector_store %arg6[%swap3A_1637, %swap3A_1638, %swap3A_1639], %swap3A_1642 {strides = array<i32>} : memref<1x50x1024xf32, #tpu.memory_space<vmem>>, vector<1x1x16xf32>,
      %get3A_1643 = arith.constant 15 : i32
      %get3A_1644 = arith.index_cast %get3A_1643 : i32 to index
      %get3A_1645 = arith.constant 0 : index
      %get3A_1646 = tpu.vector_load %arg9[%get3A_1644, %get3A_1645] {strides = array<i32>} : memref<16x128xf32, #tpu.memory_space<vmem>>, vector<1x16xf32>,
      %get3A_1647 = vector.shape_cast %get3A_1646 : vector<1x16xf32> to vector<16xf32>
      %swap3A_1648 = arith.constant 0 : i32
      %swap3A_1649 = arith.constant 49 : i32
      %swap3A_1650 = arith.index_cast %swap3A_1648 : i32 to index
      %swap3A_1651 = arith.index_cast %swap3A_1649 : i32 to index
      %swap3A_1652 = arith.constant 256 : index
      %swap3A_1653 = tpu.vector_load %arg6[%swap3A_1650, %swap3A_1651, %swap3A_1652] {strides = array<i32>} : memref<1x50x1024xf32, #tpu.memory_space<vmem>>, vector<1x1x16xf32>,
      %swap3A_1654 = vector.shape_cast %swap3A_1653 : vector<1x1x16xf32> to vector<16xf32>
      %swap3A_1655 = vector.shape_cast %get3A_1647 : vector<16xf32> to vector<1x1x16xf32>
      tpu.vector_store %arg6[%swap3A_1650, %swap3A_1651, %swap3A_1652], %swap3A_1655 {strides = array<i32>} : memref<1x50x1024xf32, #tpu.memory_space<vmem>>, vector<1x1x16xf32>,
      %get3A_1656 = arith.constant 15 : i32
      %get3A_1657 = arith.index_cast %get3A_1656 : i32 to index
      %get3A_1658 = arith.constant 16 : index
      %get3A_1659 = tpu.vector_load %arg9[%get3A_1657, %get3A_1658] {strides = array<i32>} : memref<16x128xf32, #tpu.memory_space<vmem>>, vector<1x16xf32>,
      %get3A_1660 = vector.shape_cast %get3A_1659 : vector<1x16xf32> to vector<16xf32>
      %swap3A_1661 = arith.constant 0 : i32
      %swap3A_1662 = arith.constant 49 : i32
      %swap3A_1663 = arith.index_cast %swap3A_1661 : i32 to index
      %swap3A_1664 = arith.index_cast %swap3A_1662 : i32 to index
      %swap3A_1665 = arith.constant 272 : index
      %swap3A_1666 = tpu.vector_load %arg6[%swap3A_1663, %swap3A_1664, %swap3A_1665] {strides = array<i32>} : memref<1x50x1024xf32, #tpu.memory_space<vmem>>, vector<1x1x16xf32>,
      %swap3A_1667 = vector.shape_cast %swap3A_1666 : vector<1x1x16xf32> to vector<16xf32>
      %swap3A_1668 = vector.shape_cast %get3A_1660 : vector<16xf32> to vector<1x1x16xf32>
      tpu.vector_store %arg6[%swap3A_1663, %swap3A_1664, %swap3A_1665], %swap3A_1668 {strides = array<i32>} : memref<1x50x1024xf32, #tpu.memory_space<vmem>>, vector<1x1x16xf32>,
      %get3A_1669 = arith.constant 15 : i32
      %get3A_1670 = arith.index_cast %get3A_1669 : i32 to index
      %get3A_1671 = arith.constant 32 : index
      %get3A_1672 = tpu.vector_load %arg9[%get3A_1670, %get3A_1671] {strides = array<i32>} : memref<16x128xf32, #tpu.memory_space<vmem>>, vector<1x16xf32>,
      %get3A_1673 = vector.shape_cast %get3A_1672 : vector<1x16xf32> to vector<16xf32>
      %swap3A_1674 = arith.constant 0 : i32
      %swap3A_1675 = arith.constant 49 : i32
      %swap3A_1676 = arith.index_cast %swap3A_1674 : i32 to index
      %swap3A_1677 = arith.index_cast %swap3A_1675 : i32 to index
      %swap3A_1678 = arith.constant 288 : index
      %swap3A_1679 = tpu.vector_load %arg6[%swap3A_1676, %swap3A_1677, %swap3A_1678] {strides = array<i32>} : memref<1x50x1024xf32, #tpu.memory_space<vmem>>, vector<1x1x16xf32>,
      %swap3A_1680 = vector.shape_cast %swap3A_1679 : vector<1x1x16xf32> to vector<16xf32>
      %swap3A_1681 = vector.shape_cast %get3A_1673 : vector<16xf32> to vector<1x1x16xf32>
      tpu.vector_store %arg6[%swap3A_1676, %swap3A_1677, %swap3A_1678], %swap3A_1681 {strides = array<i32>} : memref<1x50x1024xf32, #tpu.memory_space<vmem>>, vector<1x1x16xf32>,
      %get3A_1682 = arith.constant 15 : i32
      %get3A_1683 = arith.index_cast %get3A_1682 : i32 to index
      %get3A_1684 = arith.constant 48 : index
      %get3A_1685 = tpu.vector_load %arg9[%get3A_1683, %get3A_1684] {strides = array<i32>} : memref<16x128xf32, #tpu.memory_space<vmem>>, vector<1x16xf32>,
      %get3A_1686 = vector.shape_cast %get3A_1685 : vector<1x16xf32> to vector<16xf32>
      %swap3A_1687 = arith.constant 0 : i32
      %swap3A_1688 = arith.constant 49 : i32
      %swap3A_1689 = arith.index_cast %swap3A_1687 : i32 to index
      %swap3A_1690 = arith.index_cast %swap3A_1688 : i32 to index
      %swap3A_1691 = arith.constant 304 : index
      %swap3A_1692 = tpu.vector_load %arg6[%swap3A_1689, %swap3A_1690, %swap3A_1691] {strides = array<i32>} : memref<1x50x1024xf32, #tpu.memory_space<vmem>>, vector<1x1x16xf32>,
      %swap3A_1693 = vector.shape_cast %swap3A_1692 : vector<1x1x16xf32> to vector<16xf32>
      %swap3A_1694 = vector.shape_cast %get3A_1686 : vector<16xf32> to vector<1x1x16xf32>
      tpu.vector_store %arg6[%swap3A_1689, %swap3A_1690, %swap3A_1691], %swap3A_1694 {strides = array<i32>} : memref<1x50x1024xf32, #tpu.memory_space<vmem>>, vector<1x1x16xf32>,
      %get3A_1695 = arith.constant 15 : i32
      %get3A_1696 = arith.index_cast %get3A_1695 : i32 to index
      %get3A_1697 = arith.constant 64 : index
      %get3A_1698 = tpu.vector_load %arg9[%get3A_1696, %get3A_1697] {strides = array<i32>} : memref<16x128xf32, #tpu.memory_space<vmem>>, vector<1x16xf32>,
      %get3A_1699 = vector.shape_cast %get3A_1698 : vector<1x16xf32> to vector<16xf32>
      %swap3A_1700 = arith.constant 0 : i32
      %swap3A_1701 = arith.constant 49 : i32
      %swap3A_1702 = arith.index_cast %swap3A_1700 : i32 to index
      %swap3A_1703 = arith.index_cast %swap3A_1701 : i32 to index
      %swap3A_1704 = arith.constant 320 : index
      %swap3A_1705 = tpu.vector_load %arg6[%swap3A_1702, %swap3A_1703, %swap3A_1704] {strides = array<i32>} : memref<1x50x1024xf32, #tpu.memory_space<vmem>>, vector<1x1x16xf32>,
      %swap3A_1706 = vector.shape_cast %swap3A_1705 : vector<1x1x16xf32> to vector<16xf32>
      %swap3A_1707 = vector.shape_cast %get3A_1699 : vector<16xf32> to vector<1x1x16xf32>
      tpu.vector_store %arg6[%swap3A_1702, %swap3A_1703, %swap3A_1704], %swap3A_1707 {strides = array<i32>} : memref<1x50x1024xf32, #tpu.memory_space<vmem>>, vector<1x1x16xf32>,
      %get3A_1708 = arith.constant 15 : i32
      %get3A_1709 = arith.index_cast %get3A_1708 : i32 to index
      %get3A_1710 = arith.constant 80 : index
      %get3A_1711 = tpu.vector_load %arg9[%get3A_1709, %get3A_1710] {strides = array<i32>} : memref<16x128xf32, #tpu.memory_space<vmem>>, vector<1x16xf32>,
      %get3A_1712 = vector.shape_cast %get3A_1711 : vector<1x16xf32> to vector<16xf32>
      %swap3A_1713 = arith.constant 0 : i32
      %swap3A_1714 = arith.constant 49 : i32
      %swap3A_1715 = arith.index_cast %swap3A_1713 : i32 to index
      %swap3A_1716 = arith.index_cast %swap3A_1714 : i32 to index
      %swap3A_1717 = arith.constant 336 : index
      %swap3A_1718 = tpu.vector_load %arg6[%swap3A_1715, %swap3A_1716, %swap3A_1717] {strides = array<i32>} : memref<1x50x1024xf32, #tpu.memory_space<vmem>>, vector<1x1x16xf32>,
      %swap3A_1719 = vector.shape_cast %swap3A_1718 : vector<1x1x16xf32> to vector<16xf32>
      %swap3A_1720 = vector.shape_cast %get3A_1712 : vector<16xf32> to vector<1x1x16xf32>
      tpu.vector_store %arg6[%swap3A_1715, %swap3A_1716, %swap3A_1717], %swap3A_1720 {strides = array<i32>} : memref<1x50x1024xf32, #tpu.memory_space<vmem>>, vector<1x1x16xf32>,
      %get3A_1721 = arith.constant 15 : i32
      %get3A_1722 = arith.index_cast %get3A_1721 : i32 to index
      %get3A_1723 = arith.constant 96 : index
      %get3A_1724 = tpu.vector_load %arg9[%get3A_1722, %get3A_1723] {strides = array<i32>} : memref<16x128xf32, #tpu.memory_space<vmem>>, vector<1x16xf32>,
      %get3A_1725 = vector.shape_cast %get3A_1724 : vector<1x16xf32> to vector<16xf32>
      %swap3A_1726 = arith.constant 0 : i32
      %swap3A_1727 = arith.constant 49 : i32
      %swap3A_1728 = arith.index_cast %swap3A_1726 : i32 to index
      %swap3A_1729 = arith.index_cast %swap3A_1727 : i32 to index
      %swap3A_1730 = arith.constant 352 : index
      %swap3A_1731 = tpu.vector_load %arg6[%swap3A_1728, %swap3A_1729, %swap3A_1730] {strides = array<i32>} : memref<1x50x1024xf32, #tpu.memory_space<vmem>>, vector<1x1x16xf32>,
      %swap3A_1732 = vector.shape_cast %swap3A_1731 : vector<1x1x16xf32> to vector<16xf32>
      %swap3A_1733 = vector.shape_cast %get3A_1725 : vector<16xf32> to vector<1x1x16xf32>
      tpu.vector_store %arg6[%swap3A_1728, %swap3A_1729, %swap3A_1730], %swap3A_1733 {strides = array<i32>} : memref<1x50x1024xf32, #tpu.memory_space<vmem>>, vector<1x1x16xf32>,
      %get3A_1734 = arith.constant 15 : i32
      %get3A_1735 = arith.index_cast %get3A_1734 : i32 to index
      %get3A_1736 = arith.constant 112 : index
      %get3A_1737 = tpu.vector_load %arg9[%get3A_1735, %get3A_1736] {strides = array<i32>} : memref<16x128xf32, #tpu.memory_space<vmem>>, vector<1x16xf32>,
      %get3A_1738 = vector.shape_cast %get3A_1737 : vector<1x16xf32> to vector<16xf32>
      %swap3A_1739 = arith.constant 0 : i32
      %swap3A_1740 = arith.constant 49 : i32
      %swap3A_1741 = arith.index_cast %swap3A_1739 : i32 to index
      %swap3A_1742 = arith.index_cast %swap3A_1740 : i32 to index
      %swap3A_1743 = arith.constant 368 : index
      %swap3A_1744 = tpu.vector_load %arg6[%swap3A_1741, %swap3A_1742, %swap3A_1743] {strides = array<i32>} : memref<1x50x1024xf32, #tpu.memory_space<vmem>>, vector<1x1x16xf32>,
      %swap3A_1745 = vector.shape_cast %swap3A_1744 : vector<1x1x16xf32> to vector<16xf32>
      %swap3A_1746 = vector.shape_cast %get3A_1738 : vector<16xf32> to vector<1x1x16xf32>
      tpu.vector_store %arg6[%swap3A_1741, %swap3A_1742, %swap3A_1743], %swap3A_1746 {strides = array<i32>} : memref<1x50x1024xf32, #tpu.memory_space<vmem>>, vector<1x1x16xf32>,
      %get3A_1747 = arith.constant 15 : i32
      %get3A_1748 = arith.index_cast %get3A_1747 : i32 to index
      %get3A_1749 = arith.constant 0 : index
      %get3A_1750 = tpu.vector_load %arg10[%get3A_1748, %get3A_1749] {strides = array<i32>} : memref<16x128xf32, #tpu.memory_space<vmem>>, vector<1x16xf32>,
      %get3A_1751 = vector.shape_cast %get3A_1750 : vector<1x16xf32> to vector<16xf32>
      %swap3A_1752 = arith.constant 0 : i32
      %swap3A_1753 = arith.constant 49 : i32
      %swap3A_1754 = arith.index_cast %swap3A_1752 : i32 to index
      %swap3A_1755 = arith.index_cast %swap3A_1753 : i32 to index
      %swap3A_1756 = arith.constant 384 : index
      %swap3A_1757 = tpu.vector_load %arg6[%swap3A_1754, %swap3A_1755, %swap3A_1756] {strides = array<i32>} : memref<1x50x1024xf32, #tpu.memory_space<vmem>>, vector<1x1x16xf32>,
      %swap3A_1758 = vector.shape_cast %swap3A_1757 : vector<1x1x16xf32> to vector<16xf32>
      %swap3A_1759 = vector.shape_cast %get3A_1751 : vector<16xf32> to vector<1x1x16xf32>
      tpu.vector_store %arg6[%swap3A_1754, %swap3A_1755, %swap3A_1756], %swap3A_1759 {strides = array<i32>} : memref<1x50x1024xf32, #tpu.memory_space<vmem>>, vector<1x1x16xf32>,
      %get3A_1760 = arith.constant 15 : i32
      %get3A_1761 = arith.index_cast %get3A_1760 : i32 to index
      %get3A_1762 = arith.constant 16 : index
      %get3A_1763 = tpu.vector_load %arg10[%get3A_1761, %get3A_1762] {strides = array<i32>} : memref<16x128xf32, #tpu.memory_space<vmem>>, vector<1x16xf32>,
      %get3A_1764 = vector.shape_cast %get3A_1763 : vector<1x16xf32> to vector<16xf32>
      %swap3A_1765 = arith.constant 0 : i32
      %swap3A_1766 = arith.constant 49 : i32
      %swap3A_1767 = arith.index_cast %swap3A_1765 : i32 to index
      %swap3A_1768 = arith.index_cast %swap3A_1766 : i32 to index
      %swap3A_1769 = arith.constant 400 : index
      %swap3A_1770 = tpu.vector_load %arg6[%swap3A_1767, %swap3A_1768, %swap3A_1769] {strides = array<i32>} : memref<1x50x1024xf32, #tpu.memory_space<vmem>>, vector<1x1x16xf32>,
      %swap3A_1771 = vector.shape_cast %swap3A_1770 : vector<1x1x16xf32> to vector<16xf32>
      %swap3A_1772 = vector.shape_cast %get3A_1764 : vector<16xf32> to vector<1x1x16xf32>
      tpu.vector_store %arg6[%swap3A_1767, %swap3A_1768, %swap3A_1769], %swap3A_1772 {strides = array<i32>} : memref<1x50x1024xf32, #tpu.memory_space<vmem>>, vector<1x1x16xf32>,
      %get3A_1773 = arith.constant 15 : i32
      %get3A_1774 = arith.index_cast %get3A_1773 : i32 to index
      %get3A_1775 = arith.constant 32 : index
      %get3A_1776 = tpu.vector_load %arg10[%get3A_1774, %get3A_1775] {strides = array<i32>} : memref<16x128xf32, #tpu.memory_space<vmem>>, vector<1x16xf32>,
      %get3A_1777 = vector.shape_cast %get3A_1776 : vector<1x16xf32> to vector<16xf32>
      %swap3A_1778 = arith.constant 0 : i32
      %swap3A_1779 = arith.constant 49 : i32
      %swap3A_1780 = arith.index_cast %swap3A_1778 : i32 to index
      %swap3A_1781 = arith.index_cast %swap3A_1779 : i32 to index
      %swap3A_1782 = arith.constant 416 : index
      %swap3A_1783 = tpu.vector_load %arg6[%swap3A_1780, %swap3A_1781, %swap3A_1782] {strides = array<i32>} : memref<1x50x1024xf32, #tpu.memory_space<vmem>>, vector<1x1x16xf32>,
      %swap3A_1784 = vector.shape_cast %swap3A_1783 : vector<1x1x16xf32> to vector<16xf32>
      %swap3A_1785 = vector.shape_cast %get3A_1777 : vector<16xf32> to vector<1x1x16xf32>
      tpu.vector_store %arg6[%swap3A_1780, %swap3A_1781, %swap3A_1782], %swap3A_1785 {strides = array<i32>} : memref<1x50x1024xf32, #tpu.memory_space<vmem>>, vector<1x1x16xf32>,
      %get3A_1786 = arith.constant 15 : i32
      %get3A_1787 = arith.index_cast %get3A_1786 : i32 to index
      %get3A_1788 = arith.constant 48 : index
      %get3A_1789 = tpu.vector_load %arg10[%get3A_1787, %get3A_1788] {strides = array<i32>} : memref<16x128xf32, #tpu.memory_space<vmem>>, vector<1x16xf32>,
      %get3A_1790 = vector.shape_cast %get3A_1789 : vector<1x16xf32> to vector<16xf32>
      %swap3A_1791 = arith.constant 0 : i32
      %swap3A_1792 = arith.constant 49 : i32
      %swap3A_1793 = arith.index_cast %swap3A_1791 : i32 to index
      %swap3A_1794 = arith.index_cast %swap3A_1792 : i32 to index
      %swap3A_1795 = arith.constant 432 : index
      %swap3A_1796 = tpu.vector_load %arg6[%swap3A_1793, %swap3A_1794, %swap3A_1795] {strides = array<i32>} : memref<1x50x1024xf32, #tpu.memory_space<vmem>>, vector<1x1x16xf32>,
      %swap3A_1797 = vector.shape_cast %swap3A_1796 : vector<1x1x16xf32> to vector<16xf32>
      %swap3A_1798 = vector.shape_cast %get3A_1790 : vector<16xf32> to vector<1x1x16xf32>
      tpu.vector_store %arg6[%swap3A_1793, %swap3A_1794, %swap3A_1795], %swap3A_1798 {strides = array<i32>} : memref<1x50x1024xf32, #tpu.memory_space<vmem>>, vector<1x1x16xf32>,
      %get3A_1799 = arith.constant 15 : i32
      %get3A_1800 = arith.index_cast %get3A_1799 : i32 to index
      %get3A_1801 = arith.constant 64 : index
      %get3A_1802 = tpu.vector_load %arg10[%get3A_1800, %get3A_1801] {strides = array<i32>} : memref<16x128xf32, #tpu.memory_space<vmem>>, vector<1x16xf32>,
      %get3A_1803 = vector.shape_cast %get3A_1802 : vector<1x16xf32> to vector<16xf32>
      %swap3A_1804 = arith.constant 0 : i32
      %swap3A_1805 = arith.constant 49 : i32
      %swap3A_1806 = arith.index_cast %swap3A_1804 : i32 to index
      %swap3A_1807 = arith.index_cast %swap3A_1805 : i32 to index
      %swap3A_1808 = arith.constant 448 : index
      %swap3A_1809 = tpu.vector_load %arg6[%swap3A_1806, %swap3A_1807, %swap3A_1808] {strides = array<i32>} : memref<1x50x1024xf32, #tpu.memory_space<vmem>>, vector<1x1x16xf32>,
      %swap3A_1810 = vector.shape_cast %swap3A_1809 : vector<1x1x16xf32> to vector<16xf32>
      %swap3A_1811 = vector.shape_cast %get3A_1803 : vector<16xf32> to vector<1x1x16xf32>
      tpu.vector_store %arg6[%swap3A_1806, %swap3A_1807, %swap3A_1808], %swap3A_1811 {strides = array<i32>} : memref<1x50x1024xf32, #tpu.memory_space<vmem>>, vector<1x1x16xf32>,
      %get3A_1812 = arith.constant 15 : i32
      %get3A_1813 = arith.index_cast %get3A_1812 : i32 to index
      %get3A_1814 = arith.constant 80 : index
      %get3A_1815 = tpu.vector_load %arg10[%get3A_1813, %get3A_1814] {strides = array<i32>} : memref<16x128xf32, #tpu.memory_space<vmem>>, vector<1x16xf32>,
      %get3A_1816 = vector.shape_cast %get3A_1815 : vector<1x16xf32> to vector<16xf32>
      %swap3A_1817 = arith.constant 0 : i32
      %swap3A_1818 = arith.constant 49 : i32
      %swap3A_1819 = arith.index_cast %swap3A_1817 : i32 to index
      %swap3A_1820 = arith.index_cast %swap3A_1818 : i32 to index
      %swap3A_1821 = arith.constant 464 : index
      %swap3A_1822 = tpu.vector_load %arg6[%swap3A_1819, %swap3A_1820, %swap3A_1821] {strides = array<i32>} : memref<1x50x1024xf32, #tpu.memory_space<vmem>>, vector<1x1x16xf32>,
      %swap3A_1823 = vector.shape_cast %swap3A_1822 : vector<1x1x16xf32> to vector<16xf32>
      %swap3A_1824 = vector.shape_cast %get3A_1816 : vector<16xf32> to vector<1x1x16xf32>
      tpu.vector_store %arg6[%swap3A_1819, %swap3A_1820, %swap3A_1821], %swap3A_1824 {strides = array<i32>} : memref<1x50x1024xf32, #tpu.memory_space<vmem>>, vector<1x1x16xf32>,
      %get3A_1825 = arith.constant 15 : i32
      %get3A_1826 = arith.index_cast %get3A_1825 : i32 to index
      %get3A_1827 = arith.constant 96 : index
      %get3A_1828 = tpu.vector_load %arg10[%get3A_1826, %get3A_1827] {strides = array<i32>} : memref<16x128xf32, #tpu.memory_space<vmem>>, vector<1x16xf32>,
      %get3A_1829 = vector.shape_cast %get3A_1828 : vector<1x16xf32> to vector<16xf32>
      %swap3A_1830 = arith.constant 0 : i32
      %swap3A_1831 = arith.constant 49 : i32
      %swap3A_1832 = arith.index_cast %swap3A_1830 : i32 to index
      %swap3A_1833 = arith.index_cast %swap3A_1831 : i32 to index
      %swap3A_1834 = arith.constant 480 : index
      %swap3A_1835 = tpu.vector_load %arg6[%swap3A_1832, %swap3A_1833, %swap3A_1834] {strides = array<i32>} : memref<1x50x1024xf32, #tpu.memory_space<vmem>>, vector<1x1x16xf32>,
      %swap3A_1836 = vector.shape_cast %swap3A_1835 : vector<1x1x16xf32> to vector<16xf32>
      %swap3A_1837 = vector.shape_cast %get3A_1829 : vector<16xf32> to vector<1x1x16xf32>
      tpu.vector_store %arg6[%swap3A_1832, %swap3A_1833, %swap3A_1834], %swap3A_1837 {strides = array<i32>} : memref<1x50x1024xf32, #tpu.memory_space<vmem>>, vector<1x1x16xf32>,
      %get3A_1838 = arith.constant 15 : i32
      %get3A_1839 = arith.index_cast %get3A_1838 : i32 to index
      %get3A_1840 = arith.constant 112 : index
      %get3A_1841 = tpu.vector_load %arg10[%get3A_1839, %get3A_1840] {strides = array<i32>} : memref<16x128xf32, #tpu.memory_space<vmem>>, vector<1x16xf32>,
      %get3A_1842 = vector.shape_cast %get3A_1841 : vector<1x16xf32> to vector<16xf32>
      %swap3A_1843 = arith.constant 0 : i32
      %swap3A_1844 = arith.constant 49 : i32
      %swap3A_1845 = arith.index_cast %swap3A_1843 : i32 to index
      %swap3A_1846 = arith.index_cast %swap3A_1844 : i32 to index
      %swap3A_1847 = arith.constant 496 : index
      %swap3A_1848 = tpu.vector_load %arg6[%swap3A_1845, %swap3A_1846, %swap3A_1847] {strides = array<i32>} : memref<1x50x1024xf32, #tpu.memory_space<vmem>>, vector<1x1x16xf32>,
      %swap3A_1849 = vector.shape_cast %swap3A_1848 : vector<1x1x16xf32> to vector<16xf32>
      %swap3A_1850 = vector.shape_cast %get3A_1842 : vector<16xf32> to vector<1x1x16xf32>
      tpu.vector_store %arg6[%swap3A_1845, %swap3A_1846, %swap3A_1847], %swap3A_1850 {strides = array<i32>} : memref<1x50x1024xf32, #tpu.memory_space<vmem>>, vector<1x1x16xf32>,
      %get3A_1851 = arith.constant 15 : i32
      %get3A_1852 = arith.index_cast %get3A_1851 : i32 to index
      %get3A_1853 = arith.constant 0 : index
      %get3A_1854 = tpu.vector_load %arg11[%get3A_1852, %get3A_1853] {strides = array<i32>} : memref<16x128xf32, #tpu.memory_space<vmem>>, vector<1x16xf32>,
      %get3A_1855 = vector.shape_cast %get3A_1854 : vector<1x16xf32> to vector<16xf32>
      %swap3A_1856 = arith.constant 0 : i32
      %swap3A_1857 = arith.constant 49 : i32
      %swap3A_1858 = arith.index_cast %swap3A_1856 : i32 to index
      %swap3A_1859 = arith.index_cast %swap3A_1857 : i32 to index
      %swap3A_1860 = arith.constant 512 : index
      %swap3A_1861 = tpu.vector_load %arg6[%swap3A_1858, %swap3A_1859, %swap3A_1860] {strides = array<i32>} : memref<1x50x1024xf32, #tpu.memory_space<vmem>>, vector<1x1x16xf32>,
      %swap3A_1862 = vector.shape_cast %swap3A_1861 : vector<1x1x16xf32> to vector<16xf32>
      %swap3A_1863 = vector.shape_cast %get3A_1855 : vector<16xf32> to vector<1x1x16xf32>
      tpu.vector_store %arg6[%swap3A_1858, %swap3A_1859, %swap3A_1860], %swap3A_1863 {strides = array<i32>} : memref<1x50x1024xf32, #tpu.memory_space<vmem>>, vector<1x1x16xf32>,
      %get3A_1864 = arith.constant 15 : i32
      %get3A_1865 = arith.index_cast %get3A_1864 : i32 to index
      %get3A_1866 = arith.constant 16 : index
      %get3A_1867 = tpu.vector_load %arg11[%get3A_1865, %get3A_1866] {strides = array<i32>} : memref<16x128xf32, #tpu.memory_space<vmem>>, vector<1x16xf32>,
      %get3A_1868 = vector.shape_cast %get3A_1867 : vector<1x16xf32> to vector<16xf32>
      %swap3A_1869 = arith.constant 0 : i32
      %swap3A_1870 = arith.constant 49 : i32
      %swap3A_1871 = arith.index_cast %swap3A_1869 : i32 to index
      %swap3A_1872 = arith.index_cast %swap3A_1870 : i32 to index
      %swap3A_1873 = arith.constant 528 : index
      %swap3A_1874 = tpu.vector_load %arg6[%swap3A_1871, %swap3A_1872, %swap3A_1873] {strides = array<i32>} : memref<1x50x1024xf32, #tpu.memory_space<vmem>>, vector<1x1x16xf32>,
      %swap3A_1875 = vector.shape_cast %swap3A_1874 : vector<1x1x16xf32> to vector<16xf32>
      %swap3A_1876 = vector.shape_cast %get3A_1868 : vector<16xf32> to vector<1x1x16xf32>
      tpu.vector_store %arg6[%swap3A_1871, %swap3A_1872, %swap3A_1873], %swap3A_1876 {strides = array<i32>} : memref<1x50x1024xf32, #tpu.memory_space<vmem>>, vector<1x1x16xf32>,
      %get3A_1877 = arith.constant 15 : i32
      %get3A_1878 = arith.index_cast %get3A_1877 : i32 to index
      %get3A_1879 = arith.constant 32 : index
      %get3A_1880 = tpu.vector_load %arg11[%get3A_1878, %get3A_1879] {strides = array<i32>} : memref<16x128xf32, #tpu.memory_space<vmem>>, vector<1x16xf32>,
      %get3A_1881 = vector.shape_cast %get3A_1880 : vector<1x16xf32> to vector<16xf32>
      %swap3A_1882 = arith.constant 0 : i32
      %swap3A_1883 = arith.constant 49 : i32
      %swap3A_1884 = arith.index_cast %swap3A_1882 : i32 to index
      %swap3A_1885 = arith.index_cast %swap3A_1883 : i32 to index
      %swap3A_1886 = arith.constant 544 : index
      %swap3A_1887 = tpu.vector_load %arg6[%swap3A_1884, %swap3A_1885, %swap3A_1886] {strides = array<i32>} : memref<1x50x1024xf32, #tpu.memory_space<vmem>>, vector<1x1x16xf32>,
      %swap3A_1888 = vector.shape_cast %swap3A_1887 : vector<1x1x16xf32> to vector<16xf32>
      %swap3A_1889 = vector.shape_cast %get3A_1881 : vector<16xf32> to vector<1x1x16xf32>
      tpu.vector_store %arg6[%swap3A_1884, %swap3A_1885, %swap3A_1886], %swap3A_1889 {strides = array<i32>} : memref<1x50x1024xf32, #tpu.memory_space<vmem>>, vector<1x1x16xf32>,
      %get3A_1890 = arith.constant 15 : i32
      %get3A_1891 = arith.index_cast %get3A_1890 : i32 to index
      %get3A_1892 = arith.constant 48 : index
      %get3A_1893 = tpu.vector_load %arg11[%get3A_1891, %get3A_1892] {strides = array<i32>} : memref<16x128xf32, #tpu.memory_space<vmem>>, vector<1x16xf32>,
      %get3A_1894 = vector.shape_cast %get3A_1893 : vector<1x16xf32> to vector<16xf32>
      %swap3A_1895 = arith.constant 0 : i32
      %swap3A_1896 = arith.constant 49 : i32
      %swap3A_1897 = arith.index_cast %swap3A_1895 : i32 to index
      %swap3A_1898 = arith.index_cast %swap3A_1896 : i32 to index
      %swap3A_1899 = arith.constant 560 : index
      %swap3A_1900 = tpu.vector_load %arg6[%swap3A_1897, %swap3A_1898, %swap3A_1899] {strides = array<i32>} : memref<1x50x1024xf32, #tpu.memory_space<vmem>>, vector<1x1x16xf32>,
      %swap3A_1901 = vector.shape_cast %swap3A_1900 : vector<1x1x16xf32> to vector<16xf32>
      %swap3A_1902 = vector.shape_cast %get3A_1894 : vector<16xf32> to vector<1x1x16xf32>
      tpu.vector_store %arg6[%swap3A_1897, %swap3A_1898, %swap3A_1899], %swap3A_1902 {strides = array<i32>} : memref<1x50x1024xf32, #tpu.memory_space<vmem>>, vector<1x1x16xf32>,
      %get3A_1903 = arith.constant 15 : i32
      %get3A_1904 = arith.index_cast %get3A_1903 : i32 to index
      %get3A_1905 = arith.constant 64 : index
      %get3A_1906 = tpu.vector_load %arg11[%get3A_1904, %get3A_1905] {strides = array<i32>} : memref<16x128xf32, #tpu.memory_space<vmem>>, vector<1x16xf32>,
      %get3A_1907 = vector.shape_cast %get3A_1906 : vector<1x16xf32> to vector<16xf32>
      %swap3A_1908 = arith.constant 0 : i32
      %swap3A_1909 = arith.constant 49 : i32
      %swap3A_1910 = arith.index_cast %swap3A_1908 : i32 to index
      %swap3A_1911 = arith.index_cast %swap3A_1909 : i32 to index
      %swap3A_1912 = arith.constant 576 : index
      %swap3A_1913 = tpu.vector_load %arg6[%swap3A_1910, %swap3A_1911, %swap3A_1912] {strides = array<i32>} : memref<1x50x1024xf32, #tpu.memory_space<vmem>>, vector<1x1x16xf32>,
      %swap3A_1914 = vector.shape_cast %swap3A_1913 : vector<1x1x16xf32> to vector<16xf32>
      %swap3A_1915 = vector.shape_cast %get3A_1907 : vector<16xf32> to vector<1x1x16xf32>
      tpu.vector_store %arg6[%swap3A_1910, %swap3A_1911, %swap3A_1912], %swap3A_1915 {strides = array<i32>} : memref<1x50x1024xf32, #tpu.memory_space<vmem>>, vector<1x1x16xf32>,
      %get3A_1916 = arith.constant 15 : i32
      %get3A_1917 = arith.index_cast %get3A_1916 : i32 to index
      %get3A_1918 = arith.constant 80 : index
      %get3A_1919 = tpu.vector_load %arg11[%get3A_1917, %get3A_1918] {strides = array<i32>} : memref<16x128xf32, #tpu.memory_space<vmem>>, vector<1x16xf32>,
      %get3A_1920 = vector.shape_cast %get3A_1919 : vector<1x16xf32> to vector<16xf32>
      %swap3A_1921 = arith.constant 0 : i32
      %swap3A_1922 = arith.constant 49 : i32
      %swap3A_1923 = arith.index_cast %swap3A_1921 : i32 to index
      %swap3A_1924 = arith.index_cast %swap3A_1922 : i32 to index
      %swap3A_1925 = arith.constant 592 : index
      %swap3A_1926 = tpu.vector_load %arg6[%swap3A_1923, %swap3A_1924, %swap3A_1925] {strides = array<i32>} : memref<1x50x1024xf32, #tpu.memory_space<vmem>>, vector<1x1x16xf32>,
      %swap3A_1927 = vector.shape_cast %swap3A_1926 : vector<1x1x16xf32> to vector<16xf32>
      %swap3A_1928 = vector.shape_cast %get3A_1920 : vector<16xf32> to vector<1x1x16xf32>
      tpu.vector_store %arg6[%swap3A_1923, %swap3A_1924, %swap3A_1925], %swap3A_1928 {strides = array<i32>} : memref<1x50x1024xf32, #tpu.memory_space<vmem>>, vector<1x1x16xf32>,
      %get3A_1929 = arith.constant 15 : i32
      %get3A_1930 = arith.index_cast %get3A_1929 : i32 to index
      %get3A_1931 = arith.constant 96 : index
      %get3A_1932 = tpu.vector_load %arg11[%get3A_1930, %get3A_1931] {strides = array<i32>} : memref<16x128xf32, #tpu.memory_space<vmem>>, vector<1x16xf32>,
      %get3A_1933 = vector.shape_cast %get3A_1932 : vector<1x16xf32> to vector<16xf32>
      %swap3A_1934 = arith.constant 0 : i32
      %swap3A_1935 = arith.constant 49 : i32
      %swap3A_1936 = arith.index_cast %swap3A_1934 : i32 to index
      %swap3A_1937 = arith.index_cast %swap3A_1935 : i32 to index
      %swap3A_1938 = arith.constant 608 : index
      %swap3A_1939 = tpu.vector_load %arg6[%swap3A_1936, %swap3A_1937, %swap3A_1938] {strides = array<i32>} : memref<1x50x1024xf32, #tpu.memory_space<vmem>>, vector<1x1x16xf32>,
      %swap3A_1940 = vector.shape_cast %swap3A_1939 : vector<1x1x16xf32> to vector<16xf32>
      %swap3A_1941 = vector.shape_cast %get3A_1933 : vector<16xf32> to vector<1x1x16xf32>
      tpu.vector_store %arg6[%swap3A_1936, %swap3A_1937, %swap3A_1938], %swap3A_1941 {strides = array<i32>} : memref<1x50x1024xf32, #tpu.memory_space<vmem>>, vector<1x1x16xf32>,
      %get3A_1942 = arith.constant 15 : i32
      %get3A_1943 = arith.index_cast %get3A_1942 : i32 to index
      %get3A_1944 = arith.constant 112 : index
      %get3A_1945 = tpu.vector_load %arg11[%get3A_1943, %get3A_1944] {strides = array<i32>} : memref<16x128xf32, #tpu.memory_space<vmem>>, vector<1x16xf32>,
      %get3A_1946 = vector.shape_cast %get3A_1945 : vector<1x16xf32> to vector<16xf32>
      %swap3A_1947 = arith.constant 0 : i32
      %swap3A_1948 = arith.constant 49 : i32
      %swap3A_1949 = arith.index_cast %swap3A_1947 : i32 to index
      %swap3A_1950 = arith.index_cast %swap3A_1948 : i32 to index
      %swap3A_1951 = arith.constant 624 : index
      %swap3A_1952 = tpu.vector_load %arg6[%swap3A_1949, %swap3A_1950, %swap3A_1951] {strides = array<i32>} : memref<1x50x1024xf32, #tpu.memory_space<vmem>>, vector<1x1x16xf32>,
      %swap3A_1953 = vector.shape_cast %swap3A_1952 : vector<1x1x16xf32> to vector<16xf32>
      %swap3A_1954 = vector.shape_cast %get3A_1946 : vector<16xf32> to vector<1x1x16xf32>
      tpu.vector_store %arg6[%swap3A_1949, %swap3A_1950, %swap3A_1951], %swap3A_1954 {strides = array<i32>} : memref<1x50x1024xf32, #tpu.memory_space<vmem>>, vector<1x1x16xf32>,
      %get3A_1955 = arith.constant 15 : i32
      %get3A_1956 = arith.index_cast %get3A_1955 : i32 to index
      %get3A_1957 = arith.constant 0 : index
      %get3A_1958 = tpu.vector_load %arg12[%get3A_1956, %get3A_1957] {strides = array<i32>} : memref<16x128xf32, #tpu.memory_space<vmem>>, vector<1x16xf32>,
      %get3A_1959 = vector.shape_cast %get3A_1958 : vector<1x16xf32> to vector<16xf32>
      %swap3A_1960 = arith.constant 0 : i32
      %swap3A_1961 = arith.constant 49 : i32
      %swap3A_1962 = arith.index_cast %swap3A_1960 : i32 to index
      %swap3A_1963 = arith.index_cast %swap3A_1961 : i32 to index
      %swap3A_1964 = arith.constant 640 : index
      %swap3A_1965 = tpu.vector_load %arg6[%swap3A_1962, %swap3A_1963, %swap3A_1964] {strides = array<i32>} : memref<1x50x1024xf32, #tpu.memory_space<vmem>>, vector<1x1x16xf32>,
      %swap3A_1966 = vector.shape_cast %swap3A_1965 : vector<1x1x16xf32> to vector<16xf32>
      %swap3A_1967 = vector.shape_cast %get3A_1959 : vector<16xf32> to vector<1x1x16xf32>
      tpu.vector_store %arg6[%swap3A_1962, %swap3A_1963, %swap3A_1964], %swap3A_1967 {strides = array<i32>} : memref<1x50x1024xf32, #tpu.memory_space<vmem>>, vector<1x1x16xf32>,
      %get3A_1968 = arith.constant 15 : i32
      %get3A_1969 = arith.index_cast %get3A_1968 : i32 to index
      %get3A_1970 = arith.constant 16 : index
      %get3A_1971 = tpu.vector_load %arg12[%get3A_1969, %get3A_1970] {strides = array<i32>} : memref<16x128xf32, #tpu.memory_space<vmem>>, vector<1x16xf32>,
      %get3A_1972 = vector.shape_cast %get3A_1971 : vector<1x16xf32> to vector<16xf32>
      %swap3A_1973 = arith.constant 0 : i32
      %swap3A_1974 = arith.constant 49 : i32
      %swap3A_1975 = arith.index_cast %swap3A_1973 : i32 to index
      %swap3A_1976 = arith.index_cast %swap3A_1974 : i32 to index
      %swap3A_1977 = arith.constant 656 : index
      %swap3A_1978 = tpu.vector_load %arg6[%swap3A_1975, %swap3A_1976, %swap3A_1977] {strides = array<i32>} : memref<1x50x1024xf32, #tpu.memory_space<vmem>>, vector<1x1x16xf32>,
      %swap3A_1979 = vector.shape_cast %swap3A_1978 : vector<1x1x16xf32> to vector<16xf32>
      %swap3A_1980 = vector.shape_cast %get3A_1972 : vector<16xf32> to vector<1x1x16xf32>
      tpu.vector_store %arg6[%swap3A_1975, %swap3A_1976, %swap3A_1977], %swap3A_1980 {strides = array<i32>} : memref<1x50x1024xf32, #tpu.memory_space<vmem>>, vector<1x1x16xf32>,
      %get3A_1981 = arith.constant 15 : i32
      %get3A_1982 = arith.index_cast %get3A_1981 : i32 to index
      %get3A_1983 = arith.constant 32 : index
      %get3A_1984 = tpu.vector_load %arg12[%get3A_1982, %get3A_1983] {strides = array<i32>} : memref<16x128xf32, #tpu.memory_space<vmem>>, vector<1x16xf32>,
      %get3A_1985 = vector.shape_cast %get3A_1984 : vector<1x16xf32> to vector<16xf32>
      %swap3A_1986 = arith.constant 0 : i32
      %swap3A_1987 = arith.constant 49 : i32
      %swap3A_1988 = arith.index_cast %swap3A_1986 : i32 to index
      %swap3A_1989 = arith.index_cast %swap3A_1987 : i32 to index
      %swap3A_1990 = arith.constant 672 : index
      %swap3A_1991 = tpu.vector_load %arg6[%swap3A_1988, %swap3A_1989, %swap3A_1990] {strides = array<i32>} : memref<1x50x1024xf32, #tpu.memory_space<vmem>>, vector<1x1x16xf32>,
      %swap3A_1992 = vector.shape_cast %swap3A_1991 : vector<1x1x16xf32> to vector<16xf32>
      %swap3A_1993 = vector.shape_cast %get3A_1985 : vector<16xf32> to vector<1x1x16xf32>
      tpu.vector_store %arg6[%swap3A_1988, %swap3A_1989, %swap3A_1990], %swap3A_1993 {strides = array<i32>} : memref<1x50x1024xf32, #tpu.memory_space<vmem>>, vector<1x1x16xf32>,
      %get3A_1994 = arith.constant 15 : i32
      %get3A_1995 = arith.index_cast %get3A_1994 : i32 to index
      %get3A_1996 = arith.constant 48 : index
      %get3A_1997 = tpu.vector_load %arg12[%get3A_1995, %get3A_1996] {strides = array<i32>} : memref<16x128xf32, #tpu.memory_space<vmem>>, vector<1x16xf32>,
      %get3A_1998 = vector.shape_cast %get3A_1997 : vector<1x16xf32> to vector<16xf32>
      %swap3A_1999 = arith.constant 0 : i32
      %swap3A_2000 = arith.constant 49 : i32
      %swap3A_2001 = arith.index_cast %swap3A_1999 : i32 to index
      %swap3A_2002 = arith.index_cast %swap3A_2000 : i32 to index
      %swap3A_2003 = arith.constant 688 : index
      %swap3A_2004 = tpu.vector_load %arg6[%swap3A_2001, %swap3A_2002, %swap3A_2003] {strides = array<i32>} : memref<1x50x1024xf32, #tpu.memory_space<vmem>>, vector<1x1x16xf32>,
      %swap3A_2005 = vector.shape_cast %swap3A_2004 : vector<1x1x16xf32> to vector<16xf32>
      %swap3A_2006 = vector.shape_cast %get3A_1998 : vector<16xf32> to vector<1x1x16xf32>
      tpu.vector_store %arg6[%swap3A_2001, %swap3A_2002, %swap3A_2003], %swap3A_2006 {strides = array<i32>} : memref<1x50x1024xf32, #tpu.memory_space<vmem>>, vector<1x1x16xf32>,
      %get3A_2007 = arith.constant 15 : i32
      %get3A_2008 = arith.index_cast %get3A_2007 : i32 to index
      %get3A_2009 = arith.constant 64 : index
      %get3A_2010 = tpu.vector_load %arg12[%get3A_2008, %get3A_2009] {strides = array<i32>} : memref<16x128xf32, #tpu.memory_space<vmem>>, vector<1x16xf32>,
      %get3A_2011 = vector.shape_cast %get3A_2010 : vector<1x16xf32> to vector<16xf32>
      %swap3A_2012 = arith.constant 0 : i32
      %swap3A_2013 = arith.constant 49 : i32
      %swap3A_2014 = arith.index_cast %swap3A_2012 : i32 to index
      %swap3A_2015 = arith.index_cast %swap3A_2013 : i32 to index
      %swap3A_2016 = arith.constant 704 : index
      %swap3A_2017 = tpu.vector_load %arg6[%swap3A_2014, %swap3A_2015, %swap3A_2016] {strides = array<i32>} : memref<1x50x1024xf32, #tpu.memory_space<vmem>>, vector<1x1x16xf32>,
      %swap3A_2018 = vector.shape_cast %swap3A_2017 : vector<1x1x16xf32> to vector<16xf32>
      %swap3A_2019 = vector.shape_cast %get3A_2011 : vector<16xf32> to vector<1x1x16xf32>
      tpu.vector_store %arg6[%swap3A_2014, %swap3A_2015, %swap3A_2016], %swap3A_2019 {strides = array<i32>} : memref<1x50x1024xf32, #tpu.memory_space<vmem>>, vector<1x1x16xf32>,
      %get3A_2020 = arith.constant 15 : i32
      %get3A_2021 = arith.index_cast %get3A_2020 : i32 to index
      %get3A_2022 = arith.constant 80 : index
      %get3A_2023 = tpu.vector_load %arg12[%get3A_2021, %get3A_2022] {strides = array<i32>} : memref<16x128xf32, #tpu.memory_space<vmem>>, vector<1x16xf32>,
      %get3A_2024 = vector.shape_cast %get3A_2023 : vector<1x16xf32> to vector<16xf32>
      %swap3A_2025 = arith.constant 0 : i32
      %swap3A_2026 = arith.constant 49 : i32
      %swap3A_2027 = arith.index_cast %swap3A_2025 : i32 to index
      %swap3A_2028 = arith.index_cast %swap3A_2026 : i32 to index
      %swap3A_2029 = arith.constant 720 : index
      %swap3A_2030 = tpu.vector_load %arg6[%swap3A_2027, %swap3A_2028, %swap3A_2029] {strides = array<i32>} : memref<1x50x1024xf32, #tpu.memory_space<vmem>>, vector<1x1x16xf32>,
      %swap3A_2031 = vector.shape_cast %swap3A_2030 : vector<1x1x16xf32> to vector<16xf32>
      %swap3A_2032 = vector.shape_cast %get3A_2024 : vector<16xf32> to vector<1x1x16xf32>
      tpu.vector_store %arg6[%swap3A_2027, %swap3A_2028, %swap3A_2029], %swap3A_2032 {strides = array<i32>} : memref<1x50x1024xf32, #tpu.memory_space<vmem>>, vector<1x1x16xf32>,
      %get3A_2033 = arith.constant 15 : i32
      %get3A_2034 = arith.index_cast %get3A_2033 : i32 to index
      %get3A_2035 = arith.constant 96 : index
      %get3A_2036 = tpu.vector_load %arg12[%get3A_2034, %get3A_2035] {strides = array<i32>} : memref<16x128xf32, #tpu.memory_space<vmem>>, vector<1x16xf32>,
      %get3A_2037 = vector.shape_cast %get3A_2036 : vector<1x16xf32> to vector<16xf32>
      %swap3A_2038 = arith.constant 0 : i32
      %swap3A_2039 = arith.constant 49 : i32
      %swap3A_2040 = arith.index_cast %swap3A_2038 : i32 to index
      %swap3A_2041 = arith.index_cast %swap3A_2039 : i32 to index
      %swap3A_2042 = arith.constant 736 : index
      %swap3A_2043 = tpu.vector_load %arg6[%swap3A_2040, %swap3A_2041, %swap3A_2042] {strides = array<i32>} : memref<1x50x1024xf32, #tpu.memory_space<vmem>>, vector<1x1x16xf32>,
      %swap3A_2044 = vector.shape_cast %swap3A_2043 : vector<1x1x16xf32> to vector<16xf32>
      %swap3A_2045 = vector.shape_cast %get3A_2037 : vector<16xf32> to vector<1x1x16xf32>
      tpu.vector_store %arg6[%swap3A_2040, %swap3A_2041, %swap3A_2042], %swap3A_2045 {strides = array<i32>} : memref<1x50x1024xf32, #tpu.memory_space<vmem>>, vector<1x1x16xf32>,
      %get3A_2046 = arith.constant 15 : i32
      %get3A_2047 = arith.index_cast %get3A_2046 : i32 to index
      %get3A_2048 = arith.constant 112 : index
      %get3A_2049 = tpu.vector_load %arg12[%get3A_2047, %get3A_2048] {strides = array<i32>} : memref<16x128xf32, #tpu.memory_space<vmem>>, vector<1x16xf32>,
      %get3A_2050 = vector.shape_cast %get3A_2049 : vector<1x16xf32> to vector<16xf32>
      %swap3A_2051 = arith.constant 0 : i32
      %swap3A_2052 = arith.constant 49 : i32
      %swap3A_2053 = arith.index_cast %swap3A_2051 : i32 to index
      %swap3A_2054 = arith.index_cast %swap3A_2052 : i32 to index
      %swap3A_2055 = arith.constant 752 : index
      %swap3A_2056 = tpu.vector_load %arg6[%swap3A_2053, %swap3A_2054, %swap3A_2055] {strides = array<i32>} : memref<1x50x1024xf32, #tpu.memory_space<vmem>>, vector<1x1x16xf32>,
      %swap3A_2057 = vector.shape_cast %swap3A_2056 : vector<1x1x16xf32> to vector<16xf32>
      %swap3A_2058 = vector.shape_cast %get3A_2050 : vector<16xf32> to vector<1x1x16xf32>
      tpu.vector_store %arg6[%swap3A_2053, %swap3A_2054, %swap3A_2055], %swap3A_2058 {strides = array<i32>} : memref<1x50x1024xf32, #tpu.memory_space<vmem>>, vector<1x1x16xf32>,
      %get3A_2059 = arith.constant 15 : i32
      %get3A_2060 = arith.index_cast %get3A_2059 : i32 to index
      %get3A_2061 = arith.constant 0 : index
      %get3A_2062 = tpu.vector_load %arg13[%get3A_2060, %get3A_2061] {strides = array<i32>} : memref<16x128xf32, #tpu.memory_space<vmem>>, vector<1x16xf32>,
      %get3A_2063 = vector.shape_cast %get3A_2062 : vector<1x16xf32> to vector<16xf32>
      %swap3A_2064 = arith.constant 0 : i32
      %swap3A_2065 = arith.constant 49 : i32
      %swap3A_2066 = arith.index_cast %swap3A_2064 : i32 to index
      %swap3A_2067 = arith.index_cast %swap3A_2065 : i32 to index
      %swap3A_2068 = arith.constant 768 : index
      %swap3A_2069 = tpu.vector_load %arg6[%swap3A_2066, %swap3A_2067, %swap3A_2068] {strides = array<i32>} : memref<1x50x1024xf32, #tpu.memory_space<vmem>>, vector<1x1x16xf32>,
      %swap3A_2070 = vector.shape_cast %swap3A_2069 : vector<1x1x16xf32> to vector<16xf32>
      %swap3A_2071 = vector.shape_cast %get3A_2063 : vector<16xf32> to vector<1x1x16xf32>
      tpu.vector_store %arg6[%swap3A_2066, %swap3A_2067, %swap3A_2068], %swap3A_2071 {strides = array<i32>} : memref<1x50x1024xf32, #tpu.memory_space<vmem>>, vector<1x1x16xf32>,
      %get3A_2072 = arith.constant 15 : i32
      %get3A_2073 = arith.index_cast %get3A_2072 : i32 to index
      %get3A_2074 = arith.constant 16 : index
      %get3A_2075 = tpu.vector_load %arg13[%get3A_2073, %get3A_2074] {strides = array<i32>} : memref<16x128xf32, #tpu.memory_space<vmem>>, vector<1x16xf32>,
      %get3A_2076 = vector.shape_cast %get3A_2075 : vector<1x16xf32> to vector<16xf32>
      %swap3A_2077 = arith.constant 0 : i32
      %swap3A_2078 = arith.constant 49 : i32
      %swap3A_2079 = arith.index_cast %swap3A_2077 : i32 to index
      %swap3A_2080 = arith.index_cast %swap3A_2078 : i32 to index
      %swap3A_2081 = arith.constant 784 : index
      %swap3A_2082 = tpu.vector_load %arg6[%swap3A_2079, %swap3A_2080, %swap3A_2081] {strides = array<i32>} : memref<1x50x1024xf32, #tpu.memory_space<vmem>>, vector<1x1x16xf32>,
      %swap3A_2083 = vector.shape_cast %swap3A_2082 : vector<1x1x16xf32> to vector<16xf32>
      %swap3A_2084 = vector.shape_cast %get3A_2076 : vector<16xf32> to vector<1x1x16xf32>
      tpu.vector_store %arg6[%swap3A_2079, %swap3A_2080, %swap3A_2081], %swap3A_2084 {strides = array<i32>} : memref<1x50x1024xf32, #tpu.memory_space<vmem>>, vector<1x1x16xf32>,
      %get3A_2085 = arith.constant 15 : i32
      %get3A_2086 = arith.index_cast %get3A_2085 : i32 to index
      %get3A_2087 = arith.constant 32 : index
      %get3A_2088 = tpu.vector_load %arg13[%get3A_2086, %get3A_2087] {strides = array<i32>} : memref<16x128xf32, #tpu.memory_space<vmem>>, vector<1x16xf32>,
      %get3A_2089 = vector.shape_cast %get3A_2088 : vector<1x16xf32> to vector<16xf32>
      %swap3A_2090 = arith.constant 0 : i32
      %swap3A_2091 = arith.constant 49 : i32
      %swap3A_2092 = arith.index_cast %swap3A_2090 : i32 to index
      %swap3A_2093 = arith.index_cast %swap3A_2091 : i32 to index
      %swap3A_2094 = arith.constant 800 : index
      %swap3A_2095 = tpu.vector_load %arg6[%swap3A_2092, %swap3A_2093, %swap3A_2094] {strides = array<i32>} : memref<1x50x1024xf32, #tpu.memory_space<vmem>>, vector<1x1x16xf32>,
      %swap3A_2096 = vector.shape_cast %swap3A_2095 : vector<1x1x16xf32> to vector<16xf32>
      %swap3A_2097 = vector.shape_cast %get3A_2089 : vector<16xf32> to vector<1x1x16xf32>
      tpu.vector_store %arg6[%swap3A_2092, %swap3A_2093, %swap3A_2094], %swap3A_2097 {strides = array<i32>} : memref<1x50x1024xf32, #tpu.memory_space<vmem>>, vector<1x1x16xf32>,
      %get3A_2098 = arith.constant 15 : i32
      %get3A_2099 = arith.index_cast %get3A_2098 : i32 to index
      %get3A_2100 = arith.constant 48 : index
      %get3A_2101 = tpu.vector_load %arg13[%get3A_2099, %get3A_2100] {strides = array<i32>} : memref<16x128xf32, #tpu.memory_space<vmem>>, vector<1x16xf32>,
      %get3A_2102 = vector.shape_cast %get3A_2101 : vector<1x16xf32> to vector<16xf32>
      %swap3A_2103 = arith.constant 0 : i32
      %swap3A_2104 = arith.constant 49 : i32
      %swap3A_2105 = arith.index_cast %swap3A_2103 : i32 to index
      %swap3A_2106 = arith.index_cast %swap3A_2104 : i32 to index
      %swap3A_2107 = arith.constant 816 : index
      %swap3A_2108 = tpu.vector_load %arg6[%swap3A_2105, %swap3A_2106, %swap3A_2107] {strides = array<i32>} : memref<1x50x1024xf32, #tpu.memory_space<vmem>>, vector<1x1x16xf32>,
      %swap3A_2109 = vector.shape_cast %swap3A_2108 : vector<1x1x16xf32> to vector<16xf32>
      %swap3A_2110 = vector.shape_cast %get3A_2102 : vector<16xf32> to vector<1x1x16xf32>
      tpu.vector_store %arg6[%swap3A_2105, %swap3A_2106, %swap3A_2107], %swap3A_2110 {strides = array<i32>} : memref<1x50x1024xf32, #tpu.memory_space<vmem>>, vector<1x1x16xf32>,
      %get3A_2111 = arith.constant 15 : i32
      %get3A_2112 = arith.index_cast %get3A_2111 : i32 to index
      %get3A_2113 = arith.constant 64 : index
      %get3A_2114 = tpu.vector_load %arg13[%get3A_2112, %get3A_2113] {strides = array<i32>} : memref<16x128xf32, #tpu.memory_space<vmem>>, vector<1x16xf32>,
      %get3A_2115 = vector.shape_cast %get3A_2114 : vector<1x16xf32> to vector<16xf32>
      %swap3A_2116 = arith.constant 0 : i32
      %swap3A_2117 = arith.constant 49 : i32
      %swap3A_2118 = arith.index_cast %swap3A_2116 : i32 to index
      %swap3A_2119 = arith.index_cast %swap3A_2117 : i32 to index
      %swap3A_2120 = arith.constant 832 : index
      %swap3A_2121 = tpu.vector_load %arg6[%swap3A_2118, %swap3A_2119, %swap3A_2120] {strides = array<i32>} : memref<1x50x1024xf32, #tpu.memory_space<vmem>>, vector<1x1x16xf32>,
      %swap3A_2122 = vector.shape_cast %swap3A_2121 : vector<1x1x16xf32> to vector<16xf32>
      %swap3A_2123 = vector.shape_cast %get3A_2115 : vector<16xf32> to vector<1x1x16xf32>
      tpu.vector_store %arg6[%swap3A_2118, %swap3A_2119, %swap3A_2120], %swap3A_2123 {strides = array<i32>} : memref<1x50x1024xf32, #tpu.memory_space<vmem>>, vector<1x1x16xf32>,
      %get3A_2124 = arith.constant 15 : i32
      %get3A_2125 = arith.index_cast %get3A_2124 : i32 to index
      %get3A_2126 = arith.constant 80 : index
      %get3A_2127 = tpu.vector_load %arg13[%get3A_2125, %get3A_2126] {strides = array<i32>} : memref<16x128xf32, #tpu.memory_space<vmem>>, vector<1x16xf32>,
      %get3A_2128 = vector.shape_cast %get3A_2127 : vector<1x16xf32> to vector<16xf32>
      %swap3A_2129 = arith.constant 0 : i32
      %swap3A_2130 = arith.constant 49 : i32
      %swap3A_2131 = arith.index_cast %swap3A_2129 : i32 to index
      %swap3A_2132 = arith.index_cast %swap3A_2130 : i32 to index
      %swap3A_2133 = arith.constant 848 : index
      %swap3A_2134 = tpu.vector_load %arg6[%swap3A_2131, %swap3A_2132, %swap3A_2133] {strides = array<i32>} : memref<1x50x1024xf32, #tpu.memory_space<vmem>>, vector<1x1x16xf32>,
      %swap3A_2135 = vector.shape_cast %swap3A_2134 : vector<1x1x16xf32> to vector<16xf32>
      %swap3A_2136 = vector.shape_cast %get3A_2128 : vector<16xf32> to vector<1x1x16xf32>
      tpu.vector_store %arg6[%swap3A_2131, %swap3A_2132, %swap3A_2133], %swap3A_2136 {strides = array<i32>} : memref<1x50x1024xf32, #tpu.memory_space<vmem>>, vector<1x1x16xf32>,
      %get3A_2137 = arith.constant 15 : i32
      %get3A_2138 = arith.index_cast %get3A_2137 : i32 to index
      %get3A_2139 = arith.constant 96 : index
      %get3A_2140 = tpu.vector_load %arg13[%get3A_2138, %get3A_2139] {strides = array<i32>} : memref<16x128xf32, #tpu.memory_space<vmem>>, vector<1x16xf32>,
      %get3A_2141 = vector.shape_cast %get3A_2140 : vector<1x16xf32> to vector<16xf32>
      %swap3A_2142 = arith.constant 0 : i32
      %swap3A_2143 = arith.constant 49 : i32
      %swap3A_2144 = arith.index_cast %swap3A_2142 : i32 to index
      %swap3A_2145 = arith.index_cast %swap3A_2143 : i32 to index
      %swap3A_2146 = arith.constant 864 : index
      %swap3A_2147 = tpu.vector_load %arg6[%swap3A_2144, %swap3A_2145, %swap3A_2146] {strides = array<i32>} : memref<1x50x1024xf32, #tpu.memory_space<vmem>>, vector<1x1x16xf32>,
      %swap3A_2148 = vector.shape_cast %swap3A_2147 : vector<1x1x16xf32> to vector<16xf32>
      %swap3A_2149 = vector.shape_cast %get3A_2141 : vector<16xf32> to vector<1x1x16xf32>
      tpu.vector_store %arg6[%swap3A_2144, %swap3A_2145, %swap3A_2146], %swap3A_2149 {strides = array<i32>} : memref<1x50x1024xf32, #tpu.memory_space<vmem>>, vector<1x1x16xf32>,
      %get3A_2150 = arith.constant 15 : i32
      %get3A_2151 = arith.index_cast %get3A_2150 : i32 to index
      %get3A_2152 = arith.constant 112 : index
      %get3A_2153 = tpu.vector_load %arg13[%get3A_2151, %get3A_2152] {strides = array<i32>} : memref<16x128xf32, #tpu.memory_space<vmem>>, vector<1x16xf32>,
      %get3A_2154 = vector.shape_cast %get3A_2153 : vector<1x16xf32> to vector<16xf32>
      %swap3A_2155 = arith.constant 0 : i32
      %swap3A_2156 = arith.constant 49 : i32
      %swap3A_2157 = arith.index_cast %swap3A_2155 : i32 to index
      %swap3A_2158 = arith.index_cast %swap3A_2156 : i32 to index
      %swap3A_2159 = arith.constant 880 : index
      %swap3A_2160 = tpu.vector_load %arg6[%swap3A_2157, %swap3A_2158, %swap3A_2159] {strides = array<i32>} : memref<1x50x1024xf32, #tpu.memory_space<vmem>>, vector<1x1x16xf32>,
      %swap3A_2161 = vector.shape_cast %swap3A_2160 : vector<1x1x16xf32> to vector<16xf32>
      %swap3A_2162 = vector.shape_cast %get3A_2154 : vector<16xf32> to vector<1x1x16xf32>
      tpu.vector_store %arg6[%swap3A_2157, %swap3A_2158, %swap3A_2159], %swap3A_2162 {strides = array<i32>} : memref<1x50x1024xf32, #tpu.memory_space<vmem>>, vector<1x1x16xf32>,
      %get3A_2163 = arith.constant 15 : i32
      %get3A_2164 = arith.index_cast %get3A_2163 : i32 to index
      %get3A_2165 = arith.constant 0 : index
      %get3A_2166 = tpu.vector_load %arg14[%get3A_2164, %get3A_2165] {strides = array<i32>} : memref<16x128xf32, #tpu.memory_space<vmem>>, vector<1x16xf32>,
      %get3A_2167 = vector.shape_cast %get3A_2166 : vector<1x16xf32> to vector<16xf32>
      %swap3A_2168 = arith.constant 0 : i32
      %swap3A_2169 = arith.constant 49 : i32
      %swap3A_2170 = arith.index_cast %swap3A_2168 : i32 to index
      %swap3A_2171 = arith.index_cast %swap3A_2169 : i32 to index
      %swap3A_2172 = arith.constant 896 : index
      %swap3A_2173 = tpu.vector_load %arg6[%swap3A_2170, %swap3A_2171, %swap3A_2172] {strides = array<i32>} : memref<1x50x1024xf32, #tpu.memory_space<vmem>>, vector<1x1x16xf32>,
      %swap3A_2174 = vector.shape_cast %swap3A_2173 : vector<1x1x16xf32> to vector<16xf32>
      %swap3A_2175 = vector.shape_cast %get3A_2167 : vector<16xf32> to vector<1x1x16xf32>
      tpu.vector_store %arg6[%swap3A_2170, %swap3A_2171, %swap3A_2172], %swap3A_2175 {strides = array<i32>} : memref<1x50x1024xf32, #tpu.memory_space<vmem>>, vector<1x1x16xf32>,
      %get3A_2176 = arith.constant 15 : i32
      %get3A_2177 = arith.index_cast %get3A_2176 : i32 to index
      %get3A_2178 = arith.constant 16 : index
      %get3A_2179 = tpu.vector_load %arg14[%get3A_2177, %get3A_2178] {strides = array<i32>} : memref<16x128xf32, #tpu.memory_space<vmem>>, vector<1x16xf32>,
      %get3A_2180 = vector.shape_cast %get3A_2179 : vector<1x16xf32> to vector<16xf32>
      %swap3A_2181 = arith.constant 0 : i32
      %swap3A_2182 = arith.constant 49 : i32
      %swap3A_2183 = arith.index_cast %swap3A_2181 : i32 to index
      %swap3A_2184 = arith.index_cast %swap3A_2182 : i32 to index
      %swap3A_2185 = arith.constant 912 : index
      %swap3A_2186 = tpu.vector_load %arg6[%swap3A_2183, %swap3A_2184, %swap3A_2185] {strides = array<i32>} : memref<1x50x1024xf32, #tpu.memory_space<vmem>>, vector<1x1x16xf32>,
      %swap3A_2187 = vector.shape_cast %swap3A_2186 : vector<1x1x16xf32> to vector<16xf32>
      %swap3A_2188 = vector.shape_cast %get3A_2180 : vector<16xf32> to vector<1x1x16xf32>
      tpu.vector_store %arg6[%swap3A_2183, %swap3A_2184, %swap3A_2185], %swap3A_2188 {strides = array<i32>} : memref<1x50x1024xf32, #tpu.memory_space<vmem>>, vector<1x1x16xf32>,
      %get3A_2189 = arith.constant 15 : i32
      %get3A_2190 = arith.index_cast %get3A_2189 : i32 to index
      %get3A_2191 = arith.constant 32 : index
      %get3A_2192 = tpu.vector_load %arg14[%get3A_2190, %get3A_2191] {strides = array<i32>} : memref<16x128xf32, #tpu.memory_space<vmem>>, vector<1x16xf32>,
      %get3A_2193 = vector.shape_cast %get3A_2192 : vector<1x16xf32> to vector<16xf32>
      %swap3A_2194 = arith.constant 0 : i32
      %swap3A_2195 = arith.constant 49 : i32
      %swap3A_2196 = arith.index_cast %swap3A_2194 : i32 to index
      %swap3A_2197 = arith.index_cast %swap3A_2195 : i32 to index
      %swap3A_2198 = arith.constant 928 : index
      %swap3A_2199 = tpu.vector_load %arg6[%swap3A_2196, %swap3A_2197, %swap3A_2198] {strides = array<i32>} : memref<1x50x1024xf32, #tpu.memory_space<vmem>>, vector<1x1x16xf32>,
      %swap3A_2200 = vector.shape_cast %swap3A_2199 : vector<1x1x16xf32> to vector<16xf32>
      %swap3A_2201 = vector.shape_cast %get3A_2193 : vector<16xf32> to vector<1x1x16xf32>
      tpu.vector_store %arg6[%swap3A_2196, %swap3A_2197, %swap3A_2198], %swap3A_2201 {strides = array<i32>} : memref<1x50x1024xf32, #tpu.memory_space<vmem>>, vector<1x1x16xf32>,
      %get3A_2202 = arith.constant 15 : i32
      %get3A_2203 = arith.index_cast %get3A_2202 : i32 to index
      %get3A_2204 = arith.constant 48 : index
      %get3A_2205 = tpu.vector_load %arg14[%get3A_2203, %get3A_2204] {strides = array<i32>} : memref<16x128xf32, #tpu.memory_space<vmem>>, vector<1x16xf32>,
      %get3A_2206 = vector.shape_cast %get3A_2205 : vector<1x16xf32> to vector<16xf32>
      %swap3A_2207 = arith.constant 0 : i32
      %swap3A_2208 = arith.constant 49 : i32
      %swap3A_2209 = arith.index_cast %swap3A_2207 : i32 to index
      %swap3A_2210 = arith.index_cast %swap3A_2208 : i32 to index
      %swap3A_2211 = arith.constant 944 : index
      %swap3A_2212 = tpu.vector_load %arg6[%swap3A_2209, %swap3A_2210, %swap3A_2211] {strides = array<i32>} : memref<1x50x1024xf32, #tpu.memory_space<vmem>>, vector<1x1x16xf32>,
      %swap3A_2213 = vector.shape_cast %swap3A_2212 : vector<1x1x16xf32> to vector<16xf32>
      %swap3A_2214 = vector.shape_cast %get3A_2206 : vector<16xf32> to vector<1x1x16xf32>
      tpu.vector_store %arg6[%swap3A_2209, %swap3A_2210, %swap3A_2211], %swap3A_2214 {strides = array<i32>} : memref<1x50x1024xf32, #tpu.memory_space<vmem>>, vector<1x1x16xf32>,
      %get3A_2215 = arith.constant 15 : i32
      %get3A_2216 = arith.index_cast %get3A_2215 : i32 to index
      %get3A_2217 = arith.constant 64 : index
      %get3A_2218 = tpu.vector_load %arg14[%get3A_2216, %get3A_2217] {strides = array<i32>} : memref<16x128xf32, #tpu.memory_space<vmem>>, vector<1x16xf32>,
      %get3A_2219 = vector.shape_cast %get3A_2218 : vector<1x16xf32> to vector<16xf32>
      %swap3A_2220 = arith.constant 0 : i32
      %swap3A_2221 = arith.constant 49 : i32
      %swap3A_2222 = arith.index_cast %swap3A_2220 : i32 to index
      %swap3A_2223 = arith.index_cast %swap3A_2221 : i32 to index
      %swap3A_2224 = arith.constant 960 : index
      %swap3A_2225 = tpu.vector_load %arg6[%swap3A_2222, %swap3A_2223, %swap3A_2224] {strides = array<i32>} : memref<1x50x1024xf32, #tpu.memory_space<vmem>>, vector<1x1x16xf32>,
      %swap3A_2226 = vector.shape_cast %swap3A_2225 : vector<1x1x16xf32> to vector<16xf32>
      %swap3A_2227 = vector.shape_cast %get3A_2219 : vector<16xf32> to vector<1x1x16xf32>
      tpu.vector_store %arg6[%swap3A_2222, %swap3A_2223, %swap3A_2224], %swap3A_2227 {strides = array<i32>} : memref<1x50x1024xf32, #tpu.memory_space<vmem>>, vector<1x1x16xf32>,
      %get3A_2228 = arith.constant 15 : i32
      %get3A_2229 = arith.index_cast %get3A_2228 : i32 to index
      %get3A_2230 = arith.constant 80 : index
      %get3A_2231 = tpu.vector_load %arg14[%get3A_2229, %get3A_2230] {strides = array<i32>} : memref<16x128xf32, #tpu.memory_space<vmem>>, vector<1x16xf32>,
      %get3A_2232 = vector.shape_cast %get3A_2231 : vector<1x16xf32> to vector<16xf32>
      %swap3A_2233 = arith.constant 0 : i32
      %swap3A_2234 = arith.constant 49 : i32
      %swap3A_2235 = arith.index_cast %swap3A_2233 : i32 to index
      %swap3A_2236 = arith.index_cast %swap3A_2234 : i32 to index
      %swap3A_2237 = arith.constant 976 : index
      %swap3A_2238 = tpu.vector_load %arg6[%swap3A_2235, %swap3A_2236, %swap3A_2237] {strides = array<i32>} : memref<1x50x1024xf32, #tpu.memory_space<vmem>>, vector<1x1x16xf32>,
      %swap3A_2239 = vector.shape_cast %swap3A_2238 : vector<1x1x16xf32> to vector<16xf32>
      %swap3A_2240 = vector.shape_cast %get3A_2232 : vector<16xf32> to vector<1x1x16xf32>
      tpu.vector_store %arg6[%swap3A_2235, %swap3A_2236, %swap3A_2237], %swap3A_2240 {strides = array<i32>} : memref<1x50x1024xf32, #tpu.memory_space<vmem>>, vector<1x1x16xf32>,
      %get3A_2241 = arith.constant 15 : i32
      %get3A_2242 = arith.index_cast %get3A_2241 : i32 to index
      %get3A_2243 = arith.constant 96 : index
      %get3A_2244 = tpu.vector_load %arg14[%get3A_2242, %get3A_2243] {strides = array<i32>} : memref<16x128xf32, #tpu.memory_space<vmem>>, vector<1x16xf32>,
      %get3A_2245 = vector.shape_cast %get3A_2244 : vector<1x16xf32> to vector<16xf32>
      %swap3A_2246 = arith.constant 0 : i32
      %swap3A_2247 = arith.constant 49 : i32
      %swap3A_2248 = arith.index_cast %swap3A_2246 : i32 to index
      %swap3A_2249 = arith.index_cast %swap3A_2247 : i32 to index
      %swap3A_2250 = arith.constant 992 : index
      %swap3A_2251 = tpu.vector_load %arg6[%swap3A_2248, %swap3A_2249, %swap3A_2250] {strides = array<i32>} : memref<1x50x1024xf32, #tpu.memory_space<vmem>>, vector<1x1x16xf32>,
      %swap3A_2252 = vector.shape_cast %swap3A_2251 : vector<1x1x16xf32> to vector<16xf32>
      %swap3A_2253 = vector.shape_cast %get3A_2245 : vector<16xf32> to vector<1x1x16xf32>
      tpu.vector_store %arg6[%swap3A_2248, %swap3A_2249, %swap3A_2250], %swap3A_2253 {strides = array<i32>} : memref<1x50x1024xf32, #tpu.memory_space<vmem>>, vector<1x1x16xf32>,
      %get3A_2254 = arith.constant 15 : i32
      %get3A_2255 = arith.index_cast %get3A_2254 : i32 to index
      %get3A_2256 = arith.constant 112 : index
      %get3A_2257 = tpu.vector_load %arg14[%get3A_2255, %get3A_2256] {strides = array<i32>} : memref<16x128xf32, #tpu.memory_space<vmem>>, vector<1x16xf32>,
      %get3A_2258 = vector.shape_cast %get3A_2257 : vector<1x16xf32> to vector<16xf32>
      %swap3A_2259 = arith.constant 0 : i32
      %swap3A_2260 = arith.constant 49 : i32
      %swap3A_2261 = arith.index_cast %swap3A_2259 : i32 to index
      %swap3A_2262 = arith.index_cast %swap3A_2260 : i32 to index
      %swap3A_2263 = arith.constant 1008 : index
      %swap3A_2264 = tpu.vector_load %arg6[%swap3A_2261, %swap3A_2262, %swap3A_2263] {strides = array<i32>} : memref<1x50x1024xf32, #tpu.memory_space<vmem>>, vector<1x1x16xf32>,
      %swap3A_2265 = vector.shape_cast %swap3A_2264 : vector<1x1x16xf32> to vector<16xf32>
      %swap3A_2266 = vector.shape_cast %get3A_2258 : vector<16xf32> to vector<1x1x16xf32>
      tpu.vector_store %arg6[%swap3A_2261, %swap3A_2262, %swap3A_2263], %swap3A_2266 {strides = array<i32>} : memref<1x50x1024xf32, #tpu.memory_space<vmem>>, vector<1x1x16xf32>,
      %add3A_2267 = arith.addi %mul3A_4, %scan3A_11 : i32
      "tpu.region"() ({
        %run_scoped3A = tpu.sem_alloc : memref<!tpu.dma_semaphore, #tpu.memory_space<semaphore_mem>>
        %dma_start3A_2269 = arith.constant 0 : i32
        %dma_start3A_2270 = arith.constant 0 : i32
        %dma_start3A_2271 = tpu.memref_slice %arg4[%add3A_2267, %dma_start3A_2269, %dma_start3A_2270] : memref<1024x50x1024xf32, #tpu.memory_space<hbm>> -> memref<1x50x1024xf32, #tpu.memory_space<hbm>>
        %dma_start3A_2272 = arith.constant 0 : i32
        %dma_start3A_2273 = arith.constant 0 : i32
        %dma_start3A_2274 = tpu.memref_slice %arg4[%add3A_2267, %dma_start3A_2272, %dma_start3A_2273] : memref<1024x50x1024xf32, #tpu.memory_space<hbm>> -> memref<1x50x1024xf32, #tpu.memory_space<hbm>>
        tpu.enqueue_dma source(%arg6 : memref<1x50x1024xf32, #tpu.memory_space<vmem>>) target(%dma_start3A_2274 : memref<1x50x1024xf32, #tpu.memory_space<hbm>>) target_semaphore(%run_scoped3A : memref<!tpu.dma_semaphore, #tpu.memory_space<semaphore_mem>>)
        %dma_wait3A_2275 = arith.constant 0 : i32
        %dma_wait3A_2276 = arith.constant 0 : i32
        %dma_wait3A_2277 = tpu.memref_slice %arg4[%add3A_2267, %dma_wait3A_2275, %dma_wait3A_2276] : memref<1024x50x1024xf32, #tpu.memory_space<hbm>> -> memref<1x50x1024xf32, #tpu.memory_space<hbm>>
        %dma_wait3A_2278 = arith.constant 0 : i32
        %dma_wait3A_2279 = arith.constant 0 : i32
        %dma_wait3A_2280 = tpu.memref_slice %arg4[%add3A_2267, %dma_wait3A_2278, %dma_wait3A_2279] : memref<1024x50x1024xf32, #tpu.memory_space<hbm>> -> memref<1x50x1024xf32, #tpu.memory_space<hbm>>
        tpu.wait_dma2 semaphore(%run_scoped3A : memref<!tpu.dma_semaphore, #tpu.memory_space<semaphore_mem>>) src(%arg6 : memref<1x50x1024xf32, #tpu.memory_space<vmem>>) dst(%dma_wait3A_2280 : memref<1x50x1024xf32, #tpu.memory_space<hbm>>)
        tpu.yield
      }) : () -> ()
      %scan3A_2268 = arith.constant 0 : i32
      scf.yield %scan3A_2268 : i32
    }
    %scan3A_10 = arith.constant 32 : i32
    return
  }
}

</mosaic_0001>

<sc_bundles>
// kernel: kernel.3.cloned.1.call-start
scs
__scs_entry_jumppad:
0x0: {  	(pc) =	sbr.rel $0x88, $3  }
0x1: {  	(tag) =	ssettag $0x0;
	lr =	simm.s32 $0x1  }
0x2: {  	[smem:$0x3F9F] =	sst lr;
	_ =	strace $0xD0000000  }
0x3: {  	_ = 	snop  }
0x4: {  	_ = 	snop  }
0x5: {  	_ = 	snop  }
0x6: {  	_ = 	snop  }
0x7: {  	_ = 	snop  }
__scs_overlays_trampoline_lowered:
0x8: {  	[smem:$0x3FAE] =	sst s0  }
0x9: {  	[smem:$0x3FAF] =	sst s1  }
0xa: {  	[smem:$0x3FB0] =	sst s2  }
0xb: {  	[smem:$0x3FB1] =	sst s3  }
0xc: {  	[smem:$0x3FB2] =	sst s4  }
0xd: {  	[smem:$0x3FB3] =	sst s5  }
0xe: {  	[smem:$0x3FB4] =	sst s6  }
0xf: {  	[smem:$0x3FB5] =	sst s7  }
0x10: {  	[smem:$0x3FB6] =	sst s8  }
0x11: {  	[smem:$0x3FB7] =	sst s9;
	s0 =	simm.s32 @!p0 $0x0  }
0x12: {  	s1 =	sld [smem:$0x3F9D];
	s0 =	simm.s32 @p0 $0x1  }
0x13: {  	[smem:$0x3FB8] =	sst s0;
	s0 =	simm.s32 @!p1 $0x0  }
0x14: {  	s2 =	sld [smem:$0x3F9C];
	s0 =	simm.s32 @p1 $0x1  }
0x15: {  	[smem:$0x3FB9] =	sst s0;
	s0 =	simm.s32 @!p2 $0x0  }
0x16: {  	s3 =	sld [smem:$0x3FDB];
	s0 =	simm.s32 @p2 $0x1  }
0x17: {  	s4 =	simm.s32 $0x1BF5;
	[smem:$0x3FBB] =	sst s0  }
0x18: {  	s0 =	sld [smem:$0x3F9E];
	_ =	swait.ge [sflag:s4], $0x0  }
0x19: {  	s7 =	sld [smem:$0x3F9F]  }
0x1a: {  	s8 =	sadd.s32 $0xFFFFE003, lr  }
0x1b: {  	s9 =	sadd.s32 $0xFFFFFEF7, lr;
	s5 =	simm.s32 $0xFFFFFFFF;
	p2 =	slt.u32 s8, $0xFFFFF086  }
0x1c: {  	p1 =	slt.u32 s9, $0xF7A;
	s5 =	simm.s32 @!p2 $0x0  }
0x1d: {  	s5 =	simm.s32 @p1 $0x1;
	p0 =	seq.s32 s7, s2  }
0x1e: {  	s7 =	smul.u32 @!p0 $0xF7A, s2;
	p2 =	seq.s32 @!p0 s5, $0x0  }
0x1f: {  	s9 =	smul.u32 $0xF7A, s1;
	s8 =	simm.s32 @!p0 $0x1BF5;
	p2 =	por !p2, p0  }
0x20: {  	[sflag:s8] =	ssyncset.s32 @!p0 $0xFFFFF086;
	s6 =	sadd.s32 @!p0 s3, s7;
	s7 =	simm.s32 @!p0 $0x108  }
0x21: {  	s3 =	sadd.s32 s3, s9;
	s6 =	sadd.s32 @!p0 $0x88, s6;
	s7 =	simm.s32 @p2 $0x1082  }
0x22: {  	[simem:s7], [sflag:s8] =	dma.local @!p0 [hbm:s6], $0xF7A  }
0x23: {  	s9 =	sor.u32 $0xD0000000, s2;
	s6 =	simm.s32 $0x108;
	_ =	swait.ge @!p0 [sflag:s8], $0x0  }
0x24: {  	s3 =	sadd.s32 $0x88, s3;
	s6 =	simm.s32 @!p1 $0x1082;
	[sflag:s4] =	ssyncset.s32 $0xFFFFF086  }
0x25: {  	[simem:s6], [sflag:s4] =	dma.local [hbm:s3], $0xF7A  }
0x26: {  	[smem:$0x3F9F] =	sst s1;
	(tag) =	ssettag s2;
	_ =	strace s9  }
0x27: {  	s1 =	sld [smem:$0x3FAF]  }
0x28: {  	s2 =	sld [smem:$0x3FB0]  }
0x29: {  	s4 =	sld [smem:$0x3FB2]  }
0x2a: {  	p0 =	seq.s32 s5, $0x0;
	s5 =	sld [smem:$0x3FB3]  }
0x2b: {  	s6 =	sld [smem:$0x3FB4]  }
0x2c: {  	s7 =	sld [smem:$0x3FB5]  }
0x2d: {  	s3 =	simm.s32 $0x108;
	s8 =	sld [smem:$0x3FB6]  }
0x2e: {  	s3 =	simm.s32 @!p0 $0x1082;
	s9 =	sld [smem:$0x3FB7]  }
0x2f: {  	lr =	sadd.s32 s0, s3;
	s0 =	sld [smem:$0x3FAE]  }
0x30: {  	s3 =	sld [smem:$0x3FB1]  }
0x31: {  	[smem:$0x3FBA] =	sst s10  }
0x32: {  	s10 =	sld [smem:$0x3FB8];
	_ =	sdelay $0x3  }
0x33: {  	p0 =	seq.s32 s10, $0x1;
	s10 =	sld [smem:$0x3FBA];
	_ =	sdelay $0x3  }
0x34: {  	[smem:$0x3FBA] =	sst s10  }
0x35: {  	s10 =	sld [smem:$0x3FB9];
	_ =	sdelay $0x3  }
0x36: {  	p1 =	seq.s32 s10, $0x1;
	s10 =	sld [smem:$0x3FBA];
	_ =	sdelay $0x3  }
0x37: {  	[smem:$0x3FBA] =	sst s10  }
0x38: {  	s10 =	sld [smem:$0x3FBB]  }
0x39: {  	_ = 	snop;
	(pc) =	sbr.ind lr, $3  }
0x3a: {  	_ = 	snop  }
0x3b: {  	_ = 	snop  }
0x3c: {  	p2 =	seq.s32 s10, $0x1;
	s10 =	sld [smem:$0x3FBA]  }
0x3d: {  	_ =	shalt  }
0x3e: {  	_ =	shalt  }
0x3f: {  	_ =	shalt  }
0x40: {  	_ =	shalt  }
0x41: {  	_ =	shalt  }
0x42: {  	_ =	shalt  }
0x43: {  	_ =	shalt  }
0x44: {  	_ =	shalt  }
0x45: {  	_ =	shalt  }
0x46: {  	_ =	shalt  }
0x47: {  	_ =	shalt  }
0x48: {  	_ =	shalt  }
0x49: {  	_ =	shalt  }
0x4a: {  	_ =	shalt  }
0x4b: {  	_ =	shalt  }
0x4c: {  	_ =	shalt  }
0x4d: {  	_ =	shalt  }
0x4e: {  	_ =	shalt  }
0x4f: {  	_ =	shalt  }
0x50: {  	_ =	shalt  }
0x51: {  	_ =	shalt  }
0x52: {  	_ =	shalt  }
0x53: {  	_ =	shalt  }
0x54: {  	_ =	shalt  }
0x55: {  	_ =	shalt  }
0x56: {  	_ =	shalt  }
0x57: {  	_ =	shalt  }
0x58: {  	_ =	shalt  }
0x59: {  	_ =	shalt  }
0x5a: {  	_ =	shalt  }
0x5b: {  	_ =	shalt  }
0x5c: {  	_ =	shalt  }
0x5d: {  	_ =	shalt  }
0x5e: {  	_ =	shalt  }
0x5f: {  	_ =	shalt  }
0x60: {  	_ =	shalt  }
0x61: {  	_ =	shalt  }
0x62: {  	_ =	shalt  }
0x63: {  	_ =	shalt  }
0x64: {  	_ =	shalt  }
0x65: {  	_ =	shalt  }
0x66: {  	_ =	shalt  }
0x67: {  	_ =	shalt  }
0x68: {  	_ =	shalt  }
0x69: {  	_ =	shalt  }
0x6a: {  	_ =	shalt  }
0x6b: {  	_ =	shalt  }
0x6c: {  	_ =	shalt  }
0x6d: {  	_ =	shalt  }
0x6e: {  	_ =	shalt  }
0x6f: {  	_ =	shalt  }
0x70: {  	_ =	shalt  }
0x71: {  	_ =	shalt  }
0x72: {  	_ =	shalt  }
0x73: {  	_ =	shalt  }
0x74: {  	_ =	shalt  }
0x75: {  	_ =	shalt  }
0x76: {  	_ =	shalt  }
0x77: {  	_ =	shalt  }
0x78: {  	_ =	shalt  }
0x79: {  	_ =	shalt  }
0x7a: {  	_ =	shalt  }
0x7b: {  	_ =	shalt  }
0x7c: {  	_ =	shalt  }
0x7d: {  	_ =	shalt  }
0x7e: {  	_ =	shalt  }
0x7f: {  	_ =	shalt  }
0x80: {  	_ =	shalt  }
0x81: {  	_ =	shalt  }
0x82: {  	_ =	shalt  }
0x83: {  	_ =	shalt  }
0x84: {  	_ =	shalt  }
0x85: {  	_ =	shalt  }
0x86: {  	_ =	shalt  }
0x87: {  	_ =	shalt  }
.Lfunc_end0:
.L_simem_size_0:
called_computation.1_lowered:
.L_overlay_start_0:
0x88: {  	s2 =	sld [smem:$0x3FD9]  }
0x89: {  	s3 =	sld [smem:$0x3FFE];
	_ =	sdelay $0x1  }
0x8a: {  	s1 =	srdreg.scid  }
0x8b: {  	s0 =	sand.u32 $0x1, s1  }
0x8c: {  	s17 =	sshll.u32 s0, $0xA;
	s2 =	sadd.s32 s3, s2  }
0x8d: {  	s2 =	sadd.s32 s2, s17  }
0x8e: {  	[smem:$0x3FC6] =	sst s2  }
0x8f: {  	_ = 	snop  }
0x90: {  	s2 =	sld [smem:$0x3FD0];
	(tm) =	ssettm $0x1  }
0x91: {  	s18 =	sld [smem:$0x3FFB];
	_ =	sdelay $0x3  }
0x92: {  	_ =	strace s18  }
0x93: {  	s3 =	sld [smem:$0x3FFC];
	_ =	sdelay $0x3  }
0x94: {  	_ =	strace s3  }
0x95: {  	s3 =	sld [smem:$0x3FFD];
	_ =	sdelay $0x3  }
0x96: {  	_ =	strace s3  }
0x97: {  	_ =	strace $0x8FFFFFFF  }
0x98: {  	s19 =	sld [smem:$0x3FDB];
	_ =	sdelay $0x1  }
0x99: {  	s4 =	simm.s32 $_scs_section_size  }
0x9a: {  	s5 =	simm.s32 $_size__tile_overlayer_lowered;
	s6 =	simm.s32 $_tile_overlayer_lowered  }
0x9b: {  	s22 =	simm.s32 $0x1BFF;
	s21 =	sshll.u32 s6, $0x1;
	s3 =	sadd.s32 s4, s19  }
0x9c: {  	s7 =	simm.s32 $0x0;
	s20 =	sshll.u32 s5, $0x1;
	s5 =	sadd.s32 s21, s3  }
0x9d: {  	[timem:s7], [sflag:s22] =	dma.local [hbm:s5], s20  }
0x9e: {  	_ =	swait.ge [sflag:s22], s20  }
0x9f: {  	s4 =	ssub.s32 $0x0, s20;
	[sflag:s22] =	ssyncset.done $0x0  }
0xa0: {  	[sflag:s22] =	ssyncadd.s32 s4;
	_ =	sdelay $0x1  }
0xa1: {  	s23 =	simm.s32 $0x1B8B  }
0xa2: {  	_ =	swait.ge [sflag:s23], $0x1  }
0xa3: {  	[sflag:s23] =	ssyncset.done $0x0  }
0xa4: {  	s25 =	simm.s32 $0x1B8E;
	s24 =	sld [smem:$0x3FFE];
	[sflag:s23] =	ssyncadd.s32 $0xFFFFFFFF  }
0xa5: {  	s26 =	simm.s32 $execute0_lowered;
	[smem:$0x3FD2] =	sst s25  }
0xa6: {  	s5 =	sshll.u32 s26, $0x1;
	_ =	strace $0x80000046;
	[dreg:$0x1] =	wrdreg $0xFFFFFFFF  }
0xa7: {  	s28 =	simm.s32 $_size_execute0_lowered;
	s3 =	sadd.s32 s3, s5;
	[dreg:$0x0] =	wrdreg $0x0  }
0xa8: {  	s5 =	sshll.u32 s28, $0x1;
	[dreg:$0x2] =	wrdreg s3  }
0xa9: {  	[dreg:$0x3] =	wrdreg s5  }
0xaa: {  	[dreg:$0x4] =	wrdreg $0xC0  }
0xab: {  	_ =	task [dreg:s7], $0x5FFFF  }
0xac: {  	[dreg:$0x1] =	wrdreg $0xFFFFFFFF  }
0xad: {  	[dreg:$0x0] =	wrdreg $0x60  }
0xae: {  	[dreg:$0x2] =	wrdreg s24  }
0xaf: {  	[dreg:$0x3] =	wrdreg s2  }
0xb0: {  	[dreg:$0x4] =	wrdreg $0x9  }
0xb1: {  	_ =	task.clear_ibuf [dreg:s7], $0x5FFFF;
	_ =	strace $0x90000046  }
0xb2: {  	s29 =	simm.s32 $0x9;
	_ =	strace $0x80000048  }
0xb3: {  	_ =	swait.ge [sflag:s29], $0x1  }
0xb4: {  	[sflag:s29] =	ssyncadd.s32 $0xFFFFFFFF  }
0xb5: {  	_ =	strace $0x90000048  }
0xb6: {  	_ =	sfence  }
0xb7: {  	s30 =	sld [smem:$0x0];
	_ =	sdelay $0x2  }
0xb8: {  	s31 =	sshll.u32 s1, $0xD;
	s1 =	sshrl.u32 s1, $0x2  }
0xb9: {  	s3 =	sand.u32 $0x4000, s31;
	s1 =	sadd.s32 s1, s30  }
0xba: {  	s0 =	sor.u32 s3, s0;
	s1 =	sshll.u32 s1, $0x11  }
0xbb: {  	s0 =	sor.u32 s1, s0  }
0xbc: {  	s0 =	sadd.s32 $0x8F2B, s0  }
0xbd: {  	[sflag:s0] =	ssyncadd.remote.s32 $0x1  }
0xbe: {  	_ =	sfence.sel $0xFFFF  }
0xbf: {  	[dreg:$0x0] =	wrdreg $0xFFFFFFFF;
	(pc) =	sbr.abs _section_cstart, $3  }
0xc0: {  	[dreg:$0x1] =	wrdreg $0xFFFFFFFF  }
0xc1: {  	_ =	task.clear_ibuf [dreg:s7], $0x2FFFF;
	_ =	strace $0x9FFFFFFF  }
0xc2: {  	(tm) =	ssettm $0x7FFFFFFF  }
0xc3: {  	_ =	shalt  }
tec
execute0_lowered:
.L_overlay_start_1:
0x0: {  	(tag) =	ssettag $0x1  }
0x1: {  	s1 =	rddreg [dreg:$0x0]  }
0x2: {  	s2 =	rddreg [dreg:$0x1];
	s3 =	simm.s32 $0x0  }
0x3: {  	s12 =	simm.s32 $0x2680;
	[smem:$0x7FF] =	sst s3  }
0x4: {  	s13 =	simm.s32 $0xA80;
	_ =	strace $0x80000047;
	[dreg:$0x4] =	wrdreg s12  }
0x5: {  	s14 =	simm.s32 $0x2A80;
	[dreg:$0x5] =	wrdreg s13  }
0x6: {  	s15 =	simm.s32 $0xE80;
	[dreg:$0x6] =	wrdreg s14  }
0x7: {  	s16 =	simm.s32 $0x2E80;
	[dreg:$0x7] =	wrdreg s15  }
0x8: {  	s17 =	simm.s32 $0x1280;
	[dreg:$0x8] =	wrdreg s16  }
0x9: {  	s18 =	simm.s32 $0x3280;
	[dreg:$0x9] =	wrdreg s17  }
0xa: {  	s19 =	simm.s32 $0x1680;
	[dreg:$0xa] =	wrdreg s18  }
0xb: {  	s20 =	simm.s32 $0x3680;
	[dreg:$0xb] =	wrdreg s19  }
0xc: {  	s21 =	simm.s32 $0x1A80;
	[dreg:$0xc] =	wrdreg s20  }
0xd: {  	s22 =	simm.s32 $0x3A80;
	[dreg:$0xd] =	wrdreg s21  }
0xe: {  	s23 =	simm.s32 $0x1E80;
	[dreg:$0xe] =	wrdreg s22  }
0xf: {  	s24 =	simm.s32 $0x3E80;
	[dreg:$0xf] =	wrdreg s23  }
0x10: {  	s25 =	simm.s32 $0x2280;
	[dreg:$0x10] =	wrdreg s24  }
0x11: {  	s26 =	simm.s32 $0x4280;
	[dreg:$0x11] =	wrdreg s25  }
0x12: {  	s7 =	simm.s32 $0x6680;
	[dreg:$0x12] =	wrdreg s26  }
0x13: {  	s8 =	simm.s32 $0x4A80;
	[dreg:$0x14] =	wrdreg s7  }
0x14: {  	s9 =	simm.s32 $0x6A80;
	[dreg:$0x15] =	wrdreg s8  }
0x15: {  	s0 =	srdreg.scid;
	s10 =	simm.s32 $0x4E80;
	[dreg:$0x16] =	wrdreg s9  }
0x16: {  	s6 =	stileid.u32;
	s11 =	simm.s32 $0x6E80;
	[dreg:$0x17] =	wrdreg s10  }
0x17: {  	s28 =	simm.s32 $0x11680;
	[dreg:$0x18] =	wrdreg s11;
	s12 =	simm.s32 $0x5280  }
0x18: {  	s29 =	simm.s32 $0x11E80;
	s14 =	simm.s32 $0x7280;
	[dreg:$0x19] =	wrdreg s12  }
0x19: {  	s30 =	simm.s32 $0x1;
	s15 =	simm.s32 $0x5680;
	[dreg:$0x1a] =	wrdreg s14  }
0x1a: {  	s31 =	simm.s32 $0x0;
	s16 =	simm.s32 $0x7680;
	[dreg:$0x1b] =	wrdreg s15  }
0x1b: {  	s0 =	sand.u32 $0x1, s0;
	s17 =	simm.s32 $0x5A80;
	[dreg:$0x1c] =	wrdreg s16  }
0x1c: {  	s4 =	smul.u32 $0x70000, s6;
	s18 =	simm.s32 $0x7A80;
	[dreg:$0x1d] =	wrdreg s17  }
0x1d: {  	s5 =	smul.u32 $0x38000, s0;
	s19 =	simm.s32 $0x5E80;
	[dreg:$0x1e] =	wrdreg s18  }
0x1e: {  	s13 =	sshll.u32 s6, $0x1;
	s21 =	simm.s32 $0x7E80;
	[dreg:$0x1f] =	wrdreg s19  }
0x1f: {  	s22 =	simm.s32 $0x6280;
	s23 =	simm.s32 $0x8280;
	[smem:$0x7F6] =	sst s21  }
0x20: {  	s24 =	simm.s32 $0x8680;
	s6 =	simm.s32 $0x2;
	[smem:$0x7F8] =	sst s22  }
0x21: {  	s25 =	simm.s32 $0xA680;
	s7 =	simm.s32 $0x680;
	[smem:$0x7FA] =	sst s23  }
0x22: {  	s26 =	simm.s32 $0x8A80;
	s8 =	simm.s32 $0xAA80;
	[smem:$0x7FB] =	sst s24  }
0x23: {  	s9 =	simm.s32 $0x8E80;
	s10 =	simm.s32 $0xAE80;
	[smem:$0x7FC] =	sst s25  }
0x24: {  	s11 =	simm.s32 $0x9280;
	s4 =	sadd.s32 s4, s1;
	[smem:$0x7FD] =	sst s26  }
0x25: {  	s12 =	simm.s32 $0xB280;
	s14 =	simm.s32 $0xB680;
	s15 =	simm.s32 $0x9A80  }
0x26: {  	s16 =	simm.s32 $0xBA80;
	s17 =	simm.s32 $0x9E80;
	s18 =	simm.s32 $0xBE80  }
0x27: {  	s19 =	simm.s32 $0xA280;
	s21 =	simm.s32 $0xE680;
	s22 =	simm.s32 $0xEE80  }
0x28: {  	s23 =	simm.s32 $0xF680;
	s4 =	sadd.s32 s5, s4;
	s5 =	simm.s32 $0x4680  }
0x29: {  	[dreg:$0x13] =	wrdreg s5;
	s5 =	sor.u32 s0, s13;
	s0 =	ssub.s32 $0x2, s0  }
0x2a: {  	s24 =	simm.s32 $0xFE80;
	s5 =	smul.u32 $0xC8, s5;
	s20 =	sshrl.u32 s0, $0x1  }
0x2b: {  	s25 =	simm.s32 $0x10680;
	s4 =	sadd.s32 $0x2200, s4;
	s0 =	ssub.s32 s0, s20  }
0x2c: {  	v2 =	vlaneseq.u32;
	[dreg:$0x3] =	wrdreg s4;
	s1 =	sadd.s32 s5, s1;
	s0 =	smax.u32 s0, $0x1  }
0x2d: {  	vm0 =	vmmov $0xff;
	vm1 =	vmmov $0xffff;
	v1 =	vshrl.u32 v2, $0x3;
	s26 =	simm.s32 $0x10E80;
	s1 =	sadd.s32 $0x800, s1;
	[smem:$0x7F9] =	sst s0  }
0x2e: {  	v0 =	vand.u32 $0x7, v2;
	v2 =	vor.u32 $0x8, v2;
	v1 =	vmul.u32 $0x8, v1;
	s13 =	simm.s32 $0x9680;
	s20 =	simm.s32 $0xC280;
	[smem:$0x7F7] =	sst s1  }
.LBB2_1:
0x2f: {  	s0 =	sld [smem:$0x7F7];
	_ =	sdelay $0x2  }
0x30: {  	[tilespmem:s3], [sflag:$0x2] =	stream.linear.gather [hbm4b:s0+s3], $0x640, $0x38;
	[tilespmem:$0x12680] =	vst v63  }
0x31: {  	_ =	swait.ge [sflag:s6], $0x640  }
0x32: {  	[sflag:s6] =	ssyncset.done $0x0  }
0x33: {  	s1 =	simm.s32 $0x20;
	s0 =	simm.s32 $0x0;
	[sflag:s6] =	ssyncadd.s32 $0xFFFFF9C0  }
.LBB2_2:
0x34: {  	v3 =	vld [tilespmem:s1+$0xFFFFFFE0];
	_ =	sdelay $0x4  }
0x35: {  	v4 =	vshll.u32 v3, $0x3  }
0x36: {  	v3 =	vand.u32 $0x7, v3;
	v5 =	vand.u32 $0xFFFFFFC0, v4  }
0x37: {  	v5 =	vor.u32 v3, v5  }
0x38: {  	v6 =	vperm.xlane v5, v0;
	_ =	sdelay $0x1  }
0x39: {  	v7 =	vperm.xlane v5, v2;
	v6 =	vadd.s32 v1, v6  }
0x3a: {  	v8 =	vor.u32 $0x8, v5  }
0x3b: {  	v9 =	vperm.xlane v8, v0;
	v7 =	vadd.s32 v1, v7;
	_ =	sdelay $0x1  }
0x3c: {  	v8 =	vperm.xlane v8, v2;
	v9 =	vadd.s32 v1, v9  }
0x3d: {  	v56 =	vor.u32 $0x10, v5;
	[tilespmem:s7], [sflag:$0x1] =	stream.indirect_vreg.gather [hbm4b:s2+s3], $0x80, v6, vm0, $0xb8;
	[tilespmem:$0x12680] =	vst v63  }
0x3e: {  	s4 =	rddreg [dreg:$0x4];
	v10 =	vperm.xlane v56, v0;
	v8 =	vadd.s32 v1, v8  }
0x3f: {  	[tilespmem:s4], [sflag:$0x1] =	stream.indirect_vreg.gather [hbm4b:s2+s3], $0x80, v7, vm0, $0xb8;
	[tilespmem:$0x12680] =	vst v63  }
0x40: {  	s5 =	rddreg [dreg:$0x5];
	v57 =	vadd.s32 v1, v10;
	v6 =	vperm.xlane v56, v2  }
0x41: {  	v58 =	vor.u32 $0x18, v5;
	[tilespmem:s5], [sflag:$0x1] =	stream.indirect_vreg.gather [hbm4b:s2+s3], $0x80, v9, vm0, $0xb8;
	[tilespmem:$0x12680] =	vst v63  }
0x42: {  	v59 =	vperm.xlane v58, v0;
	s4 =	rddreg [dreg:$0x6];
	v6 =	vadd.s32 v1, v6  }
0x43: {  	[tilespmem:s4], [sflag:$0x1] =	stream.indirect_vreg.gather [hbm4b:s2+s3], $0x80, v8, vm0, $0xb8;
	[tilespmem:$0x12680] =	vst v63  }
0x44: {  	v60 =	vadd.s32 v1, v59;
	s5 =	rddreg [dreg:$0x7];
	v9 =	vperm.xlane v58, v2  }
0x45: {  	v61 =	vor.u32 $0x20, v5;
	[tilespmem:s5], [sflag:$0x1] =	stream.indirect_vreg.gather [hbm4b:s2+s3], $0x80, v57, vm0, $0xb8;
	[tilespmem:$0x12680] =	vst v63  }
0x46: {  	v62 =	vperm.xlane v61, v0;
	s4 =	rddreg [dreg:$0x8];
	v9 =	vadd.s32 v1, v9  }
0x47: {  	[tilespmem:s4], [sflag:$0x1] =	stream.indirect_vreg.gather [hbm4b:s2+s3], $0x80, v6, vm0, $0xb8;
	[tilespmem:$0x12680] =	vst v63  }
0x48: {  	v63 =	vadd.s32 v1, v62;
	v7 =	vperm.xlane v61, v2;
	s5 =	rddreg [dreg:$0x9]  }
0x49: {  	v12 =	vor.u32 $0x28, v5;
	[tilespmem:s5], [sflag:$0x1] =	stream.indirect_vreg.gather [hbm4b:s2+s3], $0x80, v60, vm0, $0xb8;
	[tilespmem:$0x12680] =	vst v63  }
0x4a: {  	v13 =	vperm.xlane v12, v0;
	v7 =	vadd.s32 v1, v7;
	s4 =	rddreg [dreg:$0xa]  }
0x4b: {  	[tilespmem:s4], [sflag:$0x1] =	stream.indirect_vreg.gather [hbm4b:s2+s3], $0x80, v9, vm0, $0xb8;
	[tilespmem:$0x12680] =	vst v63  }
0x4c: {  	v14 =	vadd.s32 v1, v13;
	v8 =	vperm.xlane v12, v2;
	s5 =	rddreg [dreg:$0xb]  }
0x4d: {  	v5 =	vor.u32 $0x30, v5;
	[tilespmem:s5], [sflag:$0x1] =	stream.indirect_vreg.gather [hbm4b:s2+s3], $0x80, v63, vm0, $0xb8;
	[tilespmem:$0x12680] =	vst v63  }
0x4e: {  	v16 =	vperm.xlane v5, v0;
	v15 =	vadd.s32 v1, v8;
	s4 =	rddreg [dreg:$0xc]  }
0x4f: {  	[tilespmem:s4], [sflag:$0x1] =	stream.indirect_vreg.gather [hbm4b:s2+s3], $0x80, v7, vm0, $0xb8;
	[tilespmem:$0x12680] =	vst v63  }
0x50: {  	v3 =	vor.u32 v3, v4;
	v5 =	vperm.xlane v5, v2;
	v17 =	vadd.s32 v1, v16;
	s5 =	rddreg [dreg:$0xd]  }
0x51: {  	v3 =	vor.u32 $0x38, v3;
	[tilespmem:s5], [sflag:$0x1] =	stream.indirect_vreg.gather [hbm4b:s2+s3], $0x80, v14, vm0, $0xb8;
	[tilespmem:$0x12680] =	vst v63  }
0x52: {  	v19 =	vperm.xlane v3, v0;
	v18 =	vadd.s32 v1, v5;
	s4 =	rddreg [dreg:$0xe]  }
0x53: {  	[tilespmem:s4], [sflag:$0x1] =	stream.indirect_vreg.gather [hbm4b:s2+s3], $0x80, v15, vm0, $0xb8;
	[tilespmem:$0x12680] =	vst v63  }
0x54: {  	v3 =	vperm.xlane v3, v2;
	v5 =	vadd.s32 v1, v19;
	s5 =	rddreg [dreg:$0xf]  }
0x55: {  	[tilespmem:s5], [sflag:$0x1] =	stream.indirect_vreg.gather [hbm4b:s2+s3], $0x80, v17, vm0, $0xb8;
	[tilespmem:$0x12680] =	vst v63  }
0x56: {  	v3 =	vadd.s32 v1, v3;
	s4 =	rddreg [dreg:$0x10]  }
0x57: {  	[tilespmem:s4], [sflag:$0x1] =	stream.indirect_vreg.gather [hbm4b:s2+s3], $0x80, v18, vm0, $0xb8;
	[tilespmem:$0x12680] =	vst v63  }
0x58: {  	s5 =	rddreg [dreg:$0x11]  }
0x59: {  	[tilespmem:s5], [sflag:$0x1] =	stream.indirect_vreg.gather [hbm4b:s2+s3], $0x80, v5, vm0, $0xb8;
	[tilespmem:$0x12680] =	vst v63  }
0x5a: {  	s4 =	rddreg [dreg:$0x12]  }
0x5b: {  	[tilespmem:s4], [sflag:$0x1] =	stream.indirect_vreg.gather [hbm4b:s2+s3], $0x80, v3, vm0, $0xb8;
	[tilespmem:$0x12680] =	vst v63  }
0x5c: {  	v3 =	vld [tilespmem:s1+$0xFFFFFFF0];
	_ =	sdelay $0x4  }
0x5d: {  	v20 =	vshll.u32 v3, $0x3  }
0x5e: {  	v3 =	vand.u32 $0x7, v3;
	v21 =	vand.u32 $0xFFFFFFC0, v20  }
0x5f: {  	v5 =	vor.u32 v3, v21  }
0x60: {  	v22 =	vperm.xlane v5, v0;
	_ =	sdelay $0x1  }
0x61: {  	v23 =	vperm.xlane v5, v2;
	v6 =	vadd.s32 v1, v22  }
0x62: {  	v24 =	vor.u32 $0x8, v5  }
0x63: {  	v25 =	vperm.xlane v24, v0;
	v7 =	vadd.s32 v1, v23  }
0x64: {  	s5 =	rddreg [dreg:$0x14]  }
0x65: {  	s4 =	rddreg [dreg:$0x13];
	v8 =	vperm.xlane v24, v2;
	v9 =	vadd.s32 v1, v25  }
0x66: {  	v26 =	vor.u32 $0x10, v5;
	[tilespmem:s4], [sflag:$0x1] =	stream.indirect_vreg.gather [hbm4b:s2+s3], $0x80, v6, vm0, $0xb8;
	[tilespmem:$0x12680] =	vst v63  }
0x67: {  	v27 =	vperm.xlane v26, v0;
	v8 =	vadd.s32 v1, v8;
	s4 =	rddreg [dreg:$0x15]  }
0x68: {  	[tilespmem:s5], [sflag:$0x1] =	stream.indirect_vreg.gather [hbm4b:s2+s3], $0x80, v7, vm0, $0xb8;
	[tilespmem:$0x12680] =	vst v63  }
0x69: {  	v28 =	vadd.s32 v1, v27;
	v6 =	vperm.xlane v26, v2;
	s5 =	rddreg [dreg:$0x16]  }
0x6a: {  	v29 =	vor.u32 $0x18, v5;
	[tilespmem:s4], [sflag:$0x1] =	stream.indirect_vreg.gather [hbm4b:s2+s3], $0x80, v9, vm0, $0xb8;
	[tilespmem:$0x12680] =	vst v63  }
0x6b: {  	v30 =	vperm.xlane v29, v0;
	v6 =	vadd.s32 v1, v6;
	s4 =	rddreg [dreg:$0x17]  }
0x6c: {  	[tilespmem:s5], [sflag:$0x1] =	stream.indirect_vreg.gather [hbm4b:s2+s3], $0x80, v8, vm0, $0xb8;
	[tilespmem:$0x12680] =	vst v63  }
0x6d: {  	v31 =	vadd.s32 v1, v30;
	v9 =	vperm.xlane v29, v2;
	s5 =	rddreg [dreg:$0x18]  }
0x6e: {  	v32 =	vor.u32 $0x20, v5;
	[tilespmem:s4], [sflag:$0x1] =	stream.indirect_vreg.gather [hbm4b:s2+s3], $0x80, v28, vm0, $0xb8;
	[tilespmem:$0x12680] =	vst v63  }
0x6f: {  	v33 =	vperm.xlane v32, v0;
	v9 =	vadd.s32 v1, v9;
	s4 =	rddreg [dreg:$0x19]  }
0x70: {  	[tilespmem:s5], [sflag:$0x1] =	stream.indirect_vreg.gather [hbm4b:s2+s3], $0x80, v6, vm0, $0xb8;
	[tilespmem:$0x12680] =	vst v63  }
0x71: {  	v34 =	vadd.s32 v1, v33;
	v7 =	vperm.xlane v32, v2;
	s5 =	rddreg [dreg:$0x1a]  }
0x72: {  	v35 =	vor.u32 $0x28, v5;
	[tilespmem:s4], [sflag:$0x1] =	stream.indirect_vreg.gather [hbm4b:s2+s3], $0x80, v31, vm0, $0xb8;
	[tilespmem:$0x12680] =	vst v63  }
0x73: {  	v36 =	vperm.xlane v35, v0;
	v7 =	vadd.s32 v1, v7;
	s4 =	rddreg [dreg:$0x1b]  }
0x74: {  	[tilespmem:s5], [sflag:$0x1] =	stream.indirect_vreg.gather [hbm4b:s2+s3], $0x80, v9, vm0, $0xb8;
	[tilespmem:$0x12680] =	vst v63  }
0x75: {  	v37 =	vadd.s32 v1, v36;
	v8 =	vperm.xlane v35, v2;
	s5 =	rddreg [dreg:$0x1c]  }
0x76: {  	v5 =	vor.u32 $0x30, v5;
	[tilespmem:s4], [sflag:$0x1] =	stream.indirect_vreg.gather [hbm4b:s2+s3], $0x80, v34, vm0, $0xb8;
	[tilespmem:$0x12680] =	vst v63  }
0x77: {  	v39 =	vperm.xlane v5, v0;
	v38 =	vadd.s32 v1, v8;
	s4 =	rddreg [dreg:$0x1d]  }
0x78: {  	[tilespmem:s5], [sflag:$0x1] =	stream.indirect_vreg.gather [hbm4b:s2+s3], $0x80, v7, vm0, $0xb8;
	[tilespmem:$0x12680] =	vst v63  }
0x79: {  	v3 =	vor.u32 v3, v20;
	v5 =	vperm.xlane v5, v2;
	v40 =	vadd.s32 v1, v39;
	s5 =	rddreg [dreg:$0x1e]  }
0x7a: {  	v3 =	vor.u32 $0x38, v3;
	[tilespmem:s4], [sflag:$0x1] =	stream.indirect_vreg.gather [hbm4b:s2+s3], $0x80, v37, vm0, $0xb8;
	[tilespmem:$0x12680] =	vst v63  }
0x7b: {  	v42 =	vperm.xlane v3, v0;
	v41 =	vadd.s32 v1, v5;
	s4 =	rddreg [dreg:$0x1f]  }
0x7c: {  	[tilespmem:s5], [sflag:$0x1] =	stream.indirect_vreg.gather [hbm4b:s2+s3], $0x80, v38, vm0, $0xb8;
	[tilespmem:$0x12680] =	vst v63  }
0x7d: {  	v3 =	vperm.xlane v3, v2;
	v5 =	vadd.s32 v1, v42;
	s5 =	sld [smem:$0x7F6]  }
0x7e: {  	[tilespmem:s4], [sflag:$0x1] =	stream.indirect_vreg.gather [hbm4b:s2+s3], $0x80, v40, vm0, $0xb8;
	[tilespmem:$0x12680] =	vst v63  }
0x7f: {  	v3 =	vadd.s32 v1, v3;
	s4 =	sld [smem:$0x7F8]  }
0x80: {  	[tilespmem:s5], [sflag:$0x1] =	stream.indirect_vreg.gather [hbm4b:s2+s3], $0x80, v41, vm0, $0xb8;
	[tilespmem:$0x12680] =	vst v63  }
0x81: {  	s5 =	sld [smem:$0x7FA]  }
0x82: {  	[tilespmem:s4], [sflag:$0x1] =	stream.indirect_vreg.gather [hbm4b:s2+s3], $0x80, v5, vm0, $0xb8;
	[tilespmem:$0x12680] =	vst v63  }
0x83: {  	_ = 	snop  }
0x84: {  	[tilespmem:s5], [sflag:$0x1] =	stream.indirect_vreg.gather [hbm4b:s2+s3], $0x80, v3, vm0, $0xb8;
	[tilespmem:$0x12680] =	vst v63  }
0x85: {  	v3 =	vld [tilespmem:s1+$0x0];
	_ =	sdelay $0x4  }
0x86: {  	v43 =	vshll.u32 v3, $0x3  }
0x87: {  	v3 =	vand.u32 $0x7, v3;
	v44 =	vand.u32 $0xFFFFFFC0, v43  }
0x88: {  	v5 =	vor.u32 v3, v44  }
0x89: {  	v45 =	vperm.xlane v5, v0;
	_ =	sdelay $0x1  }
0x8a: {  	v46 =	vperm.xlane v5, v2;
	v6 =	vadd.s32 v1, v45  }
0x8b: {  	v47 =	vor.u32 $0x8, v5  }
0x8c: {  	s4 =	sld [smem:$0x7FB];
	v48 =	vperm.xlane v47, v0;
	v7 =	vadd.s32 v1, v46;
	_ =	sdelay $0x1  }
0x8d: {  	s5 =	sld [smem:$0x7FC];
	v8 =	vperm.xlane v47, v2;
	v9 =	vadd.s32 v1, v48  }
0x8e: {  	v49 =	vor.u32 $0x10, v5;
	[tilespmem:s4], [sflag:$0x1] =	stream.indirect_vreg.gather [hbm4b:s2+s3], $0x80, v6, vm0, $0xb8;
	[tilespmem:$0x12680] =	vst v63  }
0x8f: {  	v50 =	vperm.xlane v49, v0;
	v8 =	vadd.s32 v1, v8;
	s4 =	sld [smem:$0x7FD]  }
0x90: {  	[tilespmem:s5], [sflag:$0x1] =	stream.indirect_vreg.gather [hbm4b:s2+s3], $0x80, v7, vm0, $0xb8;
	[tilespmem:$0x12680] =	vst v63  }
0x91: {  	v51 =	vadd.s32 v1, v50;
	v6 =	vperm.xlane v49, v2  }
0x92: {  	v52 =	vor.u32 $0x18, v5;
	[tilespmem:s4], [sflag:$0x1] =	stream.indirect_vreg.gather [hbm4b:s2+s3], $0x80, v9, vm0, $0xb8;
	[tilespmem:$0x12680] =	vst v63  }
0x93: {  	v53 =	vperm.xlane v52, v0;
	v6 =	vadd.s32 v1, v6  }
0x94: {  	[tilespmem:s8], [sflag:$0x1] =	stream.indirect_vreg.gather [hbm4b:s2+s3], $0x80, v8, vm0, $0xb8;
	[tilespmem:$0x12680] =	vst v63  }
0x95: {  	v54 =	vadd.s32 v1, v53;
	v9 =	vperm.xlane v52, v2  }
0x96: {  	v55 =	vor.u32 $0x20, v5;
	[tilespmem:s9], [sflag:$0x1] =	stream.indirect_vreg.gather [hbm4b:s2+s3], $0x80, v51, vm0, $0xb8;
	[tilespmem:$0x12680] =	vst v63  }
0x97: {  	v56 =	vperm.xlane v55, v0;
	v9 =	vadd.s32 v1, v9  }
0x98: {  	[tilespmem:s10], [sflag:$0x1] =	stream.indirect_vreg.gather [hbm4b:s2+s3], $0x80, v6, vm0, $0xb8;
	[tilespmem:$0x12680] =	vst v63  }
0x99: {  	v57 =	vadd.s32 v1, v56;
	v7 =	vperm.xlane v55, v2  }
0x9a: {  	v58 =	vor.u32 $0x28, v5;
	[tilespmem:s11], [sflag:$0x1] =	stream.indirect_vreg.gather [hbm4b:s2+s3], $0x80, v54, vm0, $0xb8;
	[tilespmem:$0x12680] =	vst v63  }
0x9b: {  	v59 =	vperm.xlane v58, v0;
	v7 =	vadd.s32 v1, v7  }
0x9c: {  	[tilespmem:s12], [sflag:$0x1] =	stream.indirect_vreg.gather [hbm4b:s2+s3], $0x80, v9, vm0, $0xb8;
	[tilespmem:$0x12680] =	vst v63  }
0x9d: {  	v60 =	vadd.s32 v1, v59;
	v8 =	vperm.xlane v58, v2  }
0x9e: {  	v5 =	vor.u32 $0x30, v5;
	[tilespmem:s13], [sflag:$0x1] =	stream.indirect_vreg.gather [hbm4b:s2+s3], $0x80, v57, vm0, $0xb8;
	[tilespmem:$0x12680] =	vst v63  }
0x9f: {  	v62 =	vperm.xlane v5, v0;
	v61 =	vadd.s32 v1, v8  }
0xa0: {  	[tilespmem:s14], [sflag:$0x1] =	stream.indirect_vreg.gather [hbm4b:s2+s3], $0x80, v7, vm0, $0xb8;
	[tilespmem:$0x12680] =	vst v63  }
0xa1: {  	v3 =	vor.u32 v3, v43;
	v5 =	vperm.xlane v5, v2;
	v63 =	vadd.s32 v1, v62  }
0xa2: {  	v3 =	vor.u32 $0x38, v3;
	[tilespmem:s15], [sflag:$0x1] =	stream.indirect_vreg.gather [hbm4b:s2+s3], $0x80, v60, vm0, $0xb8;
	[tilespmem:$0x12680] =	vst v63  }
0xa3: {  	v5 =	vadd.s32 v1, v5;
	v9 =	vperm.xlane v3, v0  }
0xa4: {  	[tilespmem:s16], [sflag:$0x1] =	stream.indirect_vreg.gather [hbm4b:s2+s3], $0x80, v61, vm0, $0xb8;
	[tilespmem:$0x12680] =	vst v63  }
0xa5: {  	v3 =	vperm.xlane v3, v2;
	v10 =	vadd.s32 v1, v9  }
0xa6: {  	[tilespmem:s17], [sflag:$0x1] =	stream.indirect_vreg.gather [hbm4b:s2+s3], $0x80, v63, vm0, $0xb8;
	[tilespmem:$0x12680] =	vst v63  }
0xa7: {  	v3 =	vadd.s32 v1, v3  }
0xa8: {  	[tilespmem:s18], [sflag:$0x1] =	stream.indirect_vreg.gather [hbm4b:s2+s3], $0x80, v5, vm0, $0xb8;
	[tilespmem:$0x12680] =	vst v63  }
0xa9: {  	_ = 	snop  }
0xaa: {  	[tilespmem:s19], [sflag:$0x1] =	stream.indirect_vreg.gather [hbm4b:s2+s3], $0x80, v10, vm0, $0xb8;
	[tilespmem:$0x12680] =	vst v63  }
0xab: {  	_ = 	snop  }
0xac: {  	[tilespmem:s20], [sflag:$0x1] =	stream.indirect_vreg.gather [hbm4b:s2+s3], $0x80, v3, vm0, $0xb8;
	[tilespmem:$0x12680] =	vst v63  }
0xad: {  	v3 =	vld [tilespmem:s1+$0x2];
	_ =	sdelay $0x4  }
0xae: {  	v11 =	vshll.u32 v3, $0x3  }
0xaf: {  	v3 =	vand.u32 $0x7, v3;
	v4 =	vand.u32 $0xFFFFFFC0, v11  }
0xb0: {  	v3 =	vor.u32 v3, v4;
	_ =	sdelay $0x1  }
0xb1: {  	v4 =	vor.u32 $0x8, v3;
	_ =	sdelay $0x1  }
0xb2: {  	v12 =	vor.u32 $0x10, v3  }
0xb3: {  	[tilespmem:s21], [sflag:$0x1] =	stream.indirect_vreg.gather [hbm4b:s2+s3], $0x80, v3, vm1, $0xb8;
	[tilespmem:$0x12680] =	vst v63  }
0xb4: {  	v13 =	vor.u32 $0x18, v3  }
0xb5: {  	[tilespmem:s22], [sflag:$0x1] =	stream.indirect_vreg.gather [hbm4b:s2+s3], $0x80, v4, vm1, $0xb8;
	[tilespmem:$0x12680] =	vst v63  }
0xb6: {  	v14 =	vor.u32 $0x20, v3  }
0xb7: {  	[tilespmem:s23], [sflag:$0x1] =	stream.indirect_vreg.gather [hbm4b:s2+s3], $0x80, v12, vm1, $0xb8;
	[tilespmem:$0x12680] =	vst v63  }
0xb8: {  	v15 =	vor.u32 $0x28, v3  }
0xb9: {  	[tilespmem:s24], [sflag:$0x1] =	stream.indirect_vreg.gather [hbm4b:s2+s3], $0x80, v13, vm1, $0xb8;
	[tilespmem:$0x12680] =	vst v63  }
0xba: {  	v16 =	vor.u32 $0x30, v3  }
0xbb: {  	[tilespmem:s25], [sflag:$0x1] =	stream.indirect_vreg.gather [hbm4b:s2+s3], $0x80, v14, vm1, $0xb8;
	[tilespmem:$0x12680] =	vst v63  }
0xbc: {  	v3 =	vor.u32 $0x38, v3  }
0xbd: {  	[tilespmem:s26], [sflag:$0x1] =	stream.indirect_vreg.gather [hbm4b:s2+s3], $0x80, v15, vm1, $0xb8;
	[tilespmem:$0x12680] =	vst v63  }
0xbe: {  	_ = 	snop  }
0xbf: {  	[tilespmem:s28], [sflag:$0x1] =	stream.indirect_vreg.gather [hbm4b:s2+s3], $0x80, v16, vm1, $0xb8;
	[tilespmem:$0x12680] =	vst v63  }
0xc0: {  	_ = 	snop  }
0xc1: {  	[tilespmem:s29], [sflag:$0x1] =	stream.indirect_vreg.gather [hbm4b:s2+s3], $0x80, v3, vm1, $0xb8;
	[tilespmem:$0x12680] =	vst v63  }
0xc2: {  	_ =	swait.ge [sflag:s30], $0x800  }
0xc3: {  	[sflag:s30] =	ssyncset.done $0x0  }
0xc4: {  	[sflag:s30] =	ssyncadd.s32 $0xFFFFF800  }
0xc5: {  	_ =	swait.ge [sflag:s30], $0x800  }
0xc6: {  	[sflag:s30] =	ssyncset.done $0x0  }
0xc7: {  	[sflag:s30] =	ssyncadd.s32 $0xFFFFF800  }
0xc8: {  	_ =	swait.ge [sflag:s30], $0x800  }
0xc9: {  	[sflag:s30] =	ssyncset.done $0x0  }
0xca: {  	[sflag:s30] =	ssyncadd.s32 $0xFFFFF800  }
0xcb: {  	_ =	swait.ge [sflag:s30], $0x800  }
0xcc: {  	[sflag:s30] =	ssyncset.done $0x0  }
0xcd: {  	[sflag:s30] =	ssyncadd.s32 $0xFFFFF800  }
0xce: {  	_ =	swait.ge [sflag:s30], $0x800  }
0xcf: {  	[sflag:s30] =	ssyncset.done $0x0  }
0xd0: {  	[sflag:s30] =	ssyncadd.s32 $0xFFFFF800  }
0xd1: {  	_ =	swait.ge [sflag:s30], $0x800  }
0xd2: {  	[sflag:s30] =	ssyncset.done $0x0  }
0xd3: {  	[sflag:s30] =	ssyncadd.s32 $0xFFFFF800  }
0xd4: {  	_ =	swait.ge [sflag:s30], $0x800  }
0xd5: {  	[sflag:s30] =	ssyncset.done $0x0  }
0xd6: {  	[sflag:s30] =	ssyncadd.s32 $0xFFFFF800  }
0xd7: {  	_ =	swait.ge [sflag:s30], $0x800  }
0xd8: {  	[sflag:s30] =	ssyncset.done $0x0  }
0xd9: {  	[sflag:s30] =	ssyncadd.s32 $0xFFFFF800  }
0xda: {  	_ =	swait.ge [sflag:s30], $0x800  }
0xdb: {  	[sflag:s30] =	ssyncset.done $0x0  }
0xdc: {  	[sflag:s30] =	ssyncadd.s32 $0xFFFFF800  }
0xdd: {  	_ =	swait.ge [sflag:s30], $0x800  }
0xde: {  	[sflag:s30] =	ssyncset.done $0x0  }
0xdf: {  	[sflag:s30] =	ssyncadd.s32 $0xFFFFF800  }
0xe0: {  	_ =	swait.ge [sflag:s30], $0x800  }
0xe1: {  	[sflag:s30] =	ssyncset.done $0x0  }
0xe2: {  	[sflag:s30] =	ssyncadd.s32 $0xFFFFF800  }
0xe3: {  	_ =	swait.ge [sflag:s30], $0x800  }
0xe4: {  	[sflag:s30] =	ssyncset.done $0x0  }
0xe5: {  	[sflag:s30] =	ssyncadd.s32 $0xFFFFF800  }
0xe6: {  	_ =	swait.ge [sflag:s30], $0x800  }
0xe7: {  	[sflag:s30] =	ssyncset.done $0x0  }
0xe8: {  	[sflag:s30] =	ssyncadd.s32 $0xFFFFF800  }
0xe9: {  	_ =	swait.ge [sflag:s30], $0x800  }
0xea: {  	[sflag:s30] =	ssyncset.done $0x0  }
0xeb: {  	[sflag:s30] =	ssyncadd.s32 $0xFFFFF800  }
0xec: {  	_ =	swait.ge [sflag:s30], $0x800  }
0xed: {  	[sflag:s30] =	ssyncset.done $0x0  }
0xee: {  	[sflag:s30] =	ssyncadd.s32 $0xFFFFF800  }
0xef: {  	_ =	swait.ge [sflag:s30], $0x800  }
0xf0: {  	[sflag:s30] =	ssyncset.done $0x0  }
0xf1: {  	[sflag:s30] =	ssyncadd.s32 $0xFFFFF800  }
0xf2: {  	_ =	swait.ge [sflag:s30], $0x800  }
0xf3: {  	[sflag:s30] =	ssyncset.done $0x0  }
0xf4: {  	[sflag:s30] =	ssyncadd.s32 $0xFFFFF800  }
0xf5: {  	_ =	swait.ge [sflag:s30], $0x800  }
0xf6: {  	[sflag:s30] =	ssyncset.done $0x0  }
0xf7: {  	[sflag:s30] =	ssyncadd.s32 $0xFFFFF800  }
0xf8: {  	_ =	swait.ge [sflag:s30], $0x800  }
0xf9: {  	[sflag:s30] =	ssyncset.done $0x0  }
0xfa: {  	[sflag:s30] =	ssyncadd.s32 $0xFFFFF800  }
0xfb: {  	_ =	swait.ge [sflag:s30], $0x800  }
0xfc: {  	[sflag:s30] =	ssyncset.done $0x0  }
0xfd: {  	[sflag:s30] =	ssyncadd.s32 $0xFFFFF800  }
0xfe: {  	_ =	swait.ge [sflag:s30], $0x800  }
0xff: {  	[sflag:s30] =	ssyncset.done $0x0  }
0x100: {  	[sflag:s30] =	ssyncadd.s32 $0xFFFFF800  }
0x101: {  	_ =	swait.ge [sflag:s30], $0x800  }
0x102: {  	[sflag:s30] =	ssyncset.done $0x0  }
0x103: {  	[sflag:s30] =	ssyncadd.s32 $0xFFFFF800  }
0x104: {  	_ =	swait.ge [sflag:s30], $0x800  }
0x105: {  	[sflag:s30] =	ssyncset.done $0x0  }
0x106: {  	[sflag:s30] =	ssyncadd.s32 $0xFFFFF800  }
0x107: {  	_ =	swait.ge [sflag:s30], $0x800  }
0x108: {  	[sflag:s30] =	ssyncset.done $0x0  }
0x109: {  	[sflag:s30] =	ssyncadd.s32 $0xFFFFF800  }
0x10a: {  	_ =	swait.ge [sflag:s30], $0x800  }
0x10b: {  	[sflag:s30] =	ssyncset.done $0x0  }
0x10c: {  	[sflag:s30] =	ssyncadd.s32 $0xFFFFF800  }
0x10d: {  	_ =	swait.ge [sflag:s30], $0x800  }
0x10e: {  	[sflag:s30] =	ssyncset.done $0x0  }
0x10f: {  	[sflag:s30] =	ssyncadd.s32 $0xFFFFF800  }
0x110: {  	_ =	swait.ge [sflag:s30], $0x800  }
0x111: {  	[sflag:s30] =	ssyncset.done $0x0  }
0x112: {  	[sflag:s30] =	ssyncadd.s32 $0xFFFFF800  }
0x113: {  	_ =	swait.ge [sflag:s30], $0x800  }
0x114: {  	[sflag:s30] =	ssyncset.done $0x0  }
0x115: {  	[sflag:s30] =	ssyncadd.s32 $0xFFFFF800  }
0x116: {  	_ =	swait.ge [sflag:s30], $0x800  }
0x117: {  	[sflag:s30] =	ssyncset.done $0x0  }
0x118: {  	[sflag:s30] =	ssyncadd.s32 $0xFFFFF800  }
0x119: {  	_ =	swait.ge [sflag:s30], $0x800  }
0x11a: {  	[sflag:s30] =	ssyncset.done $0x0  }
0x11b: {  	[sflag:s30] =	ssyncadd.s32 $0xFFFFF800  }
0x11c: {  	_ =	swait.ge [sflag:s30], $0x800  }
0x11d: {  	[sflag:s30] =	ssyncset.done $0x0  }
0x11e: {  	[sflag:s30] =	ssyncadd.s32 $0xFFFFF800  }
0x11f: {  	_ =	swait.ge [sflag:s30], $0x800  }
0x120: {  	[sflag:s30] =	ssyncset.done $0x0  }
0x121: {  	[sflag:s30] =	ssyncadd.s32 $0xFFFFF800  }
0x122: {  	v3 =	vld [tilespmem:$0xED80]  }
0x123: {  	v17 =	vld [tilespmem:$0xED90]  }
0x124: {  	v18 =	vld [tilespmem:$0xEDA0]  }
0x125: {  	v19 =	vld [tilespmem:$0xEDB0]  }
0x126: {  	v20 =	vld [tilespmem:$0xEDC0]  }
0x127: {  	v21 =	vld [tilespmem:$0xEDE0];
	[tilespmem:$0xC680] =	vst v3  }
0x128: {  	v22 =	vld [tilespmem:$0xEDF0];
	[tilespmem:$0xC690] =	vst v17  }
0x129: {  	v3 =	vld [tilespmem:$0xEDD0];
	[tilespmem:$0xC6A0] =	vst v18  }
0x12a: {  	v23 =	vld [tilespmem:$0xF580];
	[tilespmem:$0xC6B0] =	vst v19  }
0x12b: {  	v24 =	vld [tilespmem:$0xF590];
	[tilespmem:$0xC6C0] =	vst v20  }
0x12c: {  	v25 =	vld [tilespmem:$0xF5B0];
	[tilespmem:$0xC6E0] =	vst v21  }
0x12d: {  	v26 =	vld [tilespmem:$0xF5C0];
	[tilespmem:$0xC6F0] =	vst v22  }
0x12e: {  	[tilespmem:$0xC6D0] =	vst v3;
	v3 =	vld [tilespmem:$0xF5A0]  }
0x12f: {  	v27 =	vld [tilespmem:$0xF5D0];
	[tilespmem:$0xCA80] =	vst v23  }
0x130: {  	v28 =	vld [tilespmem:$0xF5E0];
	[tilespmem:$0xCA90] =	vst v24  }
0x131: {  	v29 =	vld [tilespmem:$0xFD80];
	[tilespmem:$0xCAB0] =	vst v25  }
0x132: {  	v30 =	vld [tilespmem:$0xFD90];
	[tilespmem:$0xCAC0] =	vst v26  }
0x133: {  	[tilespmem:$0xCAA0] =	vst v3;
	v3 =	vld [tilespmem:$0xF5F0]  }
0x134: {  	v31 =	vld [tilespmem:$0xFDA0];
	[tilespmem:$0xCAD0] =	vst v27  }
0x135: {  	v32 =	vld [tilespmem:$0xFDB0];
	[tilespmem:$0xCAE0] =	vst v28  }
0x136: {  	v33 =	vld [tilespmem:$0xFDD0];
	[tilespmem:$0xCE80] =	vst v29  }
0x137: {  	v34 =	vld [tilespmem:$0xFDE0];
	[tilespmem:$0xCE90] =	vst v30  }
0x138: {  	[tilespmem:$0xCAF0] =	vst v3;
	v3 =	vld [tilespmem:$0xFDC0]  }
0x139: {  	v35 =	vld [tilespmem:$0xFDF0];
	[tilespmem:$0xCEA0] =	vst v31  }
0x13a: {  	v36 =	vld [tilespmem:$0x10580];
	[tilespmem:$0xCEB0] =	vst v32  }
0x13b: {  	v37 =	vld [tilespmem:$0x105A0];
	[tilespmem:$0xCED0] =	vst v33  }
0x13c: {  	v38 =	vld [tilespmem:$0x105B0];
	[tilespmem:$0xCEE0] =	vst v34  }
0x13d: {  	[tilespmem:$0xCEC0] =	vst v3;
	v3 =	vld [tilespmem:$0x10590]  }
0x13e: {  	v39 =	vld [tilespmem:$0x105C0];
	[tilespmem:$0xCEF0] =	vst v35  }
0x13f: {  	v40 =	vld [tilespmem:$0x105D0];
	[tilespmem:$0xD280] =	vst v36  }
0x140: {  	v41 =	vld [tilespmem:$0x105F0];
	[tilespmem:$0xD2A0] =	vst v37  }
0x141: {  	v42 =	vld [tilespmem:$0x10D80];
	[tilespmem:$0xD2B0] =	vst v38  }
0x142: {  	[tilespmem:$0xD290] =	vst v3;
	v3 =	vld [tilespmem:$0x105E0]  }
0x143: {  	v43 =	vld [tilespmem:$0x10D90];
	[tilespmem:$0xD2C0] =	vst v39  }
0x144: {  	v44 =	vld [tilespmem:$0x10DA0];
	[tilespmem:$0xD2D0] =	vst v40  }
0x145: {  	v45 =	vld [tilespmem:$0x10DC0];
	[tilespmem:$0xD2F0] =	vst v41  }
0x146: {  	v46 =	vld [tilespmem:$0x10DD0];
	[tilespmem:$0xD680] =	vst v42  }
0x147: {  	[tilespmem:$0xD2E0] =	vst v3;
	v3 =	vld [tilespmem:$0x10DB0]  }
0x148: {  	v47 =	vld [tilespmem:$0x10DE0];
	[tilespmem:$0xD690] =	vst v43  }
0x149: {  	v48 =	vld [tilespmem:$0x10DF0];
	[tilespmem:$0xD6A0] =	vst v44  }
0x14a: {  	v49 =	vld [tilespmem:$0x11590];
	[tilespmem:$0xD6C0] =	vst v45  }
0x14b: {  	v50 =	vld [tilespmem:$0x115A0];
	[tilespmem:$0xD6D0] =	vst v46  }
0x14c: {  	[tilespmem:$0xD6B0] =	vst v3;
	v3 =	vld [tilespmem:$0x11580]  }
0x14d: {  	v51 =	vld [tilespmem:$0x115B0];
	[tilespmem:$0xD6E0] =	vst v47  }
0x14e: {  	v52 =	vld [tilespmem:$0x115C0];
	[tilespmem:$0xD6F0] =	vst v48  }
0x14f: {  	v53 =	vld [tilespmem:$0x115E0];
	[tilespmem:$0xDA90] =	vst v49  }
0x150: {  	v54 =	vld [tilespmem:$0x115F0];
	[tilespmem:$0xDAA0] =	vst v50  }
0x151: {  	[tilespmem:$0xDA80] =	vst v3;
	v3 =	vld [tilespmem:$0x115D0]  }
0x152: {  	v55 =	vld [tilespmem:$0x11D80];
	[tilespmem:$0xDAB0] =	vst v51  }
0x153: {  	v56 =	vld [tilespmem:$0x11D90];
	[tilespmem:$0xDAC0] =	vst v52  }
0x154: {  	v57 =	vld [tilespmem:$0x11DB0];
	[tilespmem:$0xDAE0] =	vst v53  }
0x155: {  	v58 =	vld [tilespmem:$0x11DC0];
	[tilespmem:$0xDAF0] =	vst v54  }
0x156: {  	[tilespmem:$0xDAD0] =	vst v3;
	v3 =	vld [tilespmem:$0x11DA0]  }
0x157: {  	v59 =	vld [tilespmem:$0x11DD0];
	[tilespmem:$0xDE80] =	vst v55  }
0x158: {  	v60 =	vld [tilespmem:$0x11DE0];
	[tilespmem:$0xDE90] =	vst v56  }
0x159: {  	v61 =	vld [tilespmem:$0x12580];
	[tilespmem:$0xDEB0] =	vst v57  }
0x15a: {  	v62 =	vld [tilespmem:$0x12590];
	[tilespmem:$0xDEC0] =	vst v58  }
0x15b: {  	[tilespmem:$0xDEA0] =	vst v3;
	v3 =	vld [tilespmem:$0x11DF0]  }
0x15c: {  	v63 =	vld [tilespmem:$0x125A0];
	[tilespmem:$0xDED0] =	vst v59  }
0x15d: {  	v9 =	vld [tilespmem:$0x125B0];
	[tilespmem:$0xDEE0] =	vst v60  }
0x15e: {  	v10 =	vld [tilespmem:$0x125D0];
	[tilespmem:$0xE280] =	vst v61  }
0x15f: {  	v11 =	vld [tilespmem:$0x125E0];
	[tilespmem:$0xE290] =	vst v62  }
0x160: {  	[tilespmem:$0xDEF0] =	vst v3;
	v3 =	vld [tilespmem:$0x125C0]  }
0x161: {  	v12 =	vld [tilespmem:$0x125F0];
	[tilespmem:$0xE2A0] =	vst v63  }
0x162: {  	v13 =	vld [tilespmem:$0xEE00];
	[tilespmem:$0xE2B0] =	vst v9  }
0x163: {  	v14 =	vld [tilespmem:$0xEE20];
	[tilespmem:$0xE2D0] =	vst v10  }
0x164: {  	v15 =	vld [tilespmem:$0xEE30];
	[tilespmem:$0xE2E0] =	vst v11  }
0x165: {  	[tilespmem:$0xE2C0] =	vst v3;
	v3 =	vld [tilespmem:$0xEE10]  }
0x166: {  	v16 =	vld [tilespmem:$0xEE40];
	[tilespmem:$0xE2F0] =	vst v12  }
0x167: {  	[tilespmem:$0xC700] =	vst v13;
	v17 =	vld [tilespmem:$0xEE50]  }
0x168: {  	[tilespmem:$0xC720] =	vst v14;
	v18 =	vld [tilespmem:$0xEE70]  }
0x169: {  	[tilespmem:$0xC730] =	vst v15;
	v19 =	vld [tilespmem:$0xF600]  }
0x16a: {  	[tilespmem:$0xC710] =	vst v3;
	v3 =	vld [tilespmem:$0xEE60]  }
0x16b: {  	[tilespmem:$0xC740] =	vst v16;
	v20 =	vld [tilespmem:$0xF610]  }
0x16c: {  	v21 =	vld [tilespmem:$0xF620];
	[tilespmem:$0xC750] =	vst v17  }
0x16d: {  	v22 =	vld [tilespmem:$0xF640];
	[tilespmem:$0xC770] =	vst v18  }
0x16e: {  	v23 =	vld [tilespmem:$0xF650];
	[tilespmem:$0xCB00] =	vst v19  }
0x16f: {  	[tilespmem:$0xC760] =	vst v3;
	v3 =	vld [tilespmem:$0xF630]  }
0x170: {  	v24 =	vld [tilespmem:$0xF660];
	[tilespmem:$0xCB10] =	vst v20  }
0x171: {  	v25 =	vld [tilespmem:$0xF670];
	[tilespmem:$0xCB20] =	vst v21  }
0x172: {  	v26 =	vld [tilespmem:$0xFE10];
	[tilespmem:$0xCB40] =	vst v22  }
0x173: {  	v27 =	vld [tilespmem:$0xFE20];
	[tilespmem:$0xCB50] =	vst v23  }
0x174: {  	[tilespmem:$0xCB30] =	vst v3;
	v3 =	vld [tilespmem:$0xFE00]  }
0x175: {  	v28 =	vld [tilespmem:$0xFE30];
	[tilespmem:$0xCB60] =	vst v24  }
0x176: {  	v29 =	vld [tilespmem:$0xFE40];
	[tilespmem:$0xCB70] =	vst v25  }
0x177: {  	v30 =	vld [tilespmem:$0xFE60];
	[tilespmem:$0xCF10] =	vst v26  }
0x178: {  	v31 =	vld [tilespmem:$0xFE70];
	[tilespmem:$0xCF20] =	vst v27  }
0x179: {  	[tilespmem:$0xCF00] =	vst v3;
	v3 =	vld [tilespmem:$0xFE50]  }
0x17a: {  	v32 =	vld [tilespmem:$0x10600];
	[tilespmem:$0xCF30] =	vst v28  }
0x17b: {  	v33 =	vld [tilespmem:$0x10610];
	[tilespmem:$0xCF40] =	vst v29  }
0x17c: {  	v34 =	vld [tilespmem:$0x10630];
	[tilespmem:$0xCF60] =	vst v30  }
0x17d: {  	v35 =	vld [tilespmem:$0x10640];
	[tilespmem:$0xCF70] =	vst v31  }
0x17e: {  	[tilespmem:$0xCF50] =	vst v3;
	v3 =	vld [tilespmem:$0x10620]  }
0x17f: {  	v36 =	vld [tilespmem:$0x10650];
	[tilespmem:$0xD300] =	vst v32  }
0x180: {  	v37 =	vld [tilespmem:$0x10660];
	[tilespmem:$0xD310] =	vst v33  }
0x181: {  	v38 =	vld [tilespmem:$0x10E00];
	[tilespmem:$0xD330] =	vst v34  }
0x182: {  	v39 =	vld [tilespmem:$0x10E10];
	[tilespmem:$0xD340] =	vst v35  }
0x183: {  	[tilespmem:$0xD320] =	vst v3;
	v3 =	vld [tilespmem:$0x10670]  }
0x184: {  	v40 =	vld [tilespmem:$0x10E20];
	[tilespmem:$0xD350] =	vst v36  }
0x185: {  	v41 =	vld [tilespmem:$0x10E30];
	[tilespmem:$0xD360] =	vst v37  }
0x186: {  	v42 =	vld [tilespmem:$0x10E50];
	[tilespmem:$0xD700] =	vst v38  }
0x187: {  	v43 =	vld [tilespmem:$0x10E60];
	[tilespmem:$0xD710] =	vst v39  }
0x188: {  	[tilespmem:$0xD370] =	vst v3;
	v3 =	vld [tilespmem:$0x10E40]  }
0x189: {  	v44 =	vld [tilespmem:$0x10E70];
	[tilespmem:$0xD720] =	vst v40  }
0x18a: {  	v45 =	vld [tilespmem:$0x11600];
	[tilespmem:$0xD730] =	vst v41  }
0x18b: {  	v46 =	vld [tilespmem:$0x11620];
	[tilespmem:$0xD750] =	vst v42  }
0x18c: {  	v47 =	vld [tilespmem:$0x11630];
	[tilespmem:$0xD760] =	vst v43  }
0x18d: {  	[tilespmem:$0xD740] =	vst v3;
	v3 =	vld [tilespmem:$0x11610]  }
0x18e: {  	v48 =	vld [tilespmem:$0x11640];
	[tilespmem:$0xD770] =	vst v44  }
0x18f: {  	v49 =	vld [tilespmem:$0x11650];
	[tilespmem:$0xDB00] =	vst v45  }
0x190: {  	v50 =	vld [tilespmem:$0x11670];
	[tilespmem:$0xDB20] =	vst v46  }
0x191: {  	v51 =	vld [tilespmem:$0x11E00];
	[tilespmem:$0xDB30] =	vst v47  }
0x192: {  	[tilespmem:$0xDB10] =	vst v3;
	v3 =	vld [tilespmem:$0x11660]  }
0x193: {  	v52 =	vld [tilespmem:$0x11E10];
	[tilespmem:$0xDB40] =	vst v48  }
0x194: {  	v53 =	vld [tilespmem:$0x11E20];
	[tilespmem:$0xDB50] =	vst v49  }
0x195: {  	v54 =	vld [tilespmem:$0x11E40];
	[tilespmem:$0xDB70] =	vst v50  }
0x196: {  	v55 =	vld [tilespmem:$0x11E50];
	[tilespmem:$0xDF00] =	vst v51  }
0x197: {  	[tilespmem:$0xDB60] =	vst v3;
	v3 =	vld [tilespmem:$0x11E30]  }
0x198: {  	v56 =	vld [tilespmem:$0x11E60];
	[tilespmem:$0xDF10] =	vst v52  }
0x199: {  	v57 =	vld [tilespmem:$0x11E70];
	[tilespmem:$0xDF20] =	vst v53  }
0x19a: {  	v58 =	vld [tilespmem:$0x12610];
	[tilespmem:$0xDF40] =	vst v54  }
0x19b: {  	v59 =	vld [tilespmem:$0x12620];
	[tilespmem:$0xDF50] =	vst v55  }
0x19c: {  	[tilespmem:$0xDF30] =	vst v3;
	v3 =	vld [tilespmem:$0x12600]  }
0x19d: {  	v60 =	vld [tilespmem:$0x12630];
	[tilespmem:$0xDF60] =	vst v56  }
0x19e: {  	v61 =	vld [tilespmem:$0x12640];
	[tilespmem:$0xDF70] =	vst v57  }
0x19f: {  	v62 =	vld [tilespmem:$0x12660];
	[tilespmem:$0xE310] =	vst v58  }
0x1a0: {  	v63 =	vld [tilespmem:$0x12670];
	[tilespmem:$0xE320] =	vst v59  }
0x1a1: {  	[tilespmem:$0xE300] =	vst v3;
	v3 =	vld [tilespmem:$0x12650]  }
0x1a2: {  	[tilespmem:$0xE330] =	vst v60  }
0x1a3: {  	[tilespmem:$0xE340] =	vst v61  }
0x1a4: {  	[tilespmem:$0xE360] =	vst v62  }
0x1a5: {  	p0 =	sne.s32 s0, $0x36400;
	s5 =	rddreg [dreg:$0x3];
	[tilespmem:$0xE370] =	vst v63  }
.Ltmp0:
0x1a6: {  	s4 =	sadd.s32 s0, s5;
	[tilespmem:$0xE350] =	vst v3;
	(pc) =	sbr.rel @p0 .LBB2_2-.Ltmp0, $4  }
0x1a7: {  	[hbm4b:s4+s3] =	stream.linear.scatter [tilespmem:s7], [sflag:$0x2], $0xE000, $0x38;
	[tilespmem:$0x12680] =	vst v63  }
0x1a8: {  	_ =	swait.ge [sflag:s6], $0xE000  }
0x1a9: {  	[sflag:s6] =	ssyncset.done $0x0  }
0x1aa: {  	s1 =	sadd.s32 $0x32, s1;
	s0 =	sadd.s32 $0x1C00, s0;
	[sflag:s6] =	ssyncadd.s32 $0xFFFF2000  }
0x1ab: {  	s0 =	sld [smem:$0x7F9];
	_ =	sdelay $0x1  }
0x1ac: {  	s31 =	sadd.s32 $0x1, s31  }
0x1ad: {  	p0 =	sne.s32 s31, s0  }
.Ltmp1:
0x1ae: {  	_ = 	snop;
	(pc) =	sbr.rel @p0 .LBB2_1-.Ltmp1, $1  }
0x1af: {  	_ =	sdelay $0x3  }
0x1b0: {  	_ =	sfence.sel $0x180000  }
0x1b1: {  	[bflag:$0x0] =	sbarrier.arrive $0xFFFF  }
0x1b2: {  	_ =	strace $0x90000047  }
0x1b3: {  	s0 =	stileid.u32;
	[bflag:$0x2] =	sbarrier.arrive $0xFFFF  }
0x1b4: {  	p0 =	sne.s32 s0, $0x0;
	s0 =	rddreg [dreg:$0x2]  }
0x1b5: {  	s0 =	sadd.s32 @!p0 $0x100000, s0  }
0x1b6: {  	[sflag:s0] =	ssyncadd.tile.s32 @!p0 $0x1;
	_ =	shalt  }
.Lfunc_end2:
_tile_overlayer_lowered:
.L_overlay_start_2:
0x1b7: {  	(tag) =	ssettag $0x2  }
0x1b8: {  	s0 =	rddreg [dreg:$0x0];
	s2 =	stileid.u32  }
0x1b9: {  	s1 =	rddreg [dreg:$0x1];
	p0 =	sne.s32 s2, $0x0  }
0x1ba: {  	s3 =	rddreg [dreg:$0x2];
	[bflag:$0x3] =	sbarrier.arrive $0xFFFF;
	s2 =	simm.s32 @!p0 $0x1C02  }
0x1bb: {  	[timem:s3], [sflag:s2] =	dma.local @!p0 [hbm:s0], s1  }
0x1bc: {  	s0 =	simm.s32 @!p0 $0x2  }
0x1bd: {  	_ =	swait.ge @!p0 [sflag:s0], s1  }
0x1be: {  	s1 =	ssub.s32 @!p0 $0x0, s1;
	[sflag:s0] =	ssyncset.done @!p0 $0x0  }
0x1bf: {  	[sflag:s0] =	ssyncadd.s32 @!p0 s1  }
0x1c0: {  	[bflag:$0x3] =	sbarrier.arrive $0xFFFF  }
0x1c1: {  	_ =	shalt  }

// kernel: sparse-core-data-format-call.cloned.1.call-start
scs
called_computation_lowered:
.L_overlay_start_0:
0x0: {  	s2 =	sld [smem:$0x3FD9]  }
0x1: {  	s3 =	sld [smem:$0x3FFE];
	_ =	sdelay $0x1  }
0x2: {  	s1 =	srdreg.scid  }
0x3: {  	s0 =	sand.u32 $0x1, s1  }
0x4: {  	s18 =	sshll.u32 s0, $0xA;
	s2 =	sadd.s32 s3, s2  }
0x5: {  	s2 =	sadd.s32 s2, s18  }
0x6: {  	[smem:$0x3FC6] =	sst s2  }
0x7: {  	_ = 	snop  }
0x8: {  	s2 =	sld [smem:$0x3FD0];
	(tm) =	ssettm $0x1  }
0x9: {  	s19 =	sld [smem:$0x3FFB];
	_ =	sdelay $0x3  }
0xa: {  	_ =	strace s19  }
0xb: {  	s3 =	sld [smem:$0x3FFC];
	_ =	sdelay $0x3  }
0xc: {  	_ =	strace s3  }
0xd: {  	s3 =	sld [smem:$0x3FFD];
	_ =	sdelay $0x3  }
0xe: {  	_ =	strace s3  }
0xf: {  	_ =	strace $0x8FFFFFFF  }
0x10: {  	s20 =	sld [smem:$0x3FDB];
	_ =	sdelay $0x1  }
0x11: {  	s4 =	simm.s32 $_scs_section_size  }
0x12: {  	s5 =	simm.s32 $_size__tile_overlayer_lowered;
	s6 =	simm.s32 $_tile_overlayer_lowered  }
0x13: {  	s23 =	simm.s32 $0x1BFF;
	s22 =	sshll.u32 s6, $0x1;
	s3 =	sadd.s32 s4, s20  }
0x14: {  	s7 =	simm.s32 $0x0;
	s21 =	sshll.u32 s5, $0x1;
	s5 =	sadd.s32 s22, s3  }
0x15: {  	[timem:s7], [sflag:s23] =	dma.local [hbm:s5], s21  }
0x16: {  	_ =	swait.ge [sflag:s23], s21  }
0x17: {  	s4 =	ssub.s32 $0x0, s21;
	[sflag:s23] =	ssyncset.done $0x0  }
0x18: {  	[sflag:s23] =	ssyncadd.s32 s4;
	_ =	sdelay $0x1  }
0x19: {  	s24 =	simm.s32 $0x1B8B  }
0x1a: {  	_ =	swait.ge [sflag:s24], $0x1  }
0x1b: {  	[sflag:s24] =	ssyncset.done $0x0  }
0x1c: {  	s26 =	simm.s32 $0x1B8E;
	s25 =	sld [smem:$0x3FFE];
	[sflag:s24] =	ssyncadd.s32 $0xFFFFFFFF  }
0x1d: {  	s27 =	simm.s32 $execute0_lowered;
	[smem:$0x3FD2] =	sst s26  }
0x1e: {  	s5 =	sshll.u32 s27, $0x1;
	_ =	strace $0x80000049;
	[dreg:$0x1] =	wrdreg $0xFFFFFFFF  }
0x1f: {  	s28 =	simm.s32 $_size_execute0_lowered;
	s3 =	sadd.s32 s3, s5;
	[dreg:$0x0] =	wrdreg $0x0  }
0x20: {  	s5 =	sshll.u32 s28, $0x1;
	[dreg:$0x2] =	wrdreg s3  }
0x21: {  	[dreg:$0x3] =	wrdreg s5  }
0x22: {  	[dreg:$0x4] =	wrdreg $0xC0  }
0x23: {  	_ =	task [dreg:s7], $0x5FFFF  }
0x24: {  	[dreg:$0x1] =	wrdreg $0xFFFFFFFF  }
0x25: {  	[dreg:$0x0] =	wrdreg $0x60  }
0x26: {  	[dreg:$0x2] =	wrdreg s25  }
0x27: {  	[dreg:$0x3] =	wrdreg s2  }
0x28: {  	[dreg:$0x4] =	wrdreg $0x9  }
0x29: {  	_ =	task.clear_ibuf [dreg:s7], $0x5FFFF;
	_ =	strace $0x90000049  }
0x2a: {  	s29 =	simm.s32 $0x9;
	_ =	strace $0x8000004B  }
0x2b: {  	_ =	swait.ge [sflag:s29], $0x1  }
0x2c: {  	[sflag:s29] =	ssyncadd.s32 $0xFFFFFFFF  }
0x2d: {  	_ =	strace $0x9000004B  }
0x2e: {  	_ =	sfence  }
0x2f: {  	s30 =	sld [smem:$0x0];
	_ =	sdelay $0x2  }
0x30: {  	s31 =	sshll.u32 s1, $0xD;
	s1 =	sshrl.u32 s1, $0x2  }
0x31: {  	s3 =	sand.u32 $0x4000, s31;
	s1 =	sadd.s32 s1, s30  }
0x32: {  	s0 =	sor.u32 s3, s0;
	s1 =	sshll.u32 s1, $0x11  }
0x33: {  	s0 =	sor.u32 s1, s0  }
0x34: {  	s0 =	sadd.s32 $0x8F2B, s0  }
0x35: {  	[sflag:s0] =	ssyncadd.remote.s32 $0x1  }
0x36: {  	_ =	sfence.sel $0xFFFF  }
0x37: {  	[dreg:$0x0] =	wrdreg $0xFFFFFFFF;
	(pc) =	sbr.abs _section_cstart, $3  }
0x38: {  	[dreg:$0x1] =	wrdreg $0xFFFFFFFF  }
0x39: {  	_ =	task.clear_ibuf [dreg:s7], $0x2FFFF;
	_ =	strace $0x9FFFFFFF  }
0x3a: {  	(tm) =	ssettm $0x7FFFFFFF  }
0x3b: {  	_ =	shalt  }
tec
execute0_lowered:
.L_overlay_start_1:
0x0: {  	(tag) =	ssettag $0x1  }
0x1: {  	s4 =	rddreg [dreg:$0x0]  }
0x2: {  	s0 =	stileid.u32;
	s2 =	rddreg [dreg:$0x1]  }
0x3: {  	s7 =	srdreg.scid;
	s31 =	simm.s32 $0x2;
	s17 =	simm.s32 $0x0  }
0x4: {  	s9 =	simm.s32 $0x2000;
	s19 =	simm.s32 $0x0;
	s18 =	simm.s32 $0x0  }
0x5: {  	s10 =	simm.s32 $0x0;
	s11 =	simm.s32 $0x0;
	s1 =	sshll.u32 s0, $0x7  }
0x6: {  	s12 =	simm.s32 $0x0;
	s14 =	simm.s32 $0x0;
	s3 =	sand.u32 $0x380, s1  }
0x7: {  	s16 =	simm.s32 $0x0;
	s4 =	sadd.s32 $0x2200, s4;
	s5 =	ssub.s32 $0x400, s3  }
0x8: {  	s8 =	sshll.u32 s0, $0x4;
	s7 =	sshll.u32 s7, $0x8;
	s6 =	sand.u32 $0x380, s5  }
0x9: {  	s1 =	rddreg [dreg:$0x2];
	p0 =	sne.s32 s6, $0x0;
	s6 =	simm.s32 $0x1  }
.Ltmp0:
0xa: {  	s5 =	sshrl.u32 s5, $0xA;
	s6 =	simm.s32 @!p0 $0x0;
	(pc) =	sbr.rel .LBB1_1-.Ltmp0, $4  }
0xb: {  	_ =	strace $0x8000004A;
	s7 =	sor.u32 s8, s7;
	s6 =	sadd.s32 s6, s5  }
0xc: {  	s7 =	sand.u32 $0x180, s7;
	s5 =	simm.s32 $0x1;
	s6 =	smul.u32 $0x64, s6  }
0xd: {  	s15 =	smov.u32 s3;
	s13 =	smov.u32 s7;
	[sflag:s5] =	ssyncpa.u1 $0x0  }
0xe: {  	p0 =	por $0x0, $0x0;
	[sflag:s31] =	ssyncpa.u1 $0x0;
	s8 =	sor.u32 $0x1, s6  }
.LBB1_4:
0xf: {  	s25 =	sshll.u32 s10, $0xA;
	s24 =	sshra.s32 s24, $0x2;
	s26 =	sshll.u32 s12, $0x3  }
0x10: {  	p1 =	sgt.s32 s11, $0x31;
	s27 =	smov.u32 s11;
	s28 =	sshra.s32 s11, $0x1F  }
0x11: {  	p2 =	sgt.s32 s12, $0x380;
	s31 =	sshra.s32 s12, $0x1F;
	s25 =	sand.u32 $0xFFFFE000, s25  }
0x12: {  	s26 =	sand.u32 $0xFFFFFC00, s26;
	s27 =	simm.s32 @!p1 $0x31;
	s28 =	sand.u32 s28, s11  }
0x13: {  	[tilespmem:s22+$0x2040 ss:$0x81] =	vst.msk $0xffff, v4;
	s23 =	sadd.s32 s24, s23;
	s29 =	sadd.s32 s26, s25;
	s25 =	ssub.s32 s27, s28  }
0x14: {  	[tilespmem:s22+$0x2850 ss:$0x81] =	vst.msk $0xffff, v3;
	s27 =	smov.u32 s12;
	s28 =	smov.u32 s10;
	s26 =	sand.u32 s31, s12  }
0x15: {  	[tilespmem:s22+$0x3060 ss:$0x81] =	vst.msk $0xffff, v2;
	s24 =	sshrl.u32 s29, $0xA;
	s30 =	sadd.s32 $0xFFFFFFCF, s25;
	s27 =	simm.s32 @!p2 $0x380  }
0x16: {  	v5 =	vld [tilespmem:s21+$0xFFFFFFD0];
	[tilespmem:s22+$0x0 ss:$0x81] =	vst.msk $0xffff, v1;
	p2 =	sgt.s32 s10, $0x368;
	s29 =	sshra.s32 s10, $0x1F;
	s22 =	ssub.s32 $0x32, s25  }
0x17: {  	v58 =	vld [tilespmem:s21+$0xFFFFFFE0];
	p1 =	sgt.s32 s30, $0x0;
	s28 =	simm.s32 @!p2 $0x368;
	s29 =	sand.u32 s29, s10  }
0x18: {  	v59 =	vld [tilespmem:s21+$0xFFFFFFF0];
	s26 =	ssub.s32 s27, s26;
	s27 =	smulhi.u32 $0x418938, s24;
	s28 =	ssub.s32 s28, s29  }
0x19: {  	v60 =	vld [tilespmem:s21+$0x0];
	s30 =	sadd.s32 $0xFFFFFC80, s26;
	s25 =	ssub.s32 $0x400, s26;
	s22 =	simm.s32 @p1 $0x0  }
0x1a: {  	v61 =	vld [tilespmem:s21+$0x10];
	[tilespmem:s23+$0x3870 ss:$0x81] =	vst.msk $0xffff, v0;
	s29 =	sand.u32 $0x78, s12;
	p2 =	sgt.s32 s30, $0x7F;
	s31 =	sadd.s32 $0xFFFFFC98, s28  }
0x1b: {  	v62 =	vld [tilespmem:s21+$0x20];
	[tilespmem:s23+$0x810 ss:$0x81] =	vst.msk $0xffff, v5;
	s27 =	smul.u32 $0x3E8, s27;
	s30 =	sshll.u32 s10, $0x7;
	s28 =	ssub.s32 $0x3E8, s28  }
0x1c: {  	v63 =	vld [tilespmem:s21+$0xFFFFFFC0];
	[tilespmem:s23+$0x1020 ss:$0x81] =	vst.msk $0xffff, v58;
	s25 =	simm.s32 @p2 $0x0;
	p1 =	sgt.s32 s31, $0x7F;
	s31 =	smul.u32 $0x1F400, s11  }
0x1d: {  	[tilespmem:s23+$0x1830 ss:$0x81] =	vst.msk $0xffff, v59;
	s21 =	sand.u32 $0x380, s30;
	s22 =	smul.u32 s25, s22;
	s28 =	simm.s32 @p1 $0x0  }
0x1e: {  	[tilespmem:s23+$0x2040 ss:$0x81] =	vst.msk $0xffff, v60;
	s21 =	sor.u32 s29, s21;
	s24 =	ssub.s32 s24, s27;
	s29 =	sand.u32 $0x7, s12  }
0x1f: {  	[tilespmem:s23+$0x2850 ss:$0x81] =	vst.msk $0xffff, v61;
	s21 =	sshrl.u32 s21, $0x3;
	s25 =	sadd.s32 s2, s31;
	s22 =	smul.u32 s28, s22  }
0x20: {  	[tilespmem:s23+$0x3060 ss:$0x81] =	vst.msk $0xffff, v62;
	s24 =	sshll.u32 s24, $0x7;
	s30 =	sshll.u32 s29, $0x12;
	s21 =	sadd.s32 s21, s25  }
0x21: {  	[tilespmem:s23+$0x0 ss:$0x81] =	vst.msk $0xffff, v63;
	s31 =	sor.u32 $0x400, s30;
	s21 =	sadd.s32 s24, s21;
	s22 =	sand.u32 $0x3FFFFFFF, s22  }
0x22: {  	[hbm4b:s21+s31] =	stream.strided.scatter [tilespmem:s20], [sflag:$0x2], s22, s9, s31, $0x20;
	[tilespmem:$0x10100] =	vst v63  }
.LBB1_5:
0x23: {  	p1 =	slt.u32 s16, $0x2  }
0x24: {  	p2 =	sgt.s32 @!p1 s19, $0x31  }
0x25: {  	s20 =	smov.u32 s19;
	s21 =	sshra.s32 @!p1 s19, $0x1F;
	p2 =	por !p2, p1  }
0x26: {  	s19 =	sand.u32 @!p1 s21, s19;
	s20 =	simm.s32 @p2 $0x31  }
0x27: {  	p3 =	sgt.s32 @!p1 s17, $0x368;
	s19 =	ssub.s32 @!p1 s20, s19  }
0x28: {  	p4 =	sgt.s32 @!p1 s18, $0x380;
	s22 =	sshra.s32 @!p1 s18, $0x1F;
	s20 =	sadd.s32 @!p1 $0xFFFFFFCF, s19  }
0x29: {  	s21 =	smov.u32 s17;
	p2 =	sgt.s32 @!p1 s20, $0x0;
	s20 =	sshra.s32 @!p1 s17, $0x1F  }
0x2a: {  	p4 =	por !p4, p1;
	s17 =	sand.u32 @!p1 s20, s17;
	s20 =	smov.u32 s18  }
0x2b: {  	p3 =	por !p3, p1;
	s18 =	sand.u32 @!p1 s22, s18;
	s20 =	simm.s32 @p4 $0x380  }
0x2c: {  	s21 =	simm.s32 @p3 $0x368;
	s19 =	ssub.s32 @!p1 $0x32, s19;
	s18 =	ssub.s32 @!p1 s20, s18  }
0x2d: {  	p2 =	por !p2, p1;
	s17 =	ssub.s32 @!p1 s21, s17;
	s21 =	sadd.s32 @!p1 $0xFFFFFC80, s18  }
0x2e: {  	s19 =	simm.s32 @!p2 $0x0;
	p3 =	sgt.s32 @!p1 s21, $0x7F  }
0x2f: {  	s20 =	sadd.s32 @!p1 $0xFFFFFC98, s17;
	s18 =	ssub.s32 @!p1 $0x400, s18;
	p3 =	por !p3, p1  }
0x30: {  	p2 =	sgt.s32 @!p1 s20, $0x7F;
	s20 =	sadd.s32 $0x200, s13;
	s18 =	simm.s32 @!p3 $0x0  }
0x31: {  	p3 =	sgt.s32 s20, $0x3E7;
	s18 =	smul.u32 @!p1 s18, s19;
	s19 =	simm.s32 $0x1  }
0x32: {  	s17 =	ssub.s32 @!p1 $0x3E8, s17;
	p2 =	por !p2, p1;
	s19 =	simm.s32 @!p3 $0x0  }
0x33: {  	s22 =	smov.u32 s15;
	s17 =	simm.s32 @!p2 $0x0;
	s21 =	sadd.s32 s19, s14  }
0x34: {  	s17 =	smul.u32 @!p1 s17, s18;
	s18 =	sadd.s32 $0x400, s15;
	p2 =	sgt.s32 s21, $0x31  }
0x35: {  	p0 =	por !p0, !p0;
	s23 =	simm.s32 @!p1 $0x2;
	s22 =	smov.u32 @p2 s18  }
0x36: {  	s20 =	smov.u32 @p3 s7;
	s21 =	simm.s32 @p2 $0x0;
	p2 =	sgt.s32 s22, $0x3FF  }
0x37: {  	s19 =	smov.u32 s11;
	s22 =	smov.u32 @p2 s3;
	p2 =	sne.s32 s16, s8  }
.Ltmp1:
0x38: {  	s11 =	smov.u32 s14;
	s17 =	sand.u32 @!p1 $0x3FFFFFFF, s17;
	(pc) =	sbr.rel @!p2 .LBB1_6-.Ltmp1, $4  }
0x39: {  	s18 =	smov.u32 s12;
	s12 =	smov.u32 s15;
	_ =	swait.ge @!p1 [sflag:s23], s17  }
0x3a: {  	s24 =	ssub.s32 @!p1 $0x0, s17;
	s17 =	smov.u32 s10;
	s10 =	smov.u32 s13  }
0x3b: {  	s13 =	smov.u32 s20;
	s14 =	smov.u32 s21;
	[sflag:s23] =	ssyncset.done @!p1 $0x0  }
0x3c: {  	s16 =	sadd.s32 $0x1, s16;
	[sflag:s23] =	ssyncadd.s32 @!p1 s24;
	s15 =	smov.u32 s22  }
.LBB1_1:
0x3d: {  	p1 =	sge.u32 s16, s6  }
0x3e: {  	s20 =	sshll.u32 @!p1 s14, $0xA  }
0x3f: {  	s21 =	sshll.u32 @!p1 s13, $0x3;
	s20 =	sand.u32 @!p1 $0xFFFFE000, s20  }
0x40: {  	s20 =	sadd.s32 @!p1 s20, s21  }
0x41: {  	s20 =	sshrl.u32 @!p1 s20, $0xA  }
0x42: {  	s21 =	smulhi.u32 @!p1 $0x4924925, s20  }
0x43: {  	s22 =	sshll.u32 @!p1 s14, $0x7;
	s24 =	smul.u32 @!p1 $0x1C00, s15  }
0x44: {  	s23 =	sand.u32 @!p1 $0x78, s13;
	s22 =	sand.u32 @!p1 $0x380, s22;
	s21 =	smul.u32 @!p1 $0x38, s21  }
0x45: {  	s31 =	sadd.s32 $0xFFFFFFFF, s16;
	s22 =	sor.u32 @!p1 s23, s22;
	s23 =	sadd.s32 @!p1 s4, s24  }
0x46: {  	s22 =	sshrl.u32 @!p1 s22, $0x3;
	s20 =	ssub.s32 @!p1 s20, s21;
	s21 =	sxor.u32 @!p1 $0xFFFFFFFF, s16  }
0x47: {  	s22 =	sadd.s32 @!p1 s22, s23;
	s23 =	sand.u32 @!p1 $0x7, s13;
	s21 =	sshll.u32 @!p1 s21, $0xE  }
0x48: {  	s23 =	sshll.u32 @!p1 s23, $0x12;
	s20 =	sshll.u32 @!p1 s20, $0x7;
	s21 =	sand.u32 @!p1 $0x4000, s21  }
0x49: {  	s20 =	sadd.s32 @!p1 s20, s22;
	s22 =	sor.u32 @!p1 $0x80, s23;
	s23 =	simm.s32 @!p1 $0xE000  }
0x4a: {  	[tilespmem:s21], [sflag:$0x1] =	stream.strided.gather @!p1 [hbm4b:s20+s22], $0x4000, s23, s22, $0x38;
	[tilespmem:$0x10100] =	vst v63  }
0x4b: {  	p1 =	sge.u32 s31, s6  }
.Ltmp2:
0x4c: {  	_ = 	snop;
	(pc) =	sbr.rel @p1 .LBB1_5-.Ltmp2, $1  }
0x4d: {  	_ =	sdelay $0x3  }
0x4e: {  	s20 =	simm.s32 $0x1  }
0x4f: {  	_ =	swait.ge [sflag:s5], $0x4000;
	s20 =	simm.s32 @!p0 $0x0  }
0x50: {  	[sflag:s5] =	ssyncset.done $0x0;
	s21 =	sshll.u32 s20, $0xE  }
0x51: {  	[sflag:s5] =	ssyncadd.s32 $0xFFFFC000;
	s21 =	sor.u32 $0x40, s21  }
0x52: {  	s20 =	smul.u32 $0x10200, s20;
	v0 =	vld [tilespmem:s21+$0x30]  }
0x53: {  	v1 =	vld [tilespmem:s21+$0xFFFFFFD0]  }
0x54: {  	s20 =	sshrl.u32 s20, $0x2;
	v5 =	vld [tilespmem:s21+$0xFFFFFFE0]  }
0x55: {  	v6 =	vld [tilespmem:s21+$0xFFFFFFF0];
	s23 =	sor.u32 $0x8000, s20  }
0x56: {  	s31 =	sand.u32 $0x1, s16;
	v4 =	vld [tilespmem:s21+$0x0];
	s22 =	sadd.s32 $0x0, s23  }
0x57: {  	v3 =	vld [tilespmem:s21+$0x10];
	s20 =	smul.u32 $0x10200, s31;
	[tilespmem:s22+$0x3870 ss:$0x81] =	vst.msk $0xffff, v0  }
0x58: {  	v2 =	vld [tilespmem:s21+$0x20];
	[tilespmem:s22+$0x810 ss:$0x81] =	vst.msk $0xffff, v1  }
0x59: {  	s20 =	sshrl.u32 s20, $0x2;
	v1 =	vld [tilespmem:s21+$0xFFFFFFC0];
	[tilespmem:s22+$0x1020 ss:$0x81] =	vst.msk $0xffff, v5;
	s21 =	sadd.s32 $0x80, s21  }
0x5a: {  	s24 =	simm.s32 $0x4;
	s25 =	simm.s32 $0x8;
	s20 =	sor.u32 $0x8000, s20;
	[tilespmem:s22+$0x1830 ss:$0x81] =	vst.msk $0xffff, v6;
	v0 =	vld [tilespmem:s21+$0x30]  }
.LBB1_3:
0x5b: {  	p1 =	sne.s32 s25, $0x1FC;
	v5 =	vld [tilespmem:s21+$0xFFFFFFD0];
	[tilespmem:s22+$0x2040 ss:$0x81] =	vst.msk $0xffff, v4  }
0x5c: {  	v6 =	vld [tilespmem:s21+$0xFFFFFFE0];
	[tilespmem:s22+$0x2850 ss:$0x81] =	vst.msk $0xffff, v3  }
0x5d: {  	s26 =	sshra.s32 s24, $0x2;
	s24 =	smov.u32 s25;
	v7 =	vld [tilespmem:s21+$0xFFFFFFF0];
	[tilespmem:s22+$0x3060 ss:$0x81] =	vst.msk $0xffff, v2  }
.Ltmp3:
0x5e: {  	v4 =	vld [tilespmem:s21+$0x0];
	[tilespmem:s22+$0x0 ss:$0x81] =	vst.msk $0xffff, v1;
	s22 =	sadd.s32 s26, s23;
	(pc) =	sbr.rel @p1 .LBB1_3-.Ltmp3, $4  }
0x5f: {  	v3 =	vld [tilespmem:s21+$0x10];
	[tilespmem:s22+$0x3870 ss:$0x81] =	vst.msk $0xffff, v0  }
0x60: {  	[tilespmem:s22+$0x810 ss:$0x81] =	vst.msk $0xffff, v5;
	v2 =	vld [tilespmem:s21+$0x20]  }
0x61: {  	v1 =	vld [tilespmem:s21+$0xFFFFFFC0];
	[tilespmem:s22+$0x1020 ss:$0x81] =	vst.msk $0xffff, v6;
	s21 =	sadd.s32 $0x80, s21  }
0x62: {  	s25 =	sadd.s32 $0x4, s25;
	v0 =	vld [tilespmem:s21+$0x30];
	[tilespmem:s22+$0x1830 ss:$0x81] =	vst.msk $0xffff, v7  }
.Ltmp4:
0x63: {  	_ = 	snop;
	(pc) =	sbr.rel .LBB1_4-.Ltmp4, $1  }
0x64: {  	_ =	sdelay $0x3  }
.LBB1_6:
0x65: {  	_ =	sfence.sel $0x180000  }
0x66: {  	s2 =	simm.s32 $0x1;
	[bflag:$0x0] =	sbarrier.arrive $0xFFFF  }
0x67: {  	s31 =	simm.s32 $0x2;
	[sflag:s2] =	ssyncpa.u1 $0x1  }
0x68: {  	[sflag:s31] =	ssyncpa.u1 $0x1  }
0x69: {  	p0 =	sne.s32 s0, $0x0;
	_ =	strace $0x9000004A  }
0x6a: {  	s0 =	sadd.s32 @!p0 $0x100000, s1;
	[bflag:$0x2] =	sbarrier.arrive $0xFFFF  }
0x6b: {  	[sflag:s0] =	ssyncadd.tile.s32 @!p0 $0x1;
	_ =	shalt  }
.Lfunc_end1:
_tile_overlayer_lowered:
.L_overlay_start_2:
0x6c: {  	(tag) =	ssettag $0x2  }
0x6d: {  	s0 =	rddreg [dreg:$0x0];
	s2 =	stileid.u32  }
0x6e: {  	s1 =	rddreg [dreg:$0x1];
	p0 =	sne.s32 s2, $0x0  }
0x6f: {  	s3 =	rddreg [dreg:$0x2];
	[bflag:$0x3] =	sbarrier.arrive $0xFFFF;
	s2 =	simm.s32 @!p0 $0x1C01  }
0x70: {  	[timem:s3], [sflag:s2] =	dma.local @!p0 [hbm:s0], s1  }
0x71: {  	s0 =	simm.s32 @!p0 $0x1  }
0x72: {  	_ =	swait.ge @!p0 [sflag:s0], s1  }
0x73: {  	s1 =	ssub.s32 @!p0 $0x0, s1;
	[sflag:s0] =	ssyncset.done @!p0 $0x0  }
0x74: {  	[sflag:s0] =	ssyncadd.s32 @!p0 s1  }
0x75: {  	[bflag:$0x3] =	sbarrier.arrive $0xFFFF  }
0x76: {  	_ =	shalt  }

</sc_bundles>
